<compile_context>
chip_gen: v7x
topology: tpu7x:2x2x1
jax: 0.10.2.dev20260603
libtpu: 0.0.44.dev20260713+nightly
codegen_flags: <defaults>
</compile_context>

<pallas_src>
import functools

import jax
import jax.numpy as jnp
from jax import lax
from jax.experimental import pallas as pl
from jax.experimental.pallas import tpu as pltpu
from jax.experimental.pallas import tpu_sc as plsc

F = 26
V = 100000
D = 32
B = 4096
L = 20

NC = 2
NS = 16
NW = NC * NS

BAGS_PER_W = B // NW
CB = 32
NQ = BAGS_PER_W // CB
NSTEP = NQ * F
N_IDX = CB * L
N_GATHER = N_IDX // 128


def _make_kernel():
  mesh = plsc.VectorSubcoreMesh(
      core_axis_name="c", subcore_axis_name="s",
      num_cores=NC, num_subcores=NS)

  @functools.partial(
      pl.kernel,
      out_type=jax.ShapeDtypeStruct((B, F * D), jnp.float32),
      mesh=mesh,
      compiler_params=pltpu.CompilerParams(use_tc_tiling_on_sc=False),
      scratch_types=[
          [pltpu.VMEM((N_IDX,), jnp.int32) for _ in range(4)],
          [pltpu.VMEM((N_IDX, D), jnp.float32) for _ in range(2)],
          pltpu.VMEM((CB, F * D), jnp.float32),
          [pltpu.SemaphoreType.DMA for _ in range(4)],
          [pltpu.SemaphoreType.DMA for _ in range(2)],
      ],
  )
  def kern(tab_hbm, idx_hbm, out_hbm, idx_bufs, rows_bufs, stage_v,
           idx_sems, row_sems):
    wid = lax.axis_index("s") * NC + lax.axis_index("c")
    b0w = wid * BAGS_PER_W

    def idx_src(t):
      f = t % F
      q = t // F
      off = f * (B * L) + (b0w + q * CB) * L
      return idx_hbm.at[pl.ds(pl.multiple_of(off, N_IDX), N_IDX)]

    def fire_idx(t, k):
      pltpu.async_copy(idx_src(t), idx_bufs[k], idx_sems[k])

    def drain_idx(k):
      pltpu.make_async_copy(
          idx_hbm.at[pl.ds(0, N_IDX)], idx_bufs[k], idx_sems[k]).wait()

    def addoff(t, k):
      off = (t % F) * V
      buf = idx_bufs[k]

      def body(j, c):
        buf[pl.ds(j * 16, 16)] = buf[pl.ds(j * 16, 16)] + off
        return c

      lax.fori_loop(0, N_IDX // 16, body, 0)

    def fire_gathers(k, r):
      for g in range(N_GATHER):
        pltpu.async_copy(
            tab_hbm.at[idx_bufs[k].at[pl.ds(g * 128, 128)]],
            rows_bufs[r].at[pl.ds(g * 128, 128)],
            row_sems[r])

    def drain_gathers(r):
      for g in range(N_GATHER):
        pltpu.make_async_copy(
            tab_hbm.at[pl.ds(0, 128)],
            rows_bufs[r].at[pl.ds(g * 128, 128)],
            row_sems[r]).wait()

    def reduce_step(t, r):
      f = t % F
      rows = rows_bufs[r]
      col = f * D

      def bag(c, carry):
        base = c * L
        p0 = [rows[base + l, pl.ds(0, 16)] for l in range(4)]
        p1 = [rows[base + l, pl.ds(16, 16)] for l in range(4)]
        for l in range(4, L):
          p0[l % 4] = p0[l % 4] + rows[base + l, pl.ds(0, 16)]
          p1[l % 4] = p1[l % 4] + rows[base + l, pl.ds(16, 16)]
        stage_v[c, pl.ds(col, 16)] = (p0[0] + p0[1]) + (p0[2] + p0[3])
        stage_v[c, pl.ds(col + 16, 16)] = (p1[0] + p1[1]) + (p1[2] + p1[3])
        return carry

      lax.fori_loop(0, CB, bag, 0)

      @pl.when(f == F - 1)
      def _():
        q = t // F
        pltpu.sync_copy(stage_v, out_hbm.at[pl.ds(b0w + q * CB, CB)])

    fire_idx(0, 0)
    fire_idx(1, 1)
    fire_idx(2, 2)
    drain_idx(0)
    addoff(0, 0)
    fire_gathers(0, 0)

    last = NSTEP - 1

    def pair4(i, carry):
      for u in range(4):
        j = 4 * i + u
        kj1 = (u + 1) % 4
        kj3 = (u + 3) % 4
        rj = u % 2
        rj1 = (u + 1) % 2
        tj1 = jnp.minimum(j + 1, last)
        tj3 = jnp.minimum(j + 3, last)
        drain_idx(kj1)
        addoff(tj1, kj1)
        fire_gathers(kj1, rj1)
        fire_idx(tj3, kj3)
        drain_gathers(rj)
        reduce_step(j, rj)
      return carry

    lax.fori_loop(0, NSTEP // 4, pair4, 0)

    drain_gathers(0)
    drain_idx(1)
    drain_idx(2)

  return kern


_kern = _make_kernel()


@jax.jit
def kernel(indices, tables):
  idx_flat = indices.reshape(F * B * L).astype(jnp.int32)
  tab_flat = tables.reshape(F * V, D)
  out = _kern(tab_flat, idx_flat)
  return out.reshape(B, F, D)

# --- scband reference (transcript-rebuilt; emitter-appended) ---
"""Pipeline reference for scband-sparse-arch-36292473651200 (READ-ONLY COPY).

The authoritative reference and input builder live on the scoring server;
editing this copy changes nothing except your own understanding.
"""

import jax, jax.numpy as jnp
import numpy as np

F = 26
V = 100000
D = 32
B = 4096
L = 20

def setup_inputs(seed: int = 0) -> dict:
    key = jax.random.key(seed)
    k1, k2 = jax.random.split(key)
    indices = jax.random.randint(k1, (F, B, L), 0, V, dtype=jnp.int64)
    # Learned parameters: one embedding table per sparse feature, stacked [F, V, D]
    tables = jax.random.normal(k2, (F, V, D), dtype=jnp.float32) * 0.01
    return {"indices": indices, "tables": tables}

def reference(indices, tables):
    # EmbeddingBagCollection with sum pooling per bag, per feature.
    # tables: [F, V, D]; indices: [F, B, L] -> pooled [F, B, D]
    def one_table(tb, idx):
        gathered = jnp.take(tb, idx, axis=0)  # [B, L, D]
        return gathered.sum(axis=1)           # [B, D]
    pooled = jax.vmap(one_table)(tables, indices)  # [F, B, D]
    # SparseArch: cat per-feature pooled embeddings along dim=1 then reshape -> [B, F, D]
    out = jnp.transpose(pooled, (1, 0, 2))
    return out

if __name__ == "__main__":
    import jax
    _d = setup_inputs()
    print(jax.jit(kernel)(*tuple(_d.values())))

</pallas_src>

<mosaic_0001>
#map = affine_map<(d0, d1) -> (0, 0)>
#map1 = affine_map<(d0, d1) -> (0)>
module attributes {stable_mosaic.version = 14 : i64} {
  func.func @kern(%arg0: i32, %arg1: i32, %arg2: memref<2600000x32xf32, #tpu.memory_space<hbm>>, %arg3: memref<2129920xi32, #tpu.memory_space<hbm>>, %arg4: memref<4096x832xf32, #tpu.memory_space<hbm>>, %arg5: memref<640xi32, #tpu.memory_space<vmem>>, %arg6: memref<640xi32, #tpu.memory_space<vmem>>, %arg7: memref<640xi32, #tpu.memory_space<vmem>>, %arg8: memref<640xi32, #tpu.memory_space<vmem>>, %arg9: memref<640x32xf32, #tpu.memory_space<vmem>>, %arg10: memref<640x32xf32, #tpu.memory_space<vmem>>, %arg11: memref<32x832xf32, #tpu.memory_space<vmem>>, %arg12: memref<!tpu.dma_semaphore, #tpu.memory_space<semaphore_mem>>, %arg13: memref<!tpu.dma_semaphore, #tpu.memory_space<semaphore_mem>>, %arg14: memref<!tpu.dma_semaphore, #tpu.memory_space<semaphore_mem>>, %arg15: memref<!tpu.dma_semaphore, #tpu.memory_space<semaphore_mem>>, %arg16: memref<!tpu.dma_semaphore, #tpu.memory_space<semaphore_mem>>, %arg17: memref<!tpu.dma_semaphore, #tpu.memory_space<semaphore_mem>>) attributes {dimension_semantics = [#tpu.dimension_semantics<core_parallel>, #tpu.dimension_semantics<subcore_parallel>], iteration_bounds = array<i64: 2, 16>, scalar_prefetch = 0 : i64, scratch_operands = 13 : i64, tpu.core_type = #tpu.core_type<sc_vector_subcore>, window_params = [{transform_indices = #map}, {transform_indices = #map1}, {transform_indices = #map}]} {
    %mul3A = arith.constant 2 : i32
    %mul3A_0 = arith.muli %arg1, %mul3A : i32
    %add3A = arith.addi %mul3A_0, %arg0 : i32
    %mul3A_1 = arith.constant 128 : i32
    %mul3A_2 = arith.muli %add3A, %mul3A_1 : i32
    %add3A_3 = arith.constant 0 : i32
    %add3A_4 = arith.addi %mul3A_2, %add3A_3 : i32
    %mul3A_5 = arith.constant 20 : i32
    %mul3A_6 = arith.muli %add3A_4, %mul3A_5 : i32
    %add3A_7 = arith.constant 0 : i32
    %add3A_8 = arith.addi %add3A_7, %mul3A_6 : i32
    %multiple_of3A = tpu.assume_multiple %add3A_8, 640 : i32
    %dma_start3A = tpu.memref_slice %arg3[%multiple_of3A] : memref<2129920xi32, #tpu.memory_space<hbm>> -> memref<640xi32, #tpu.memory_space<hbm>>
    %dma_start3A_9 = tpu.memref_slice %arg3[%multiple_of3A] : memref<2129920xi32, #tpu.memory_space<hbm>> -> memref<640xi32, #tpu.memory_space<hbm>>
    tpu.enqueue_dma source(%dma_start3A_9 : memref<640xi32, #tpu.memory_space<hbm>>) target(%arg5 : memref<640xi32, #tpu.memory_space<vmem>>) target_semaphore(%arg12 : memref<!tpu.dma_semaphore, #tpu.memory_space<semaphore_mem>>)
    %add3A_10 = arith.constant 0 : i32
    %add3A_11 = arith.addi %mul3A_2, %add3A_10 : i32
    %mul3A_12 = arith.constant 20 : i32
    %mul3A_13 = arith.muli %add3A_11, %mul3A_12 : i32
    %add3A_14 = arith.constant 81920 : i32
    %add3A_15 = arith.addi %add3A_14, %mul3A_13 : i32
    %multiple_of3A_16 = tpu.assume_multiple %add3A_15, 640 : i32
    %dma_start3A_17 = tpu.memref_slice %arg3[%multiple_of3A_16] : memref<2129920xi32, #tpu.memory_space<hbm>> -> memref<640xi32, #tpu.memory_space<hbm>>
    %dma_start3A_18 = tpu.memref_slice %arg3[%multiple_of3A_16] : memref<2129920xi32, #tpu.memory_space<hbm>> -> memref<640xi32, #tpu.memory_space<hbm>>
    tpu.enqueue_dma source(%dma_start3A_18 : memref<640xi32, #tpu.memory_space<hbm>>) target(%arg6 : memref<640xi32, #tpu.memory_space<vmem>>) target_semaphore(%arg13 : memref<!tpu.dma_semaphore, #tpu.memory_space<semaphore_mem>>)
    %add3A_19 = arith.constant 0 : i32
    %add3A_20 = arith.addi %mul3A_2, %add3A_19 : i32
    %mul3A_21 = arith.constant 20 : i32
    %mul3A_22 = arith.muli %add3A_20, %mul3A_21 : i32
    %add3A_23 = arith.constant 163840 : i32
    %add3A_24 = arith.addi %add3A_23, %mul3A_22 : i32
    %multiple_of3A_25 = tpu.assume_multiple %add3A_24, 640 : i32
    %dma_start3A_26 = tpu.memref_slice %arg3[%multiple_of3A_25] : memref<2129920xi32, #tpu.memory_space<hbm>> -> memref<640xi32, #tpu.memory_space<hbm>>
    %dma_start3A_27 = tpu.memref_slice %arg3[%multiple_of3A_25] : memref<2129920xi32, #tpu.memory_space<hbm>> -> memref<640xi32, #tpu.memory_space<hbm>>
    tpu.enqueue_dma source(%dma_start3A_27 : memref<640xi32, #tpu.memory_space<hbm>>) target(%arg7 : memref<640xi32, #tpu.memory_space<vmem>>) target_semaphore(%arg14 : memref<!tpu.dma_semaphore, #tpu.memory_space<semaphore_mem>>)
    %dma_wait3A = arith.constant 0 : i32
    %dma_wait3A_28 = tpu.memref_slice %arg3[%dma_wait3A] : memref<2129920xi32, #tpu.memory_space<hbm>> -> memref<640xi32, #tpu.memory_space<hbm>>
    %dma_wait3A_29 = arith.constant 0 : i32
    %dma_wait3A_30 = tpu.memref_slice %arg3[%dma_wait3A_29] : memref<2129920xi32, #tpu.memory_space<hbm>> -> memref<640xi32, #tpu.memory_space<hbm>>
    tpu.wait_dma2 semaphore(%arg12 : memref<!tpu.dma_semaphore, #tpu.memory_space<semaphore_mem>>) src(%dma_wait3A_30 : memref<640xi32, #tpu.memory_space<hbm>>) dst(%arg5 : memref<640xi32, #tpu.memory_space<vmem>>)
    %scan3A = arith.constant 0 : i32
    %scan3A_31 = arith.constant 0 : i32
    %scan3A_32 = arith.constant 40 : i32
    %scan3A_33 = arith.addi %scan3A_31, %scan3A_32 : i32
    %scan3A_34 = arith.constant 1 : i32
    scf.for %scan3A_150 = %scan3A_31 to %scan3A_33 step %scan3A_34  : i32 {
      %mul3A_151 = arith.constant 16 : i32
      %mul3A_152 = arith.muli %scan3A_150, %mul3A_151 : i32
      %get3A = arith.index_cast %mul3A_152 : i32 to index
      %get3A_153 = tpu.vector_load %arg5[%get3A] {strides = array<i32>} : memref<640xi32, #tpu.memory_space<vmem>>, vector<16xi32>,
      %get3A_154 = vector.shape_cast %get3A_153 : vector<16xi32> to vector<16xi32>
      %add3A_155 = arith.constant 0 : i32
      %add3A_156 = vector.broadcast %add3A_155 : i32 to vector<16xi32>
      %add3A_157 = arith.addi %get3A_154, %add3A_156 : vector<16xi32>
      %mul3A_158 = arith.constant 16 : i32
      %mul3A_159 = arith.muli %scan3A_150, %mul3A_158 : i32
      %swap3A = arith.index_cast %mul3A_159 : i32 to index
      %swap3A_160 = tpu.vector_load %arg5[%swap3A] {strides = array<i32>} : memref<640xi32, #tpu.memory_space<vmem>>, vector<16xi32>,
      %swap3A_161 = vector.shape_cast %swap3A_160 : vector<16xi32> to vector<16xi32>
      %swap3A_162 = vector.shape_cast %add3A_157 : vector<16xi32> to vector<16xi32>
      tpu.vector_store %arg5[%swap3A], %swap3A_162 {strides = array<i32>} : memref<640xi32, #tpu.memory_space<vmem>>, vector<16xi32>,
    }
    %scan3A_35 = arith.constant 40 : i32
    %dma_start3A_36 = arith.constant 0 : i32
    %dma_start3A_37 = arith.constant 0 : i32
    %dma_start3A_38 = tpu.memref_slice %arg9[%dma_start3A_36, %dma_start3A_37] : memref<640x32xf32, #tpu.memory_space<vmem>> -> memref<128x32xf32, #tpu.memory_space<vmem>>
    %dma_start3A_39 = arith.constant 0 : i32
    %dma_start3A_40 = tpu.memref_slice %arg5[%dma_start3A_39] : memref<640xi32, #tpu.memory_space<vmem>> -> memref<128xi32, #tpu.memory_space<vmem>>
    %dma_start3A_41 = arith.constant 0 : i32
    %dma_start3A_42 = arith.constant 0 : i32
    %dma_start3A_43 = tpu.memref_slice %arg2[%dma_start3A_41, %dma_start3A_42] : memref<2600000x32xf32, #tpu.memory_space<hbm>> -> memref<2600000x32xf32, #tpu.memory_space<hbm>>
    tpu.enqueue_indirect_dma source(%dma_start3A_43 : memref<2600000x32xf32, #tpu.memory_space<hbm>>) target(%dma_start3A_38 : memref<128x32xf32, #tpu.memory_space<vmem>>) offsets(%dma_start3A_40 : memref<128xi32, #tpu.memory_space<vmem>>) semaphore(%arg16 : memref<!tpu.dma_semaphore, #tpu.memory_space<semaphore_mem>>)
    %dma_start3A_44 = arith.constant 128 : i32
    %dma_start3A_45 = arith.constant 0 : i32
    %dma_start3A_46 = tpu.memref_slice %arg9[%dma_start3A_44, %dma_start3A_45] : memref<640x32xf32, #tpu.memory_space<vmem>> -> memref<128x32xf32, #tpu.memory_space<vmem>>
    %dma_start3A_47 = arith.constant 128 : i32
    %dma_start3A_48 = tpu.memref_slice %arg5[%dma_start3A_47] : memref<640xi32, #tpu.memory_space<vmem>> -> memref<128xi32, #tpu.memory_space<vmem>>
    %dma_start3A_49 = arith.constant 0 : i32
    %dma_start3A_50 = arith.constant 0 : i32
    %dma_start3A_51 = tpu.memref_slice %arg2[%dma_start3A_49, %dma_start3A_50] : memref<2600000x32xf32, #tpu.memory_space<hbm>> -> memref<2600000x32xf32, #tpu.memory_space<hbm>>
    tpu.enqueue_indirect_dma source(%dma_start3A_51 : memref<2600000x32xf32, #tpu.memory_space<hbm>>) target(%dma_start3A_46 : memref<128x32xf32, #tpu.memory_space<vmem>>) offsets(%dma_start3A_48 : memref<128xi32, #tpu.memory_space<vmem>>) semaphore(%arg16 : memref<!tpu.dma_semaphore, #tpu.memory_space<semaphore_mem>>)
    %dma_start3A_52 = arith.constant 256 : i32
    %dma_start3A_53 = arith.constant 0 : i32
    %dma_start3A_54 = tpu.memref_slice %arg9[%dma_start3A_52, %dma_start3A_53] : memref<640x32xf32, #tpu.memory_space<vmem>> -> memref<128x32xf32, #tpu.memory_space<vmem>>
    %dma_start3A_55 = arith.constant 256 : i32
    %dma_start3A_56 = tpu.memref_slice %arg5[%dma_start3A_55] : memref<640xi32, #tpu.memory_space<vmem>> -> memref<128xi32, #tpu.memory_space<vmem>>
    %dma_start3A_57 = arith.constant 0 : i32
    %dma_start3A_58 = arith.constant 0 : i32
    %dma_start3A_59 = tpu.memref_slice %arg2[%dma_start3A_57, %dma_start3A_58] : memref<2600000x32xf32, #tpu.memory_space<hbm>> -> memref<2600000x32xf32, #tpu.memory_space<hbm>>
    tpu.enqueue_indirect_dma source(%dma_start3A_59 : memref<2600000x32xf32, #tpu.memory_space<hbm>>) target(%dma_start3A_54 : memref<128x32xf32, #tpu.memory_space<vmem>>) offsets(%dma_start3A_56 : memref<128xi32, #tpu.memory_space<vmem>>) semaphore(%arg16 : memref<!tpu.dma_semaphore, #tpu.memory_space<semaphore_mem>>)
    %dma_start3A_60 = arith.constant 384 : i32
    %dma_start3A_61 = arith.constant 0 : i32
    %dma_start3A_62 = tpu.memref_slice %arg9[%dma_start3A_60, %dma_start3A_61] : memref<640x32xf32, #tpu.memory_space<vmem>> -> memref<128x32xf32, #tpu.memory_space<vmem>>
    %dma_start3A_63 = arith.constant 384 : i32
    %dma_start3A_64 = tpu.memref_slice %arg5[%dma_start3A_63] : memref<640xi32, #tpu.memory_space<vmem>> -> memref<128xi32, #tpu.memory_space<vmem>>
    %dma_start3A_65 = arith.constant 0 : i32
    %dma_start3A_66 = arith.constant 0 : i32
    %dma_start3A_67 = tpu.memref_slice %arg2[%dma_start3A_65, %dma_start3A_66] : memref<2600000x32xf32, #tpu.memory_space<hbm>> -> memref<2600000x32xf32, #tpu.memory_space<hbm>>
    tpu.enqueue_indirect_dma source(%dma_start3A_67 : memref<2600000x32xf32, #tpu.memory_space<hbm>>) target(%dma_start3A_62 : memref<128x32xf32, #tpu.memory_space<vmem>>) offsets(%dma_start3A_64 : memref<128xi32, #tpu.memory_space<vmem>>) semaphore(%arg16 : memref<!tpu.dma_semaphore, #tpu.memory_space<semaphore_mem>>)
    %dma_start3A_68 = arith.constant 512 : i32
    %dma_start3A_69 = arith.constant 0 : i32
    %dma_start3A_70 = tpu.memref_slice %arg9[%dma_start3A_68, %dma_start3A_69] : memref<640x32xf32, #tpu.memory_space<vmem>> -> memref<128x32xf32, #tpu.memory_space<vmem>>
    %dma_start3A_71 = arith.constant 512 : i32
    %dma_start3A_72 = tpu.memref_slice %arg5[%dma_start3A_71] : memref<640xi32, #tpu.memory_space<vmem>> -> memref<128xi32, #tpu.memory_space<vmem>>
    %dma_start3A_73 = arith.constant 0 : i32
    %dma_start3A_74 = arith.constant 0 : i32
    %dma_start3A_75 = tpu.memref_slice %arg2[%dma_start3A_73, %dma_start3A_74] : memref<2600000x32xf32, #tpu.memory_space<hbm>> -> memref<2600000x32xf32, #tpu.memory_space<hbm>>
    tpu.enqueue_indirect_dma source(%dma_start3A_75 : memref<2600000x32xf32, #tpu.memory_space<hbm>>) target(%dma_start3A_70 : memref<128x32xf32, #tpu.memory_space<vmem>>) offsets(%dma_start3A_72 : memref<128xi32, #tpu.memory_space<vmem>>) semaphore(%arg16 : memref<!tpu.dma_semaphore, #tpu.memory_space<semaphore_mem>>)
    %scan3A_76 = arith.constant 0 : i32
    %scan3A_77 = arith.constant 0 : i32
    %scan3A_78 = arith.constant 26 : i32
    %scan3A_79 = arith.addi %scan3A_77, %scan3A_78 : i32
    %scan3A_80 = arith.constant 1 : i32
    scf.for %scan3A_150 = %scan3A_77 to %scan3A_79 step %scan3A_80  : i32 {
      %mul3A_151 = arith.constant 4 : i32
      %mul3A_152 = arith.muli %mul3A_151, %scan3A_150 : i32
      %add3A_153 = arith.constant 0 : i32
      %add3A_154 = arith.addi %mul3A_152, %add3A_153 : i32
      %add3A_155 = arith.constant 1 : i32
      %add3A_156 = arith.addi %add3A_154, %add3A_155 : i32
      %min3A = arith.constant 103 : i32
      %min3A_157 = arith.minsi %add3A_156, %min3A : i32
      %add3A_158 = arith.constant 3 : i32
      %add3A_159 = arith.addi %add3A_154, %add3A_158 : i32
      %min3A_160 = arith.constant 103 : i32
      %min3A_161 = arith.minsi %add3A_159, %min3A_160 : i32
      %dma_wait3A_162 = arith.constant 0 : i32
      %dma_wait3A_163 = tpu.memref_slice %arg3[%dma_wait3A_162] : memref<2129920xi32, #tpu.memory_space<hbm>> -> memref<640xi32, #tpu.memory_space<hbm>>
      %dma_wait3A_164 = arith.constant 0 : i32
      %dma_wait3A_165 = tpu.memref_slice %arg3[%dma_wait3A_164] : memref<2129920xi32, #tpu.memory_space<hbm>> -> memref<640xi32, #tpu.memory_space<hbm>>
      tpu.wait_dma2 semaphore(%arg13 : memref<!tpu.dma_semaphore, #tpu.memory_space<semaphore_mem>>) src(%dma_wait3A_165 : memref<640xi32, #tpu.memory_space<hbm>>) dst(%arg6 : memref<640xi32, #tpu.memory_space<vmem>>)
      %jit3A = arith.constant 26 : i32
      %eq3A = arith.constant 0 : i32
      %eq3A_166 = arith.cmpi eq, %jit3A, %eq3A : i32
      %jit3A_167 = arith.constant 1 : i32
      %select_n3A = arith.select %eq3A_166, %jit3A_167, %jit3A : i32
      %rem3A = arith.remsi %min3A_157, %select_n3A : i32
      %ne3A = arith.constant 0 : i32
      %ne3A_168 = arith.cmpi ne, %rem3A, %ne3A : i32
      %lt3A = arith.constant 0 : i32
      %lt3A_169 = arith.cmpi slt, %rem3A, %lt3A : i32
      %lt3A_170 = arith.constant 0 : i32
      %lt3A_171 = arith.cmpi slt, %select_n3A, %lt3A_170 : i32
      %ne3A_172 = arith.xori %lt3A_169, %lt3A_171 : i1
      %and3A = arith.andi %ne3A_172, %ne3A_168 : i1
      %add3A_173 = arith.addi %rem3A, %select_n3A : i32
      %select_n3A_174 = arith.select %and3A, %add3A_173, %rem3A : i32
      %mul3A_175 = arith.constant 100000 : i32
      %mul3A_176 = arith.muli %select_n3A_174, %mul3A_175 : i32
      %scan3A_177 = arith.constant 0 : i32
      %scan3A_178 = arith.constant 0 : i32
      %scan3A_179 = arith.constant 40 : i32
      %scan3A_180 = arith.addi %scan3A_178, %scan3A_179 : i32
      %scan3A_181 = arith.constant 1 : i32
      scf.for %scan3A_1018 = %scan3A_178 to %scan3A_180 step %scan3A_181  : i32 {
        %mul3A_1019 = arith.constant 16 : i32
        %mul3A_1020 = arith.muli %scan3A_1018, %mul3A_1019 : i32
        %get3A = arith.index_cast %mul3A_1020 : i32 to index
        %get3A_1021 = tpu.vector_load %arg6[%get3A] {strides = array<i32>} : memref<640xi32, #tpu.memory_space<vmem>>, vector<16xi32>,
        %get3A_1022 = vector.shape_cast %get3A_1021 : vector<16xi32> to vector<16xi32>
        %add3A_1023 = vector.broadcast %mul3A_176 : i32 to vector<16xi32>
        %add3A_1024 = arith.addi %get3A_1022, %add3A_1023 : vector<16xi32>
        %mul3A_1025 = arith.constant 16 : i32
        %mul3A_1026 = arith.muli %scan3A_1018, %mul3A_1025 : i32
        %swap3A = arith.index_cast %mul3A_1026 : i32 to index
        %swap3A_1027 = tpu.vector_load %arg6[%swap3A] {strides = array<i32>} : memref<640xi32, #tpu.memory_space<vmem>>, vector<16xi32>,
        %swap3A_1028 = vector.shape_cast %swap3A_1027 : vector<16xi32> to vector<16xi32>
        %swap3A_1029 = vector.shape_cast %add3A_1024 : vector<16xi32> to vector<16xi32>
        tpu.vector_store %arg6[%swap3A], %swap3A_1029 {strides = array<i32>} : memref<640xi32, #tpu.memory_space<vmem>>, vector<16xi32>,
      }
      %scan3A_182 = arith.constant 40 : i32
      %dma_start3A_183 = arith.constant 0 : i32
      %dma_start3A_184 = arith.constant 0 : i32
      %dma_start3A_185 = tpu.memref_slice %arg10[%dma_start3A_183, %dma_start3A_184] : memref<640x32xf32, #tpu.memory_space<vmem>> -> memref<128x32xf32, #tpu.memory_space<vmem>>
      %dma_start3A_186 = arith.constant 0 : i32
      %dma_start3A_187 = tpu.memref_slice %arg6[%dma_start3A_186] : memref<640xi32, #tpu.memory_space<vmem>> -> memref<128xi32, #tpu.memory_space<vmem>>
      %dma_start3A_188 = arith.constant 0 : i32
      %dma_start3A_189 = arith.constant 0 : i32
      %dma_start3A_190 = tpu.memref_slice %arg2[%dma_start3A_188, %dma_start3A_189] : memref<2600000x32xf32, #tpu.memory_space<hbm>> -> memref<2600000x32xf32, #tpu.memory_space<hbm>>
      tpu.enqueue_indirect_dma source(%dma_start3A_190 : memref<2600000x32xf32, #tpu.memory_space<hbm>>) target(%dma_start3A_185 : memref<128x32xf32, #tpu.memory_space<vmem>>) offsets(%dma_start3A_187 : memref<128xi32, #tpu.memory_space<vmem>>) semaphore(%arg17 : memref<!tpu.dma_semaphore, #tpu.memory_space<semaphore_mem>>)
      %dma_start3A_191 = arith.constant 128 : i32
      %dma_start3A_192 = arith.constant 0 : i32
      %dma_start3A_193 = tpu.memref_slice %arg10[%dma_start3A_191, %dma_start3A_192] : memref<640x32xf32, #tpu.memory_space<vmem>> -> memref<128x32xf32, #tpu.memory_space<vmem>>
      %dma_start3A_194 = arith.constant 128 : i32
      %dma_start3A_195 = tpu.memref_slice %arg6[%dma_start3A_194] : memref<640xi32, #tpu.memory_space<vmem>> -> memref<128xi32, #tpu.memory_space<vmem>>
      %dma_start3A_196 = arith.constant 0 : i32
      %dma_start3A_197 = arith.constant 0 : i32
      %dma_start3A_198 = tpu.memref_slice %arg2[%dma_start3A_196, %dma_start3A_197] : memref<2600000x32xf32, #tpu.memory_space<hbm>> -> memref<2600000x32xf32, #tpu.memory_space<hbm>>
      tpu.enqueue_indirect_dma source(%dma_start3A_198 : memref<2600000x32xf32, #tpu.memory_space<hbm>>) target(%dma_start3A_193 : memref<128x32xf32, #tpu.memory_space<vmem>>) offsets(%dma_start3A_195 : memref<128xi32, #tpu.memory_space<vmem>>) semaphore(%arg17 : memref<!tpu.dma_semaphore, #tpu.memory_space<semaphore_mem>>)
      %dma_start3A_199 = arith.constant 256 : i32
      %dma_start3A_200 = arith.constant 0 : i32
      %dma_start3A_201 = tpu.memref_slice %arg10[%dma_start3A_199, %dma_start3A_200] : memref<640x32xf32, #tpu.memory_space<vmem>> -> memref<128x32xf32, #tpu.memory_space<vmem>>
      %dma_start3A_202 = arith.constant 256 : i32
      %dma_start3A_203 = tpu.memref_slice %arg6[%dma_start3A_202] : memref<640xi32, #tpu.memory_space<vmem>> -> memref<128xi32, #tpu.memory_space<vmem>>
      %dma_start3A_204 = arith.constant 0 : i32
      %dma_start3A_205 = arith.constant 0 : i32
      %dma_start3A_206 = tpu.memref_slice %arg2[%dma_start3A_204, %dma_start3A_205] : memref<2600000x32xf32, #tpu.memory_space<hbm>> -> memref<2600000x32xf32, #tpu.memory_space<hbm>>
      tpu.enqueue_indirect_dma source(%dma_start3A_206 : memref<2600000x32xf32, #tpu.memory_space<hbm>>) target(%dma_start3A_201 : memref<128x32xf32, #tpu.memory_space<vmem>>) offsets(%dma_start3A_203 : memref<128xi32, #tpu.memory_space<vmem>>) semaphore(%arg17 : memref<!tpu.dma_semaphore, #tpu.memory_space<semaphore_mem>>)
      %dma_start3A_207 = arith.constant 384 : i32
      %dma_start3A_208 = arith.constant 0 : i32
      %dma_start3A_209 = tpu.memref_slice %arg10[%dma_start3A_207, %dma_start3A_208] : memref<640x32xf32, #tpu.memory_space<vmem>> -> memref<128x32xf32, #tpu.memory_space<vmem>>
      %dma_start3A_210 = arith.constant 384 : i32
      %dma_start3A_211 = tpu.memref_slice %arg6[%dma_start3A_210] : memref<640xi32, #tpu.memory_space<vmem>> -> memref<128xi32, #tpu.memory_space<vmem>>
      %dma_start3A_212 = arith.constant 0 : i32
      %dma_start3A_213 = arith.constant 0 : i32
      %dma_start3A_214 = tpu.memref_slice %arg2[%dma_start3A_212, %dma_start3A_213] : memref<2600000x32xf32, #tpu.memory_space<hbm>> -> memref<2600000x32xf32, #tpu.memory_space<hbm>>
      tpu.enqueue_indirect_dma source(%dma_start3A_214 : memref<2600000x32xf32, #tpu.memory_space<hbm>>) target(%dma_start3A_209 : memref<128x32xf32, #tpu.memory_space<vmem>>) offsets(%dma_start3A_211 : memref<128xi32, #tpu.memory_space<vmem>>) semaphore(%arg17 : memref<!tpu.dma_semaphore, #tpu.memory_space<semaphore_mem>>)
      %dma_start3A_215 = arith.constant 512 : i32
      %dma_start3A_216 = arith.constant 0 : i32
      %dma_start3A_217 = tpu.memref_slice %arg10[%dma_start3A_215, %dma_start3A_216] : memref<640x32xf32, #tpu.memory_space<vmem>> -> memref<128x32xf32, #tpu.memory_space<vmem>>
      %dma_start3A_218 = arith.constant 512 : i32
      %dma_start3A_219 = tpu.memref_slice %arg6[%dma_start3A_218] : memref<640xi32, #tpu.memory_space<vmem>> -> memref<128xi32, #tpu.memory_space<vmem>>
      %dma_start3A_220 = arith.constant 0 : i32
      %dma_start3A_221 = arith.constant 0 : i32
      %dma_start3A_222 = tpu.memref_slice %arg2[%dma_start3A_220, %dma_start3A_221] : memref<2600000x32xf32, #tpu.memory_space<hbm>> -> memref<2600000x32xf32, #tpu.memory_space<hbm>>
      tpu.enqueue_indirect_dma source(%dma_start3A_222 : memref<2600000x32xf32, #tpu.memory_space<hbm>>) target(%dma_start3A_217 : memref<128x32xf32, #tpu.memory_space<vmem>>) offsets(%dma_start3A_219 : memref<128xi32, #tpu.memory_space<vmem>>) semaphore(%arg17 : memref<!tpu.dma_semaphore, #tpu.memory_space<semaphore_mem>>)
      %jit3A_223 = arith.constant 26 : i32
      %eq3A_224 = arith.constant 0 : i32
      %eq3A_225 = arith.cmpi eq, %jit3A_223, %eq3A_224 : i32
      %jit3A_226 = arith.constant 1 : i32
      %select_n3A_227 = arith.select %eq3A_225, %jit3A_226, %jit3A_223 : i32
      %rem3A_228 = arith.remsi %min3A_161, %select_n3A_227 : i32
      %ne3A_229 = arith.constant 0 : i32
      %ne3A_230 = arith.cmpi ne, %rem3A_228, %ne3A_229 : i32
      %lt3A_231 = arith.constant 0 : i32
      %lt3A_232 = arith.cmpi slt, %rem3A_228, %lt3A_231 : i32
      %lt3A_233 = arith.constant 0 : i32
      %lt3A_234 = arith.cmpi slt, %select_n3A_227, %lt3A_233 : i32
      %ne3A_235 = arith.xori %lt3A_232, %lt3A_234 : i1
      %and3A_236 = arith.andi %ne3A_235, %ne3A_230 : i1
      %add3A_237 = arith.addi %rem3A_228, %select_n3A_227 : i32
      %select_n3A_238 = arith.select %and3A_236, %add3A_237, %rem3A_228 : i32
      %jit3A_239 = arith.constant 26 : i32
      %div3A = arith.divsi %min3A_161, %jit3A_239 : i32
      %sign3A = arith.constant 0 : i32
      %sign3A_240 = arith.cmpi sgt, %min3A_161, %sign3A : i32
      %sign3A_241 = arith.extui %sign3A_240 : i1 to i32
      %sign3A_242 = arith.constant 0 : i32
      %sign3A_243 = arith.cmpi slt, %min3A_161, %sign3A_242 : i32
      %sign3A_244 = arith.extui %sign3A_243 : i1 to i32
      %sign3A_245 = arith.subi %sign3A_241, %sign3A_244 : i32
      %sign3A_246 = arith.constant 0 : i32
      %sign3A_247 = arith.cmpi sgt, %jit3A_239, %sign3A_246 : i32
      %sign3A_248 = arith.extui %sign3A_247 : i1 to i32
      %sign3A_249 = arith.constant 0 : i32
      %sign3A_250 = arith.cmpi slt, %jit3A_239, %sign3A_249 : i32
      %sign3A_251 = arith.extui %sign3A_250 : i1 to i32
      %sign3A_252 = arith.subi %sign3A_248, %sign3A_251 : i32
      %ne3A_253 = arith.cmpi ne, %sign3A_245, %sign3A_252 : i32
      %rem3A_254 = arith.remsi %min3A_161, %jit3A_239 : i32
      %ne3A_255 = arith.constant 0 : i32
      %ne3A_256 = arith.cmpi ne, %rem3A_254, %ne3A_255 : i32
      %and3A_257 = arith.andi %ne3A_253, %ne3A_256 : i1
      %sub3A = arith.constant 1 : i32
      %sub3A_258 = arith.subi %div3A, %sub3A : i32
      %select_n3A_259 = arith.select %and3A_257, %sub3A_258, %div3A : i32
      %mul3A_260 = arith.constant 81920 : i32
      %mul3A_261 = arith.muli %select_n3A_238, %mul3A_260 : i32
      %mul3A_262 = arith.constant 32 : i32
      %mul3A_263 = arith.muli %select_n3A_259, %mul3A_262 : i32
      %add3A_264 = arith.addi %mul3A_2, %mul3A_263 : i32
      %mul3A_265 = arith.constant 20 : i32
      %mul3A_266 = arith.muli %add3A_264, %mul3A_265 : i32
      %add3A_267 = arith.addi %mul3A_261, %mul3A_266 : i32
      %multiple_of3A_268 = tpu.assume_multiple %add3A_267, 640 : i32
      %dma_start3A_269 = tpu.memref_slice %arg3[%multiple_of3A_268] : memref<2129920xi32, #tpu.memory_space<hbm>> -> memref<640xi32, #tpu.memory_space<hbm>>
      %dma_start3A_270 = tpu.memref_slice %arg3[%multiple_of3A_268] : memref<2129920xi32, #tpu.memory_space<hbm>> -> memref<640xi32, #tpu.memory_space<hbm>>
      tpu.enqueue_dma source(%dma_start3A_270 : memref<640xi32, #tpu.memory_space<hbm>>) target(%arg8 : memref<640xi32, #tpu.memory_space<vmem>>) target_semaphore(%arg15 : memref<!tpu.dma_semaphore, #tpu.memory_space<semaphore_mem>>)
      %dma_wait3A_271 = arith.constant 0 : i32
      %dma_wait3A_272 = arith.constant 0 : i32
      %dma_wait3A_273 = tpu.memref_slice %arg9[%dma_wait3A_271, %dma_wait3A_272] : memref<640x32xf32, #tpu.memory_space<vmem>> -> memref<128x32xf32, #tpu.memory_space<vmem>>
      %dma_wait3A_274 = arith.constant 0 : i32
      %dma_wait3A_275 = arith.constant 0 : i32
      %dma_wait3A_276 = tpu.memref_slice %arg2[%dma_wait3A_274, %dma_wait3A_275] : memref<2600000x32xf32, #tpu.memory_space<hbm>> -> memref<128x32xf32, #tpu.memory_space<hbm>>
      %dma_wait3A_277 = arith.constant 0 : i32
      %dma_wait3A_278 = arith.constant 0 : i32
      %dma_wait3A_279 = tpu.memref_slice %arg9[%dma_wait3A_277, %dma_wait3A_278] : memref<640x32xf32, #tpu.memory_space<vmem>> -> memref<128x32xf32, #tpu.memory_space<vmem>>
      %dma_wait3A_280 = arith.constant 0 : i32
      %dma_wait3A_281 = arith.constant 0 : i32
      %dma_wait3A_282 = tpu.memref_slice %arg2[%dma_wait3A_280, %dma_wait3A_281] : memref<2600000x32xf32, #tpu.memory_space<hbm>> -> memref<128x32xf32, #tpu.memory_space<hbm>>
      tpu.wait_dma2 semaphore(%arg16 : memref<!tpu.dma_semaphore, #tpu.memory_space<semaphore_mem>>) src(%dma_wait3A_282 : memref<128x32xf32, #tpu.memory_space<hbm>>) dst(%dma_wait3A_279 : memref<128x32xf32, #tpu.memory_space<vmem>>)
      %dma_wait3A_283 = arith.constant 128 : i32
      %dma_wait3A_284 = arith.constant 0 : i32
      %dma_wait3A_285 = tpu.memref_slice %arg9[%dma_wait3A_283, %dma_wait3A_284] : memref<640x32xf32, #tpu.memory_space<vmem>> -> memref<128x32xf32, #tpu.memory_space<vmem>>
      %dma_wait3A_286 = arith.constant 0 : i32
      %dma_wait3A_287 = arith.constant 0 : i32
      %dma_wait3A_288 = tpu.memref_slice %arg2[%dma_wait3A_286, %dma_wait3A_287] : memref<2600000x32xf32, #tpu.memory_space<hbm>> -> memref<128x32xf32, #tpu.memory_space<hbm>>
      %dma_wait3A_289 = arith.constant 128 : i32
      %dma_wait3A_290 = arith.constant 0 : i32
      %dma_wait3A_291 = tpu.memref_slice %arg9[%dma_wait3A_289, %dma_wait3A_290] : memref<640x32xf32, #tpu.memory_space<vmem>> -> memref<128x32xf32, #tpu.memory_space<vmem>>
      %dma_wait3A_292 = arith.constant 0 : i32
      %dma_wait3A_293 = arith.constant 0 : i32
      %dma_wait3A_294 = tpu.memref_slice %arg2[%dma_wait3A_292, %dma_wait3A_293] : memref<2600000x32xf32, #tpu.memory_space<hbm>> -> memref<128x32xf32, #tpu.memory_space<hbm>>
      tpu.wait_dma2 semaphore(%arg16 : memref<!tpu.dma_semaphore, #tpu.memory_space<semaphore_mem>>) src(%dma_wait3A_294 : memref<128x32xf32, #tpu.memory_space<hbm>>) dst(%dma_wait3A_291 : memref<128x32xf32, #tpu.memory_space<vmem>>)
      %dma_wait3A_295 = arith.constant 256 : i32
      %dma_wait3A_296 = arith.constant 0 : i32
      %dma_wait3A_297 = tpu.memref_slice %arg9[%dma_wait3A_295, %dma_wait3A_296] : memref<640x32xf32, #tpu.memory_space<vmem>> -> memref<128x32xf32, #tpu.memory_space<vmem>>
      %dma_wait3A_298 = arith.constant 0 : i32
      %dma_wait3A_299 = arith.constant 0 : i32
      %dma_wait3A_300 = tpu.memref_slice %arg2[%dma_wait3A_298, %dma_wait3A_299] : memref<2600000x32xf32, #tpu.memory_space<hbm>> -> memref<128x32xf32, #tpu.memory_space<hbm>>
      %dma_wait3A_301 = arith.constant 256 : i32
      %dma_wait3A_302 = arith.constant 0 : i32
      %dma_wait3A_303 = tpu.memref_slice %arg9[%dma_wait3A_301, %dma_wait3A_302] : memref<640x32xf32, #tpu.memory_space<vmem>> -> memref<128x32xf32, #tpu.memory_space<vmem>>
      %dma_wait3A_304 = arith.constant 0 : i32
      %dma_wait3A_305 = arith.constant 0 : i32
      %dma_wait3A_306 = tpu.memref_slice %arg2[%dma_wait3A_304, %dma_wait3A_305] : memref<2600000x32xf32, #tpu.memory_space<hbm>> -> memref<128x32xf32, #tpu.memory_space<hbm>>
      tpu.wait_dma2 semaphore(%arg16 : memref<!tpu.dma_semaphore, #tpu.memory_space<semaphore_mem>>) src(%dma_wait3A_306 : memref<128x32xf32, #tpu.memory_space<hbm>>) dst(%dma_wait3A_303 : memref<128x32xf32, #tpu.memory_space<vmem>>)
      %dma_wait3A_307 = arith.constant 384 : i32
      %dma_wait3A_308 = arith.constant 0 : i32
      %dma_wait3A_309 = tpu.memref_slice %arg9[%dma_wait3A_307, %dma_wait3A_308] : memref<640x32xf32, #tpu.memory_space<vmem>> -> memref<128x32xf32, #tpu.memory_space<vmem>>
      %dma_wait3A_310 = arith.constant 0 : i32
      %dma_wait3A_311 = arith.constant 0 : i32
      %dma_wait3A_312 = tpu.memref_slice %arg2[%dma_wait3A_310, %dma_wait3A_311] : memref<2600000x32xf32, #tpu.memory_space<hbm>> -> memref<128x32xf32, #tpu.memory_space<hbm>>
      %dma_wait3A_313 = arith.constant 384 : i32
      %dma_wait3A_314 = arith.constant 0 : i32
      %dma_wait3A_315 = tpu.memref_slice %arg9[%dma_wait3A_313, %dma_wait3A_314] : memref<640x32xf32, #tpu.memory_space<vmem>> -> memref<128x32xf32, #tpu.memory_space<vmem>>
      %dma_wait3A_316 = arith.constant 0 : i32
      %dma_wait3A_317 = arith.constant 0 : i32
      %dma_wait3A_318 = tpu.memref_slice %arg2[%dma_wait3A_316, %dma_wait3A_317] : memref<2600000x32xf32, #tpu.memory_space<hbm>> -> memref<128x32xf32, #tpu.memory_space<hbm>>
      tpu.wait_dma2 semaphore(%arg16 : memref<!tpu.dma_semaphore, #tpu.memory_space<semaphore_mem>>) src(%dma_wait3A_318 : memref<128x32xf32, #tpu.memory_space<hbm>>) dst(%dma_wait3A_315 : memref<128x32xf32, #tpu.memory_space<vmem>>)
      %dma_wait3A_319 = arith.constant 512 : i32
      %dma_wait3A_320 = arith.constant 0 : i32
      %dma_wait3A_321 = tpu.memref_slice %arg9[%dma_wait3A_319, %dma_wait3A_320] : memref<640x32xf32, #tpu.memory_space<vmem>> -> memref<128x32xf32, #tpu.memory_space<vmem>>
      %dma_wait3A_322 = arith.constant 0 : i32
      %dma_wait3A_323 = arith.constant 0 : i32
      %dma_wait3A_324 = tpu.memref_slice %arg2[%dma_wait3A_322, %dma_wait3A_323] : memref<2600000x32xf32, #tpu.memory_space<hbm>> -> memref<128x32xf32, #tpu.memory_space<hbm>>
      %dma_wait3A_325 = arith.constant 512 : i32
      %dma_wait3A_326 = arith.constant 0 : i32
      %dma_wait3A_327 = tpu.memref_slice %arg9[%dma_wait3A_325, %dma_wait3A_326] : memref<640x32xf32, #tpu.memory_space<vmem>> -> memref<128x32xf32, #tpu.memory_space<vmem>>
      %dma_wait3A_328 = arith.constant 0 : i32
      %dma_wait3A_329 = arith.constant 0 : i32
      %dma_wait3A_330 = tpu.memref_slice %arg2[%dma_wait3A_328, %dma_wait3A_329] : memref<2600000x32xf32, #tpu.memory_space<hbm>> -> memref<128x32xf32, #tpu.memory_space<hbm>>
      tpu.wait_dma2 semaphore(%arg16 : memref<!tpu.dma_semaphore, #tpu.memory_space<semaphore_mem>>) src(%dma_wait3A_330 : memref<128x32xf32, #tpu.memory_space<hbm>>) dst(%dma_wait3A_327 : memref<128x32xf32, #tpu.memory_space<vmem>>)
      %jit3A_331 = arith.constant 26 : i32
      %eq3A_332 = arith.constant 0 : i32
      %eq3A_333 = arith.cmpi eq, %jit3A_331, %eq3A_332 : i32
      %jit3A_334 = arith.constant 1 : i32
      %select_n3A_335 = arith.select %eq3A_333, %jit3A_334, %jit3A_331 : i32
      %rem3A_336 = arith.remsi %add3A_154, %select_n3A_335 : i32
      %ne3A_337 = arith.constant 0 : i32
      %ne3A_338 = arith.cmpi ne, %rem3A_336, %ne3A_337 : i32
      %lt3A_339 = arith.constant 0 : i32
      %lt3A_340 = arith.cmpi slt, %rem3A_336, %lt3A_339 : i32
      %lt3A_341 = arith.constant 0 : i32
      %lt3A_342 = arith.cmpi slt, %select_n3A_335, %lt3A_341 : i32
      %ne3A_343 = arith.xori %lt3A_340, %lt3A_342 : i1
      %and3A_344 = arith.andi %ne3A_343, %ne3A_338 : i1
      %add3A_345 = arith.addi %rem3A_336, %select_n3A_335 : i32
      %select_n3A_346 = arith.select %and3A_344, %add3A_345, %rem3A_336 : i32
      %mul3A_347 = arith.constant 32 : i32
      %mul3A_348 = arith.muli %select_n3A_346, %mul3A_347 : i32
      %scan3A_349 = arith.constant 0 : i32
      %scan3A_350 = arith.constant 0 : i32
      %scan3A_351 = arith.constant 32 : i32
      %scan3A_352 = arith.addi %scan3A_350, %scan3A_351 : i32
      %scan3A_353 = arith.constant 1 : i32
      scf.for %scan3A_1018 = %scan3A_350 to %scan3A_352 step %scan3A_353  : i32 {
        %mul3A_1019 = arith.constant 20 : i32
        %mul3A_1020 = arith.muli %scan3A_1018, %mul3A_1019 : i32
        %add3A_1021 = arith.constant 0 : i32
        %add3A_1022 = arith.addi %mul3A_1020, %add3A_1021 : i32
        %get3A = arith.index_cast %add3A_1022 : i32 to index
        %get3A_1023 = arith.constant 0 : index
        %get3A_1024 = tpu.vector_load %arg9[%get3A, %get3A_1023] {strides = array<i32>} : memref<640x32xf32, #tpu.memory_space<vmem>>, vector<1x16xf32>,
        %get3A_1025 = vector.shape_cast %get3A_1024 : vector<1x16xf32> to vector<16xf32>
        %add3A_1026 = arith.constant 1 : i32
        %add3A_1027 = arith.addi %mul3A_1020, %add3A_1026 : i32
        %get3A_1028 = arith.index_cast %add3A_1027 : i32 to index
        %get3A_1029 = arith.constant 0 : index
        %get3A_1030 = tpu.vector_load %arg9[%get3A_1028, %get3A_1029] {strides = array<i32>} : memref<640x32xf32, #tpu.memory_space<vmem>>, vector<1x16xf32>,
        %get3A_1031 = vector.shape_cast %get3A_1030 : vector<1x16xf32> to vector<16xf32>
        %add3A_1032 = arith.constant 2 : i32
        %add3A_1033 = arith.addi %mul3A_1020, %add3A_1032 : i32
        %get3A_1034 = arith.index_cast %add3A_1033 : i32 to index
        %get3A_1035 = arith.constant 0 : index
        %get3A_1036 = tpu.vector_load %arg9[%get3A_1034, %get3A_1035] {strides = array<i32>} : memref<640x32xf32, #tpu.memory_space<vmem>>, vector<1x16xf32>,
        %get3A_1037 = vector.shape_cast %get3A_1036 : vector<1x16xf32> to vector<16xf32>
        %add3A_1038 = arith.constant 3 : i32
        %add3A_1039 = arith.addi %mul3A_1020, %add3A_1038 : i32
        %get3A_1040 = arith.index_cast %add3A_1039 : i32 to index
        %get3A_1041 = arith.constant 0 : index
        %get3A_1042 = tpu.vector_load %arg9[%get3A_1040, %get3A_1041] {strides = array<i32>} : memref<640x32xf32, #tpu.memory_space<vmem>>, vector<1x16xf32>,
        %get3A_1043 = vector.shape_cast %get3A_1042 : vector<1x16xf32> to vector<16xf32>
        %add3A_1044 = arith.constant 0 : i32
        %add3A_1045 = arith.addi %mul3A_1020, %add3A_1044 : i32
        %get3A_1046 = arith.index_cast %add3A_1045 : i32 to index
        %get3A_1047 = arith.constant 16 : index
        %get3A_1048 = tpu.vector_load %arg9[%get3A_1046, %get3A_1047] {strides = array<i32>} : memref<640x32xf32, #tpu.memory_space<vmem>>, vector<1x16xf32>,
        %get3A_1049 = vector.shape_cast %get3A_1048 : vector<1x16xf32> to vector<16xf32>
        %add3A_1050 = arith.constant 1 : i32
        %add3A_1051 = arith.addi %mul3A_1020, %add3A_1050 : i32
        %get3A_1052 = arith.index_cast %add3A_1051 : i32 to index
        %get3A_1053 = arith.constant 16 : index
        %get3A_1054 = tpu.vector_load %arg9[%get3A_1052, %get3A_1053] {strides = array<i32>} : memref<640x32xf32, #tpu.memory_space<vmem>>, vector<1x16xf32>,
        %get3A_1055 = vector.shape_cast %get3A_1054 : vector<1x16xf32> to vector<16xf32>
        %add3A_1056 = arith.constant 2 : i32
        %add3A_1057 = arith.addi %mul3A_1020, %add3A_1056 : i32
        %get3A_1058 = arith.index_cast %add3A_1057 : i32 to index
        %get3A_1059 = arith.constant 16 : index
        %get3A_1060 = tpu.vector_load %arg9[%get3A_1058, %get3A_1059] {strides = array<i32>} : memref<640x32xf32, #tpu.memory_space<vmem>>, vector<1x16xf32>,
        %get3A_1061 = vector.shape_cast %get3A_1060 : vector<1x16xf32> to vector<16xf32>
        %add3A_1062 = arith.constant 3 : i32
        %add3A_1063 = arith.addi %mul3A_1020, %add3A_1062 : i32
        %get3A_1064 = arith.index_cast %add3A_1063 : i32 to index
        %get3A_1065 = arith.constant 16 : index
        %get3A_1066 = tpu.vector_load %arg9[%get3A_1064, %get3A_1065] {strides = array<i32>} : memref<640x32xf32, #tpu.memory_space<vmem>>, vector<1x16xf32>,
        %get3A_1067 = vector.shape_cast %get3A_1066 : vector<1x16xf32> to vector<16xf32>
        %add3A_1068 = arith.constant 4 : i32
        %add3A_1069 = arith.addi %mul3A_1020, %add3A_1068 : i32
        %get3A_1070 = arith.index_cast %add3A_1069 : i32 to index
        %get3A_1071 = arith.constant 0 : index
        %get3A_1072 = tpu.vector_load %arg9[%get3A_1070, %get3A_1071] {strides = array<i32>} : memref<640x32xf32, #tpu.memory_space<vmem>>, vector<1x16xf32>,
        %get3A_1073 = vector.shape_cast %get3A_1072 : vector<1x16xf32> to vector<16xf32>
        %add3A_1074 = arith.addf %get3A_1025, %get3A_1073 : vector<16xf32>
        %add3A_1075 = arith.constant 4 : i32
        %add3A_1076 = arith.addi %mul3A_1020, %add3A_1075 : i32
        %get3A_1077 = arith.index_cast %add3A_1076 : i32 to index
        %get3A_1078 = arith.constant 16 : index
        %get3A_1079 = tpu.vector_load %arg9[%get3A_1077, %get3A_1078] {strides = array<i32>} : memref<640x32xf32, #tpu.memory_space<vmem>>, vector<1x16xf32>,
        %get3A_1080 = vector.shape_cast %get3A_1079 : vector<1x16xf32> to vector<16xf32>
        %add3A_1081 = arith.addf %get3A_1049, %get3A_1080 : vector<16xf32>
        %add3A_1082 = arith.constant 5 : i32
        %add3A_1083 = arith.addi %mul3A_1020, %add3A_1082 : i32
        %get3A_1084 = arith.index_cast %add3A_1083 : i32 to index
        %get3A_1085 = arith.constant 0 : index
        %get3A_1086 = tpu.vector_load %arg9[%get3A_1084, %get3A_1085] {strides = array<i32>} : memref<640x32xf32, #tpu.memory_space<vmem>>, vector<1x16xf32>,
        %get3A_1087 = vector.shape_cast %get3A_1086 : vector<1x16xf32> to vector<16xf32>
        %add3A_1088 = arith.addf %get3A_1031, %get3A_1087 : vector<16xf32>
        %add3A_1089 = arith.constant 5 : i32
        %add3A_1090 = arith.addi %mul3A_1020, %add3A_1089 : i32
        %get3A_1091 = arith.index_cast %add3A_1090 : i32 to index
        %get3A_1092 = arith.constant 16 : index
        %get3A_1093 = tpu.vector_load %arg9[%get3A_1091, %get3A_1092] {strides = array<i32>} : memref<640x32xf32, #tpu.memory_space<vmem>>, vector<1x16xf32>,
        %get3A_1094 = vector.shape_cast %get3A_1093 : vector<1x16xf32> to vector<16xf32>
        %add3A_1095 = arith.addf %get3A_1055, %get3A_1094 : vector<16xf32>
        %add3A_1096 = arith.constant 6 : i32
        %add3A_1097 = arith.addi %mul3A_1020, %add3A_1096 : i32
        %get3A_1098 = arith.index_cast %add3A_1097 : i32 to index
        %get3A_1099 = arith.constant 0 : index
        %get3A_1100 = tpu.vector_load %arg9[%get3A_1098, %get3A_1099] {strides = array<i32>} : memref<640x32xf32, #tpu.memory_space<vmem>>, vector<1x16xf32>,
        %get3A_1101 = vector.shape_cast %get3A_1100 : vector<1x16xf32> to vector<16xf32>
        %add3A_1102 = arith.addf %get3A_1037, %get3A_1101 : vector<16xf32>
        %add3A_1103 = arith.constant 6 : i32
        %add3A_1104 = arith.addi %mul3A_1020, %add3A_1103 : i32
        %get3A_1105 = arith.index_cast %add3A_1104 : i32 to index
        %get3A_1106 = arith.constant 16 : index
        %get3A_1107 = tpu.vector_load %arg9[%get3A_1105, %get3A_1106] {strides = array<i32>} : memref<640x32xf32, #tpu.memory_space<vmem>>, vector<1x16xf32>,
        %get3A_1108 = vector.shape_cast %get3A_1107 : vector<1x16xf32> to vector<16xf32>
        %add3A_1109 = arith.addf %get3A_1061, %get3A_1108 : vector<16xf32>
        %add3A_1110 = arith.constant 7 : i32
        %add3A_1111 = arith.addi %mul3A_1020, %add3A_1110 : i32
        %get3A_1112 = arith.index_cast %add3A_1111 : i32 to index
        %get3A_1113 = arith.constant 0 : index
        %get3A_1114 = tpu.vector_load %arg9[%get3A_1112, %get3A_1113] {strides = array<i32>} : memref<640x32xf32, #tpu.memory_space<vmem>>, vector<1x16xf32>,
        %get3A_1115 = vector.shape_cast %get3A_1114 : vector<1x16xf32> to vector<16xf32>
        %add3A_1116 = arith.addf %get3A_1043, %get3A_1115 : vector<16xf32>
        %add3A_1117 = arith.constant 7 : i32
        %add3A_1118 = arith.addi %mul3A_1020, %add3A_1117 : i32
        %get3A_1119 = arith.index_cast %add3A_1118 : i32 to index
        %get3A_1120 = arith.constant 16 : index
        %get3A_1121 = tpu.vector_load %arg9[%get3A_1119, %get3A_1120] {strides = array<i32>} : memref<640x32xf32, #tpu.memory_space<vmem>>, vector<1x16xf32>,
        %get3A_1122 = vector.shape_cast %get3A_1121 : vector<1x16xf32> to vector<16xf32>
        %add3A_1123 = arith.addf %get3A_1067, %get3A_1122 : vector<16xf32>
        %add3A_1124 = arith.constant 8 : i32
        %add3A_1125 = arith.addi %mul3A_1020, %add3A_1124 : i32
        %get3A_1126 = arith.index_cast %add3A_1125 : i32 to index
        %get3A_1127 = arith.constant 0 : index
        %get3A_1128 = tpu.vector_load %arg9[%get3A_1126, %get3A_1127] {strides = array<i32>} : memref<640x32xf32, #tpu.memory_space<vmem>>, vector<1x16xf32>,
        %get3A_1129 = vector.shape_cast %get3A_1128 : vector<1x16xf32> to vector<16xf32>
        %add3A_1130 = arith.addf %add3A_1074, %get3A_1129 : vector<16xf32>
        %add3A_1131 = arith.constant 8 : i32
        %add3A_1132 = arith.addi %mul3A_1020, %add3A_1131 : i32
        %get3A_1133 = arith.index_cast %add3A_1132 : i32 to index
        %get3A_1134 = arith.constant 16 : index
        %get3A_1135 = tpu.vector_load %arg9[%get3A_1133, %get3A_1134] {strides = array<i32>} : memref<640x32xf32, #tpu.memory_space<vmem>>, vector<1x16xf32>,
        %get3A_1136 = vector.shape_cast %get3A_1135 : vector<1x16xf32> to vector<16xf32>
        %add3A_1137 = arith.addf %add3A_1081, %get3A_1136 : vector<16xf32>
        %add3A_1138 = arith.constant 9 : i32
        %add3A_1139 = arith.addi %mul3A_1020, %add3A_1138 : i32
        %get3A_1140 = arith.index_cast %add3A_1139 : i32 to index
        %get3A_1141 = arith.constant 0 : index
        %get3A_1142 = tpu.vector_load %arg9[%get3A_1140, %get3A_1141] {strides = array<i32>} : memref<640x32xf32, #tpu.memory_space<vmem>>, vector<1x16xf32>,
        %get3A_1143 = vector.shape_cast %get3A_1142 : vector<1x16xf32> to vector<16xf32>
        %add3A_1144 = arith.addf %add3A_1088, %get3A_1143 : vector<16xf32>
        %add3A_1145 = arith.constant 9 : i32
        %add3A_1146 = arith.addi %mul3A_1020, %add3A_1145 : i32
        %get3A_1147 = arith.index_cast %add3A_1146 : i32 to index
        %get3A_1148 = arith.constant 16 : index
        %get3A_1149 = tpu.vector_load %arg9[%get3A_1147, %get3A_1148] {strides = array<i32>} : memref<640x32xf32, #tpu.memory_space<vmem>>, vector<1x16xf32>,
        %get3A_1150 = vector.shape_cast %get3A_1149 : vector<1x16xf32> to vector<16xf32>
        %add3A_1151 = arith.addf %add3A_1095, %get3A_1150 : vector<16xf32>
        %add3A_1152 = arith.constant 10 : i32
        %add3A_1153 = arith.addi %mul3A_1020, %add3A_1152 : i32
        %get3A_1154 = arith.index_cast %add3A_1153 : i32 to index
        %get3A_1155 = arith.constant 0 : index
        %get3A_1156 = tpu.vector_load %arg9[%get3A_1154, %get3A_1155] {strides = array<i32>} : memref<640x32xf32, #tpu.memory_space<vmem>>, vector<1x16xf32>,
        %get3A_1157 = vector.shape_cast %get3A_1156 : vector<1x16xf32> to vector<16xf32>
        %add3A_1158 = arith.addf %add3A_1102, %get3A_1157 : vector<16xf32>
        %add3A_1159 = arith.constant 10 : i32
        %add3A_1160 = arith.addi %mul3A_1020, %add3A_1159 : i32
        %get3A_1161 = arith.index_cast %add3A_1160 : i32 to index
        %get3A_1162 = arith.constant 16 : index
        %get3A_1163 = tpu.vector_load %arg9[%get3A_1161, %get3A_1162] {strides = array<i32>} : memref<640x32xf32, #tpu.memory_space<vmem>>, vector<1x16xf32>,
        %get3A_1164 = vector.shape_cast %get3A_1163 : vector<1x16xf32> to vector<16xf32>
        %add3A_1165 = arith.addf %add3A_1109, %get3A_1164 : vector<16xf32>
        %add3A_1166 = arith.constant 11 : i32
        %add3A_1167 = arith.addi %mul3A_1020, %add3A_1166 : i32
        %get3A_1168 = arith.index_cast %add3A_1167 : i32 to index
        %get3A_1169 = arith.constant 0 : index
        %get3A_1170 = tpu.vector_load %arg9[%get3A_1168, %get3A_1169] {strides = array<i32>} : memref<640x32xf32, #tpu.memory_space<vmem>>, vector<1x16xf32>,
        %get3A_1171 = vector.shape_cast %get3A_1170 : vector<1x16xf32> to vector<16xf32>
        %add3A_1172 = arith.addf %add3A_1116, %get3A_1171 : vector<16xf32>
        %add3A_1173 = arith.constant 11 : i32
        %add3A_1174 = arith.addi %mul3A_1020, %add3A_1173 : i32
        %get3A_1175 = arith.index_cast %add3A_1174 : i32 to index
        %get3A_1176 = arith.constant 16 : index
        %get3A_1177 = tpu.vector_load %arg9[%get3A_1175, %get3A_1176] {strides = array<i32>} : memref<640x32xf32, #tpu.memory_space<vmem>>, vector<1x16xf32>,
        %get3A_1178 = vector.shape_cast %get3A_1177 : vector<1x16xf32> to vector<16xf32>
        %add3A_1179 = arith.addf %add3A_1123, %get3A_1178 : vector<16xf32>
        %add3A_1180 = arith.constant 12 : i32
        %add3A_1181 = arith.addi %mul3A_1020, %add3A_1180 : i32
        %get3A_1182 = arith.index_cast %add3A_1181 : i32 to index
        %get3A_1183 = arith.constant 0 : index
        %get3A_1184 = tpu.vector_load %arg9[%get3A_1182, %get3A_1183] {strides = array<i32>} : memref<640x32xf32, #tpu.memory_space<vmem>>, vector<1x16xf32>,
        %get3A_1185 = vector.shape_cast %get3A_1184 : vector<1x16xf32> to vector<16xf32>
        %add3A_1186 = arith.addf %add3A_1130, %get3A_1185 : vector<16xf32>
        %add3A_1187 = arith.constant 12 : i32
        %add3A_1188 = arith.addi %mul3A_1020, %add3A_1187 : i32
        %get3A_1189 = arith.index_cast %add3A_1188 : i32 to index
        %get3A_1190 = arith.constant 16 : index
        %get3A_1191 = tpu.vector_load %arg9[%get3A_1189, %get3A_1190] {strides = array<i32>} : memref<640x32xf32, #tpu.memory_space<vmem>>, vector<1x16xf32>,
        %get3A_1192 = vector.shape_cast %get3A_1191 : vector<1x16xf32> to vector<16xf32>
        %add3A_1193 = arith.addf %add3A_1137, %get3A_1192 : vector<16xf32>
        %add3A_1194 = arith.constant 13 : i32
        %add3A_1195 = arith.addi %mul3A_1020, %add3A_1194 : i32
        %get3A_1196 = arith.index_cast %add3A_1195 : i32 to index
        %get3A_1197 = arith.constant 0 : index
        %get3A_1198 = tpu.vector_load %arg9[%get3A_1196, %get3A_1197] {strides = array<i32>} : memref<640x32xf32, #tpu.memory_space<vmem>>, vector<1x16xf32>,
        %get3A_1199 = vector.shape_cast %get3A_1198 : vector<1x16xf32> to vector<16xf32>
        %add3A_1200 = arith.addf %add3A_1144, %get3A_1199 : vector<16xf32>
        %add3A_1201 = arith.constant 13 : i32
        %add3A_1202 = arith.addi %mul3A_1020, %add3A_1201 : i32
        %get3A_1203 = arith.index_cast %add3A_1202 : i32 to index
        %get3A_1204 = arith.constant 16 : index
        %get3A_1205 = tpu.vector_load %arg9[%get3A_1203, %get3A_1204] {strides = array<i32>} : memref<640x32xf32, #tpu.memory_space<vmem>>, vector<1x16xf32>,
        %get3A_1206 = vector.shape_cast %get3A_1205 : vector<1x16xf32> to vector<16xf32>
        %add3A_1207 = arith.addf %add3A_1151, %get3A_1206 : vector<16xf32>
        %add3A_1208 = arith.constant 14 : i32
        %add3A_1209 = arith.addi %mul3A_1020, %add3A_1208 : i32
        %get3A_1210 = arith.index_cast %add3A_1209 : i32 to index
        %get3A_1211 = arith.constant 0 : index
        %get3A_1212 = tpu.vector_load %arg9[%get3A_1210, %get3A_1211] {strides = array<i32>} : memref<640x32xf32, #tpu.memory_space<vmem>>, vector<1x16xf32>,
        %get3A_1213 = vector.shape_cast %get3A_1212 : vector<1x16xf32> to vector<16xf32>
        %add3A_1214 = arith.addf %add3A_1158, %get3A_1213 : vector<16xf32>
        %add3A_1215 = arith.constant 14 : i32
        %add3A_1216 = arith.addi %mul3A_1020, %add3A_1215 : i32
        %get3A_1217 = arith.index_cast %add3A_1216 : i32 to index
        %get3A_1218 = arith.constant 16 : index
        %get3A_1219 = tpu.vector_load %arg9[%get3A_1217, %get3A_1218] {strides = array<i32>} : memref<640x32xf32, #tpu.memory_space<vmem>>, vector<1x16xf32>,
        %get3A_1220 = vector.shape_cast %get3A_1219 : vector<1x16xf32> to vector<16xf32>
        %add3A_1221 = arith.addf %add3A_1165, %get3A_1220 : vector<16xf32>
        %add3A_1222 = arith.constant 15 : i32
        %add3A_1223 = arith.addi %mul3A_1020, %add3A_1222 : i32
        %get3A_1224 = arith.index_cast %add3A_1223 : i32 to index
        %get3A_1225 = arith.constant 0 : index
        %get3A_1226 = tpu.vector_load %arg9[%get3A_1224, %get3A_1225] {strides = array<i32>} : memref<640x32xf32, #tpu.memory_space<vmem>>, vector<1x16xf32>,
        %get3A_1227 = vector.shape_cast %get3A_1226 : vector<1x16xf32> to vector<16xf32>
        %add3A_1228 = arith.addf %add3A_1172, %get3A_1227 : vector<16xf32>
        %add3A_1229 = arith.constant 15 : i32
        %add3A_1230 = arith.addi %mul3A_1020, %add3A_1229 : i32
        %get3A_1231 = arith.index_cast %add3A_1230 : i32 to index
        %get3A_1232 = arith.constant 16 : index
        %get3A_1233 = tpu.vector_load %arg9[%get3A_1231, %get3A_1232] {strides = array<i32>} : memref<640x32xf32, #tpu.memory_space<vmem>>, vector<1x16xf32>,
        %get3A_1234 = vector.shape_cast %get3A_1233 : vector<1x16xf32> to vector<16xf32>
        %add3A_1235 = arith.addf %add3A_1179, %get3A_1234 : vector<16xf32>
        %add3A_1236 = arith.constant 16 : i32
        %add3A_1237 = arith.addi %mul3A_1020, %add3A_1236 : i32
        %get3A_1238 = arith.index_cast %add3A_1237 : i32 to index
        %get3A_1239 = arith.constant 0 : index
        %get3A_1240 = tpu.vector_load %arg9[%get3A_1238, %get3A_1239] {strides = array<i32>} : memref<640x32xf32, #tpu.memory_space<vmem>>, vector<1x16xf32>,
        %get3A_1241 = vector.shape_cast %get3A_1240 : vector<1x16xf32> to vector<16xf32>
        %add3A_1242 = arith.addf %add3A_1186, %get3A_1241 : vector<16xf32>
        %add3A_1243 = arith.constant 16 : i32
        %add3A_1244 = arith.addi %mul3A_1020, %add3A_1243 : i32
        %get3A_1245 = arith.index_cast %add3A_1244 : i32 to index
        %get3A_1246 = arith.constant 16 : index
        %get3A_1247 = tpu.vector_load %arg9[%get3A_1245, %get3A_1246] {strides = array<i32>} : memref<640x32xf32, #tpu.memory_space<vmem>>, vector<1x16xf32>,
        %get3A_1248 = vector.shape_cast %get3A_1247 : vector<1x16xf32> to vector<16xf32>
        %add3A_1249 = arith.addf %add3A_1193, %get3A_1248 : vector<16xf32>
        %add3A_1250 = arith.constant 17 : i32
        %add3A_1251 = arith.addi %mul3A_1020, %add3A_1250 : i32
        %get3A_1252 = arith.index_cast %add3A_1251 : i32 to index
        %get3A_1253 = arith.constant 0 : index
        %get3A_1254 = tpu.vector_load %arg9[%get3A_1252, %get3A_1253] {strides = array<i32>} : memref<640x32xf32, #tpu.memory_space<vmem>>, vector<1x16xf32>,
        %get3A_1255 = vector.shape_cast %get3A_1254 : vector<1x16xf32> to vector<16xf32>
        %add3A_1256 = arith.addf %add3A_1200, %get3A_1255 : vector<16xf32>
        %add3A_1257 = arith.constant 17 : i32
        %add3A_1258 = arith.addi %mul3A_1020, %add3A_1257 : i32
        %get3A_1259 = arith.index_cast %add3A_1258 : i32 to index
        %get3A_1260 = arith.constant 16 : index
        %get3A_1261 = tpu.vector_load %arg9[%get3A_1259, %get3A_1260] {strides = array<i32>} : memref<640x32xf32, #tpu.memory_space<vmem>>, vector<1x16xf32>,
        %get3A_1262 = vector.shape_cast %get3A_1261 : vector<1x16xf32> to vector<16xf32>
        %add3A_1263 = arith.addf %add3A_1207, %get3A_1262 : vector<16xf32>
        %add3A_1264 = arith.constant 18 : i32
        %add3A_1265 = arith.addi %mul3A_1020, %add3A_1264 : i32
        %get3A_1266 = arith.index_cast %add3A_1265 : i32 to index
        %get3A_1267 = arith.constant 0 : index
        %get3A_1268 = tpu.vector_load %arg9[%get3A_1266, %get3A_1267] {strides = array<i32>} : memref<640x32xf32, #tpu.memory_space<vmem>>, vector<1x16xf32>,
        %get3A_1269 = vector.shape_cast %get3A_1268 : vector<1x16xf32> to vector<16xf32>
        %add3A_1270 = arith.addf %add3A_1214, %get3A_1269 : vector<16xf32>
        %add3A_1271 = arith.constant 18 : i32
        %add3A_1272 = arith.addi %mul3A_1020, %add3A_1271 : i32
        %get3A_1273 = arith.index_cast %add3A_1272 : i32 to index
        %get3A_1274 = arith.constant 16 : index
        %get3A_1275 = tpu.vector_load %arg9[%get3A_1273, %get3A_1274] {strides = array<i32>} : memref<640x32xf32, #tpu.memory_space<vmem>>, vector<1x16xf32>,
        %get3A_1276 = vector.shape_cast %get3A_1275 : vector<1x16xf32> to vector<16xf32>
        %add3A_1277 = arith.addf %add3A_1221, %get3A_1276 : vector<16xf32>
        %add3A_1278 = arith.constant 19 : i32
        %add3A_1279 = arith.addi %mul3A_1020, %add3A_1278 : i32
        %get3A_1280 = arith.index_cast %add3A_1279 : i32 to index
        %get3A_1281 = arith.constant 0 : index
        %get3A_1282 = tpu.vector_load %arg9[%get3A_1280, %get3A_1281] {strides = array<i32>} : memref<640x32xf32, #tpu.memory_space<vmem>>, vector<1x16xf32>,
        %get3A_1283 = vector.shape_cast %get3A_1282 : vector<1x16xf32> to vector<16xf32>
        %add3A_1284 = arith.addf %add3A_1228, %get3A_1283 : vector<16xf32>
        %add3A_1285 = arith.constant 19 : i32
        %add3A_1286 = arith.addi %mul3A_1020, %add3A_1285 : i32
        %get3A_1287 = arith.index_cast %add3A_1286 : i32 to index
        %get3A_1288 = arith.constant 16 : index
        %get3A_1289 = tpu.vector_load %arg9[%get3A_1287, %get3A_1288] {strides = array<i32>} : memref<640x32xf32, #tpu.memory_space<vmem>>, vector<1x16xf32>,
        %get3A_1290 = vector.shape_cast %get3A_1289 : vector<1x16xf32> to vector<16xf32>
        %add3A_1291 = arith.addf %add3A_1235, %get3A_1290 : vector<16xf32>
        %add3A_1292 = arith.addf %add3A_1242, %add3A_1256 : vector<16xf32>
        %add3A_1293 = arith.addf %add3A_1270, %add3A_1284 : vector<16xf32>
        %add3A_1294 = arith.addf %add3A_1292, %add3A_1293 : vector<16xf32>
        %swap3A = arith.index_cast %scan3A_1018 : i32 to index
        %swap3A_1295 = arith.index_cast %mul3A_348 : i32 to index
        %swap3A_1296 = tpu.vector_load %arg11[%swap3A, %swap3A_1295] {strides = array<i32>} : memref<32x832xf32, #tpu.memory_space<vmem>>, vector<1x16xf32>,
        %swap3A_1297 = vector.shape_cast %swap3A_1296 : vector<1x16xf32> to vector<16xf32>
        %swap3A_1298 = vector.shape_cast %add3A_1294 : vector<16xf32> to vector<1x16xf32>
        tpu.vector_store %arg11[%swap3A, %swap3A_1295], %swap3A_1298 {strides = array<i32>} : memref<32x832xf32, #tpu.memory_space<vmem>>, vector<1x16xf32>,
        %add3A_1299 = arith.addf %add3A_1249, %add3A_1263 : vector<16xf32>
        %add3A_1300 = arith.addf %add3A_1277, %add3A_1291 : vector<16xf32>
        %add3A_1301 = arith.addf %add3A_1299, %add3A_1300 : vector<16xf32>
        %add3A_1302 = arith.constant 16 : i32
        %add3A_1303 = arith.addi %mul3A_348, %add3A_1302 : i32
        %swap3A_1304 = arith.index_cast %scan3A_1018 : i32 to index
        %swap3A_1305 = arith.index_cast %add3A_1303 : i32 to index
        %swap3A_1306 = tpu.vector_load %arg11[%swap3A_1304, %swap3A_1305] {strides = array<i32>} : memref<32x832xf32, #tpu.memory_space<vmem>>, vector<1x16xf32>,
        %swap3A_1307 = vector.shape_cast %swap3A_1306 : vector<1x16xf32> to vector<16xf32>
        %swap3A_1308 = vector.shape_cast %add3A_1301 : vector<16xf32> to vector<1x16xf32>
        tpu.vector_store %arg11[%swap3A_1304, %swap3A_1305], %swap3A_1308 {strides = array<i32>} : memref<32x832xf32, #tpu.memory_space<vmem>>, vector<1x16xf32>,
      }
      %scan3A_354 = arith.constant 32 : i32
      %eq3A_355 = arith.constant 25 : i32
      %eq3A_356 = arith.cmpi eq, %select_n3A_346, %eq3A_355 : i32
      %convert_element_type3A = arith.extui %eq3A_356 : i1 to i32
      %cond3A = arith.constant 0 : i32
      %cond3A_357 = arith.cmpi ne, %convert_element_type3A, %cond3A : i32
      scf.if %cond3A_357 {
        %jit3A_1018 = arith.constant 26 : i32
        %div3A_1019 = arith.divsi %add3A_154, %jit3A_1018 : i32
        %sign3A_1020 = arith.constant 0 : i32
        %sign3A_1021 = arith.cmpi sgt, %add3A_154, %sign3A_1020 : i32
        %sign3A_1022 = arith.extui %sign3A_1021 : i1 to i32
        %sign3A_1023 = arith.constant 0 : i32
        %sign3A_1024 = arith.cmpi slt, %add3A_154, %sign3A_1023 : i32
        %sign3A_1025 = arith.extui %sign3A_1024 : i1 to i32
        %sign3A_1026 = arith.subi %sign3A_1022, %sign3A_1025 : i32
        %sign3A_1027 = arith.constant 0 : i32
        %sign3A_1028 = arith.cmpi sgt, %jit3A_1018, %sign3A_1027 : i32
        %sign3A_1029 = arith.extui %sign3A_1028 : i1 to i32
        %sign3A_1030 = arith.constant 0 : i32
        %sign3A_1031 = arith.cmpi slt, %jit3A_1018, %sign3A_1030 : i32
        %sign3A_1032 = arith.extui %sign3A_1031 : i1 to i32
        %sign3A_1033 = arith.subi %sign3A_1029, %sign3A_1032 : i32
        %ne3A_1034 = arith.cmpi ne, %sign3A_1026, %sign3A_1033 : i32
        %rem3A_1035 = arith.remsi %add3A_154, %jit3A_1018 : i32
        %ne3A_1036 = arith.constant 0 : i32
        %ne3A_1037 = arith.cmpi ne, %rem3A_1035, %ne3A_1036 : i32
        %and3A_1038 = arith.andi %ne3A_1034, %ne3A_1037 : i1
        %sub3A_1039 = arith.constant 1 : i32
        %sub3A_1040 = arith.subi %div3A_1019, %sub3A_1039 : i32
        %select_n3A_1041 = arith.select %and3A_1038, %sub3A_1040, %div3A_1019 : i32
        %mul3A_1042 = arith.constant 32 : i32
        %mul3A_1043 = arith.muli %select_n3A_1041, %mul3A_1042 : i32
        %add3A_1044 = arith.addi %mul3A_2, %mul3A_1043 : i32
        "tpu.region"() ({
          %run_scoped3A = tpu.sem_alloc : memref<!tpu.dma_semaphore, #tpu.memory_space<semaphore_mem>>
          %dma_start3A_1045 = arith.constant 0 : i32
          %dma_start3A_1046 = tpu.memref_slice %arg4[%add3A_1044, %dma_start3A_1045] : memref<4096x832xf32, #tpu.memory_space<hbm>> -> memref<32x832xf32, #tpu.memory_space<hbm>>
          %dma_start3A_1047 = arith.constant 0 : i32
          %dma_start3A_1048 = tpu.memref_slice %arg4[%add3A_1044, %dma_start3A_1047] : memref<4096x832xf32, #tpu.memory_space<hbm>> -> memref<32x832xf32, #tpu.memory_space<hbm>>
          tpu.enqueue_dma source(%arg11 : memref<32x832xf32, #tpu.memory_space<vmem>>) target(%dma_start3A_1048 : memref<32x832xf32, #tpu.memory_space<hbm>>) target_semaphore(%run_scoped3A : memref<!tpu.dma_semaphore, #tpu.memory_space<semaphore_mem>>)
          %dma_wait3A_1049 = arith.constant 0 : i32
          %dma_wait3A_1050 = tpu.memref_slice %arg4[%add3A_1044, %dma_wait3A_1049] : memref<4096x832xf32, #tpu.memory_space<hbm>> -> memref<32x832xf32, #tpu.memory_space<hbm>>
          %dma_wait3A_1051 = arith.constant 0 : i32
          %dma_wait3A_1052 = tpu.memref_slice %arg4[%add3A_1044, %dma_wait3A_1051] : memref<4096x832xf32, #tpu.memory_space<hbm>> -> memref<32x832xf32, #tpu.memory_space<hbm>>
          tpu.wait_dma2 semaphore(%run_scoped3A : memref<!tpu.dma_semaphore, #tpu.memory_space<semaphore_mem>>) src(%arg11 : memref<32x832xf32, #tpu.memory_space<vmem>>) dst(%dma_wait3A_1052 : memref<32x832xf32, #tpu.memory_space<hbm>>)
          tpu.yield
        }) : () -> ()
      } else {
      }
      %mul3A_358 = arith.constant 4 : i32
      %mul3A_359 = arith.muli %mul3A_358, %scan3A_150 : i32
      %add3A_360 = arith.constant 1 : i32
      %add3A_361 = arith.addi %mul3A_359, %add3A_360 : i32
      %add3A_362 = arith.constant 1 : i32
      %add3A_363 = arith.addi %add3A_361, %add3A_362 : i32
      %min3A_364 = arith.constant 103 : i32
      %min3A_365 = arith.minsi %add3A_363, %min3A_364 : i32
      %add3A_366 = arith.constant 3 : i32
      %add3A_367 = arith.addi %add3A_361, %add3A_366 : i32
      %min3A_368 = arith.constant 103 : i32
      %min3A_369 = arith.minsi %add3A_367, %min3A_368 : i32
      %dma_wait3A_370 = arith.constant 0 : i32
      %dma_wait3A_371 = tpu.memref_slice %arg3[%dma_wait3A_370] : memref<2129920xi32, #tpu.memory_space<hbm>> -> memref<640xi32, #tpu.memory_space<hbm>>
      %dma_wait3A_372 = arith.constant 0 : i32
      %dma_wait3A_373 = tpu.memref_slice %arg3[%dma_wait3A_372] : memref<2129920xi32, #tpu.memory_space<hbm>> -> memref<640xi32, #tpu.memory_space<hbm>>
      tpu.wait_dma2 semaphore(%arg14 : memref<!tpu.dma_semaphore, #tpu.memory_space<semaphore_mem>>) src(%dma_wait3A_373 : memref<640xi32, #tpu.memory_space<hbm>>) dst(%arg7 : memref<640xi32, #tpu.memory_space<vmem>>)
      %jit3A_374 = arith.constant 26 : i32
      %eq3A_375 = arith.constant 0 : i32
      %eq3A_376 = arith.cmpi eq, %jit3A_374, %eq3A_375 : i32
      %jit3A_377 = arith.constant 1 : i32
      %select_n3A_378 = arith.select %eq3A_376, %jit3A_377, %jit3A_374 : i32
      %rem3A_379 = arith.remsi %min3A_365, %select_n3A_378 : i32
      %ne3A_380 = arith.constant 0 : i32
      %ne3A_381 = arith.cmpi ne, %rem3A_379, %ne3A_380 : i32
      %lt3A_382 = arith.constant 0 : i32
      %lt3A_383 = arith.cmpi slt, %rem3A_379, %lt3A_382 : i32
      %lt3A_384 = arith.constant 0 : i32
      %lt3A_385 = arith.cmpi slt, %select_n3A_378, %lt3A_384 : i32
      %ne3A_386 = arith.xori %lt3A_383, %lt3A_385 : i1
      %and3A_387 = arith.andi %ne3A_386, %ne3A_381 : i1
      %add3A_388 = arith.addi %rem3A_379, %select_n3A_378 : i32
      %select_n3A_389 = arith.select %and3A_387, %add3A_388, %rem3A_379 : i32
      %mul3A_390 = arith.constant 100000 : i32
      %mul3A_391 = arith.muli %select_n3A_389, %mul3A_390 : i32
      %scan3A_392 = arith.constant 0 : i32
      %scan3A_393 = arith.constant 0 : i32
      %scan3A_394 = arith.constant 40 : i32
      %scan3A_395 = arith.addi %scan3A_393, %scan3A_394 : i32
      %scan3A_396 = arith.constant 1 : i32
      scf.for %scan3A_1018 = %scan3A_393 to %scan3A_395 step %scan3A_396  : i32 {
        %mul3A_1019 = arith.constant 16 : i32
        %mul3A_1020 = arith.muli %scan3A_1018, %mul3A_1019 : i32
        %get3A = arith.index_cast %mul3A_1020 : i32 to index
        %get3A_1021 = tpu.vector_load %arg7[%get3A] {strides = array<i32>} : memref<640xi32, #tpu.memory_space<vmem>>, vector<16xi32>,
        %get3A_1022 = vector.shape_cast %get3A_1021 : vector<16xi32> to vector<16xi32>
        %add3A_1023 = vector.broadcast %mul3A_391 : i32 to vector<16xi32>
        %add3A_1024 = arith.addi %get3A_1022, %add3A_1023 : vector<16xi32>
        %mul3A_1025 = arith.constant 16 : i32
        %mul3A_1026 = arith.muli %scan3A_1018, %mul3A_1025 : i32
        %swap3A = arith.index_cast %mul3A_1026 : i32 to index
        %swap3A_1027 = tpu.vector_load %arg7[%swap3A] {strides = array<i32>} : memref<640xi32, #tpu.memory_space<vmem>>, vector<16xi32>,
        %swap3A_1028 = vector.shape_cast %swap3A_1027 : vector<16xi32> to vector<16xi32>
        %swap3A_1029 = vector.shape_cast %add3A_1024 : vector<16xi32> to vector<16xi32>
        tpu.vector_store %arg7[%swap3A], %swap3A_1029 {strides = array<i32>} : memref<640xi32, #tpu.memory_space<vmem>>, vector<16xi32>,
      }
      %scan3A_397 = arith.constant 40 : i32
      %dma_start3A_398 = arith.constant 0 : i32
      %dma_start3A_399 = arith.constant 0 : i32
      %dma_start3A_400 = tpu.memref_slice %arg9[%dma_start3A_398, %dma_start3A_399] : memref<640x32xf32, #tpu.memory_space<vmem>> -> memref<128x32xf32, #tpu.memory_space<vmem>>
      %dma_start3A_401 = arith.constant 0 : i32
      %dma_start3A_402 = tpu.memref_slice %arg7[%dma_start3A_401] : memref<640xi32, #tpu.memory_space<vmem>> -> memref<128xi32, #tpu.memory_space<vmem>>
      %dma_start3A_403 = arith.constant 0 : i32
      %dma_start3A_404 = arith.constant 0 : i32
      %dma_start3A_405 = tpu.memref_slice %arg2[%dma_start3A_403, %dma_start3A_404] : memref<2600000x32xf32, #tpu.memory_space<hbm>> -> memref<2600000x32xf32, #tpu.memory_space<hbm>>
      tpu.enqueue_indirect_dma source(%dma_start3A_405 : memref<2600000x32xf32, #tpu.memory_space<hbm>>) target(%dma_start3A_400 : memref<128x32xf32, #tpu.memory_space<vmem>>) offsets(%dma_start3A_402 : memref<128xi32, #tpu.memory_space<vmem>>) semaphore(%arg16 : memref<!tpu.dma_semaphore, #tpu.memory_space<semaphore_mem>>)
      %dma_start3A_406 = arith.constant 128 : i32
      %dma_start3A_407 = arith.constant 0 : i32
      %dma_start3A_408 = tpu.memref_slice %arg9[%dma_start3A_406, %dma_start3A_407] : memref<640x32xf32, #tpu.memory_space<vmem>> -> memref<128x32xf32, #tpu.memory_space<vmem>>
      %dma_start3A_409 = arith.constant 128 : i32
      %dma_start3A_410 = tpu.memref_slice %arg7[%dma_start3A_409] : memref<640xi32, #tpu.memory_space<vmem>> -> memref<128xi32, #tpu.memory_space<vmem>>
      %dma_start3A_411 = arith.constant 0 : i32
      %dma_start3A_412 = arith.constant 0 : i32
      %dma_start3A_413 = tpu.memref_slice %arg2[%dma_start3A_411, %dma_start3A_412] : memref<2600000x32xf32, #tpu.memory_space<hbm>> -> memref<2600000x32xf32, #tpu.memory_space<hbm>>
      tpu.enqueue_indirect_dma source(%dma_start3A_413 : memref<2600000x32xf32, #tpu.memory_space<hbm>>) target(%dma_start3A_408 : memref<128x32xf32, #tpu.memory_space<vmem>>) offsets(%dma_start3A_410 : memref<128xi32, #tpu.memory_space<vmem>>) semaphore(%arg16 : memref<!tpu.dma_semaphore, #tpu.memory_space<semaphore_mem>>)
      %dma_start3A_414 = arith.constant 256 : i32
      %dma_start3A_415 = arith.constant 0 : i32
      %dma_start3A_416 = tpu.memref_slice %arg9[%dma_start3A_414, %dma_start3A_415] : memref<640x32xf32, #tpu.memory_space<vmem>> -> memref<128x32xf32, #tpu.memory_space<vmem>>
      %dma_start3A_417 = arith.constant 256 : i32
      %dma_start3A_418 = tpu.memref_slice %arg7[%dma_start3A_417] : memref<640xi32, #tpu.memory_space<vmem>> -> memref<128xi32, #tpu.memory_space<vmem>>
      %dma_start3A_419 = arith.constant 0 : i32
      %dma_start3A_420 = arith.constant 0 : i32
      %dma_start3A_421 = tpu.memref_slice %arg2[%dma_start3A_419, %dma_start3A_420] : memref<2600000x32xf32, #tpu.memory_space<hbm>> -> memref<2600000x32xf32, #tpu.memory_space<hbm>>
      tpu.enqueue_indirect_dma source(%dma_start3A_421 : memref<2600000x32xf32, #tpu.memory_space<hbm>>) target(%dma_start3A_416 : memref<128x32xf32, #tpu.memory_space<vmem>>) offsets(%dma_start3A_418 : memref<128xi32, #tpu.memory_space<vmem>>) semaphore(%arg16 : memref<!tpu.dma_semaphore, #tpu.memory_space<semaphore_mem>>)
      %dma_start3A_422 = arith.constant 384 : i32
      %dma_start3A_423 = arith.constant 0 : i32
      %dma_start3A_424 = tpu.memref_slice %arg9[%dma_start3A_422, %dma_start3A_423] : memref<640x32xf32, #tpu.memory_space<vmem>> -> memref<128x32xf32, #tpu.memory_space<vmem>>
      %dma_start3A_425 = arith.constant 384 : i32
      %dma_start3A_426 = tpu.memref_slice %arg7[%dma_start3A_425] : memref<640xi32, #tpu.memory_space<vmem>> -> memref<128xi32, #tpu.memory_space<vmem>>
      %dma_start3A_427 = arith.constant 0 : i32
      %dma_start3A_428 = arith.constant 0 : i32
      %dma_start3A_429 = tpu.memref_slice %arg2[%dma_start3A_427, %dma_start3A_428] : memref<2600000x32xf32, #tpu.memory_space<hbm>> -> memref<2600000x32xf32, #tpu.memory_space<hbm>>
      tpu.enqueue_indirect_dma source(%dma_start3A_429 : memref<2600000x32xf32, #tpu.memory_space<hbm>>) target(%dma_start3A_424 : memref<128x32xf32, #tpu.memory_space<vmem>>) offsets(%dma_start3A_426 : memref<128xi32, #tpu.memory_space<vmem>>) semaphore(%arg16 : memref<!tpu.dma_semaphore, #tpu.memory_space<semaphore_mem>>)
      %dma_start3A_430 = arith.constant 512 : i32
      %dma_start3A_431 = arith.constant 0 : i32
      %dma_start3A_432 = tpu.memref_slice %arg9[%dma_start3A_430, %dma_start3A_431] : memref<640x32xf32, #tpu.memory_space<vmem>> -> memref<128x32xf32, #tpu.memory_space<vmem>>
      %dma_start3A_433 = arith.constant 512 : i32
      %dma_start3A_434 = tpu.memref_slice %arg7[%dma_start3A_433] : memref<640xi32, #tpu.memory_space<vmem>> -> memref<128xi32, #tpu.memory_space<vmem>>
      %dma_start3A_435 = arith.constant 0 : i32
      %dma_start3A_436 = arith.constant 0 : i32
      %dma_start3A_437 = tpu.memref_slice %arg2[%dma_start3A_435, %dma_start3A_436] : memref<2600000x32xf32, #tpu.memory_space<hbm>> -> memref<2600000x32xf32, #tpu.memory_space<hbm>>
      tpu.enqueue_indirect_dma source(%dma_start3A_437 : memref<2600000x32xf32, #tpu.memory_space<hbm>>) target(%dma_start3A_432 : memref<128x32xf32, #tpu.memory_space<vmem>>) offsets(%dma_start3A_434 : memref<128xi32, #tpu.memory_space<vmem>>) semaphore(%arg16 : memref<!tpu.dma_semaphore, #tpu.memory_space<semaphore_mem>>)
      %jit3A_438 = arith.constant 26 : i32
      %eq3A_439 = arith.constant 0 : i32
      %eq3A_440 = arith.cmpi eq, %jit3A_438, %eq3A_439 : i32
      %jit3A_441 = arith.constant 1 : i32
      %select_n3A_442 = arith.select %eq3A_440, %jit3A_441, %jit3A_438 : i32
      %rem3A_443 = arith.remsi %min3A_369, %select_n3A_442 : i32
      %ne3A_444 = arith.constant 0 : i32
      %ne3A_445 = arith.cmpi ne, %rem3A_443, %ne3A_444 : i32
      %lt3A_446 = arith.constant 0 : i32
      %lt3A_447 = arith.cmpi slt, %rem3A_443, %lt3A_446 : i32
      %lt3A_448 = arith.constant 0 : i32
      %lt3A_449 = arith.cmpi slt, %select_n3A_442, %lt3A_448 : i32
      %ne3A_450 = arith.xori %lt3A_447, %lt3A_449 : i1
      %and3A_451 = arith.andi %ne3A_450, %ne3A_445 : i1
      %add3A_452 = arith.addi %rem3A_443, %select_n3A_442 : i32
      %select_n3A_453 = arith.select %and3A_451, %add3A_452, %rem3A_443 : i32
      %jit3A_454 = arith.constant 26 : i32
      %div3A_455 = arith.divsi %min3A_369, %jit3A_454 : i32
      %sign3A_456 = arith.constant 0 : i32
      %sign3A_457 = arith.cmpi sgt, %min3A_369, %sign3A_456 : i32
      %sign3A_458 = arith.extui %sign3A_457 : i1 to i32
      %sign3A_459 = arith.constant 0 : i32
      %sign3A_460 = arith.cmpi slt, %min3A_369, %sign3A_459 : i32
      %sign3A_461 = arith.extui %sign3A_460 : i1 to i32
      %sign3A_462 = arith.subi %sign3A_458, %sign3A_461 : i32
      %sign3A_463 = arith.constant 0 : i32
      %sign3A_464 = arith.cmpi sgt, %jit3A_454, %sign3A_463 : i32
      %sign3A_465 = arith.extui %sign3A_464 : i1 to i32
      %sign3A_466 = arith.constant 0 : i32
      %sign3A_467 = arith.cmpi slt, %jit3A_454, %sign3A_466 : i32
      %sign3A_468 = arith.extui %sign3A_467 : i1 to i32
      %sign3A_469 = arith.subi %sign3A_465, %sign3A_468 : i32
      %ne3A_470 = arith.cmpi ne, %sign3A_462, %sign3A_469 : i32
      %rem3A_471 = arith.remsi %min3A_369, %jit3A_454 : i32
      %ne3A_472 = arith.constant 0 : i32
      %ne3A_473 = arith.cmpi ne, %rem3A_471, %ne3A_472 : i32
      %and3A_474 = arith.andi %ne3A_470, %ne3A_473 : i1
      %sub3A_475 = arith.constant 1 : i32
      %sub3A_476 = arith.subi %div3A_455, %sub3A_475 : i32
      %select_n3A_477 = arith.select %and3A_474, %sub3A_476, %div3A_455 : i32
      %mul3A_478 = arith.constant 81920 : i32
      %mul3A_479 = arith.muli %select_n3A_453, %mul3A_478 : i32
      %mul3A_480 = arith.constant 32 : i32
      %mul3A_481 = arith.muli %select_n3A_477, %mul3A_480 : i32
      %add3A_482 = arith.addi %mul3A_2, %mul3A_481 : i32
      %mul3A_483 = arith.constant 20 : i32
      %mul3A_484 = arith.muli %add3A_482, %mul3A_483 : i32
      %add3A_485 = arith.addi %mul3A_479, %mul3A_484 : i32
      %multiple_of3A_486 = tpu.assume_multiple %add3A_485, 640 : i32
      %dma_start3A_487 = tpu.memref_slice %arg3[%multiple_of3A_486] : memref<2129920xi32, #tpu.memory_space<hbm>> -> memref<640xi32, #tpu.memory_space<hbm>>
      %dma_start3A_488 = tpu.memref_slice %arg3[%multiple_of3A_486] : memref<2129920xi32, #tpu.memory_space<hbm>> -> memref<640xi32, #tpu.memory_space<hbm>>
      tpu.enqueue_dma source(%dma_start3A_488 : memref<640xi32, #tpu.memory_space<hbm>>) target(%arg5 : memref<640xi32, #tpu.memory_space<vmem>>) target_semaphore(%arg12 : memref<!tpu.dma_semaphore, #tpu.memory_space<semaphore_mem>>)
      %dma_wait3A_489 = arith.constant 0 : i32
      %dma_wait3A_490 = arith.constant 0 : i32
      %dma_wait3A_491 = tpu.memref_slice %arg10[%dma_wait3A_489, %dma_wait3A_490] : memref<640x32xf32, #tpu.memory_space<vmem>> -> memref<128x32xf32, #tpu.memory_space<vmem>>
      %dma_wait3A_492 = arith.constant 0 : i32
      %dma_wait3A_493 = arith.constant 0 : i32
      %dma_wait3A_494 = tpu.memref_slice %arg2[%dma_wait3A_492, %dma_wait3A_493] : memref<2600000x32xf32, #tpu.memory_space<hbm>> -> memref<128x32xf32, #tpu.memory_space<hbm>>
      %dma_wait3A_495 = arith.constant 0 : i32
      %dma_wait3A_496 = arith.constant 0 : i32
      %dma_wait3A_497 = tpu.memref_slice %arg10[%dma_wait3A_495, %dma_wait3A_496] : memref<640x32xf32, #tpu.memory_space<vmem>> -> memref<128x32xf32, #tpu.memory_space<vmem>>
      %dma_wait3A_498 = arith.constant 0 : i32
      %dma_wait3A_499 = arith.constant 0 : i32
      %dma_wait3A_500 = tpu.memref_slice %arg2[%dma_wait3A_498, %dma_wait3A_499] : memref<2600000x32xf32, #tpu.memory_space<hbm>> -> memref<128x32xf32, #tpu.memory_space<hbm>>
      tpu.wait_dma2 semaphore(%arg17 : memref<!tpu.dma_semaphore, #tpu.memory_space<semaphore_mem>>) src(%dma_wait3A_500 : memref<128x32xf32, #tpu.memory_space<hbm>>) dst(%dma_wait3A_497 : memref<128x32xf32, #tpu.memory_space<vmem>>)
      %dma_wait3A_501 = arith.constant 128 : i32
      %dma_wait3A_502 = arith.constant 0 : i32
      %dma_wait3A_503 = tpu.memref_slice %arg10[%dma_wait3A_501, %dma_wait3A_502] : memref<640x32xf32, #tpu.memory_space<vmem>> -> memref<128x32xf32, #tpu.memory_space<vmem>>
      %dma_wait3A_504 = arith.constant 0 : i32
      %dma_wait3A_505 = arith.constant 0 : i32
      %dma_wait3A_506 = tpu.memref_slice %arg2[%dma_wait3A_504, %dma_wait3A_505] : memref<2600000x32xf32, #tpu.memory_space<hbm>> -> memref<128x32xf32, #tpu.memory_space<hbm>>
      %dma_wait3A_507 = arith.constant 128 : i32
      %dma_wait3A_508 = arith.constant 0 : i32
      %dma_wait3A_509 = tpu.memref_slice %arg10[%dma_wait3A_507, %dma_wait3A_508] : memref<640x32xf32, #tpu.memory_space<vmem>> -> memref<128x32xf32, #tpu.memory_space<vmem>>
      %dma_wait3A_510 = arith.constant 0 : i32
      %dma_wait3A_511 = arith.constant 0 : i32
      %dma_wait3A_512 = tpu.memref_slice %arg2[%dma_wait3A_510, %dma_wait3A_511] : memref<2600000x32xf32, #tpu.memory_space<hbm>> -> memref<128x32xf32, #tpu.memory_space<hbm>>
      tpu.wait_dma2 semaphore(%arg17 : memref<!tpu.dma_semaphore, #tpu.memory_space<semaphore_mem>>) src(%dma_wait3A_512 : memref<128x32xf32, #tpu.memory_space<hbm>>) dst(%dma_wait3A_509 : memref<128x32xf32, #tpu.memory_space<vmem>>)
      %dma_wait3A_513 = arith.constant 256 : i32
      %dma_wait3A_514 = arith.constant 0 : i32
      %dma_wait3A_515 = tpu.memref_slice %arg10[%dma_wait3A_513, %dma_wait3A_514] : memref<640x32xf32, #tpu.memory_space<vmem>> -> memref<128x32xf32, #tpu.memory_space<vmem>>
      %dma_wait3A_516 = arith.constant 0 : i32
      %dma_wait3A_517 = arith.constant 0 : i32
      %dma_wait3A_518 = tpu.memref_slice %arg2[%dma_wait3A_516, %dma_wait3A_517] : memref<2600000x32xf32, #tpu.memory_space<hbm>> -> memref<128x32xf32, #tpu.memory_space<hbm>>
      %dma_wait3A_519 = arith.constant 256 : i32
      %dma_wait3A_520 = arith.constant 0 : i32
      %dma_wait3A_521 = tpu.memref_slice %arg10[%dma_wait3A_519, %dma_wait3A_520] : memref<640x32xf32, #tpu.memory_space<vmem>> -> memref<128x32xf32, #tpu.memory_space<vmem>>
      %dma_wait3A_522 = arith.constant 0 : i32
      %dma_wait3A_523 = arith.constant 0 : i32
      %dma_wait3A_524 = tpu.memref_slice %arg2[%dma_wait3A_522, %dma_wait3A_523] : memref<2600000x32xf32, #tpu.memory_space<hbm>> -> memref<128x32xf32, #tpu.memory_space<hbm>>
      tpu.wait_dma2 semaphore(%arg17 : memref<!tpu.dma_semaphore, #tpu.memory_space<semaphore_mem>>) src(%dma_wait3A_524 : memref<128x32xf32, #tpu.memory_space<hbm>>) dst(%dma_wait3A_521 : memref<128x32xf32, #tpu.memory_space<vmem>>)
      %dma_wait3A_525 = arith.constant 384 : i32
      %dma_wait3A_526 = arith.constant 0 : i32
      %dma_wait3A_527 = tpu.memref_slice %arg10[%dma_wait3A_525, %dma_wait3A_526] : memref<640x32xf32, #tpu.memory_space<vmem>> -> memref<128x32xf32, #tpu.memory_space<vmem>>
      %dma_wait3A_528 = arith.constant 0 : i32
      %dma_wait3A_529 = arith.constant 0 : i32
      %dma_wait3A_530 = tpu.memref_slice %arg2[%dma_wait3A_528, %dma_wait3A_529] : memref<2600000x32xf32, #tpu.memory_space<hbm>> -> memref<128x32xf32, #tpu.memory_space<hbm>>
      %dma_wait3A_531 = arith.constant 384 : i32
      %dma_wait3A_532 = arith.constant 0 : i32
      %dma_wait3A_533 = tpu.memref_slice %arg10[%dma_wait3A_531, %dma_wait3A_532] : memref<640x32xf32, #tpu.memory_space<vmem>> -> memref<128x32xf32, #tpu.memory_space<vmem>>
      %dma_wait3A_534 = arith.constant 0 : i32
      %dma_wait3A_535 = arith.constant 0 : i32
      %dma_wait3A_536 = tpu.memref_slice %arg2[%dma_wait3A_534, %dma_wait3A_535] : memref<2600000x32xf32, #tpu.memory_space<hbm>> -> memref<128x32xf32, #tpu.memory_space<hbm>>
      tpu.wait_dma2 semaphore(%arg17 : memref<!tpu.dma_semaphore, #tpu.memory_space<semaphore_mem>>) src(%dma_wait3A_536 : memref<128x32xf32, #tpu.memory_space<hbm>>) dst(%dma_wait3A_533 : memref<128x32xf32, #tpu.memory_space<vmem>>)
      %dma_wait3A_537 = arith.constant 512 : i32
      %dma_wait3A_538 = arith.constant 0 : i32
      %dma_wait3A_539 = tpu.memref_slice %arg10[%dma_wait3A_537, %dma_wait3A_538] : memref<640x32xf32, #tpu.memory_space<vmem>> -> memref<128x32xf32, #tpu.memory_space<vmem>>
      %dma_wait3A_540 = arith.constant 0 : i32
      %dma_wait3A_541 = arith.constant 0 : i32
      %dma_wait3A_542 = tpu.memref_slice %arg2[%dma_wait3A_540, %dma_wait3A_541] : memref<2600000x32xf32, #tpu.memory_space<hbm>> -> memref<128x32xf32, #tpu.memory_space<hbm>>
      %dma_wait3A_543 = arith.constant 512 : i32
      %dma_wait3A_544 = arith.constant 0 : i32
      %dma_wait3A_545 = tpu.memref_slice %arg10[%dma_wait3A_543, %dma_wait3A_544] : memref<640x32xf32, #tpu.memory_space<vmem>> -> memref<128x32xf32, #tpu.memory_space<vmem>>
      %dma_wait3A_546 = arith.constant 0 : i32
      %dma_wait3A_547 = arith.constant 0 : i32
      %dma_wait3A_548 = tpu.memref_slice %arg2[%dma_wait3A_546, %dma_wait3A_547] : memref<2600000x32xf32, #tpu.memory_space<hbm>> -> memref<128x32xf32, #tpu.memory_space<hbm>>
      tpu.wait_dma2 semaphore(%arg17 : memref<!tpu.dma_semaphore, #tpu.memory_space<semaphore_mem>>) src(%dma_wait3A_548 : memref<128x32xf32, #tpu.memory_space<hbm>>) dst(%dma_wait3A_545 : memref<128x32xf32, #tpu.memory_space<vmem>>)
      %jit3A_549 = arith.constant 26 : i32
      %eq3A_550 = arith.constant 0 : i32
      %eq3A_551 = arith.cmpi eq, %jit3A_549, %eq3A_550 : i32
      %jit3A_552 = arith.constant 1 : i32
      %select_n3A_553 = arith.select %eq3A_551, %jit3A_552, %jit3A_549 : i32
      %rem3A_554 = arith.remsi %add3A_361, %select_n3A_553 : i32
      %ne3A_555 = arith.constant 0 : i32
      %ne3A_556 = arith.cmpi ne, %rem3A_554, %ne3A_555 : i32
      %lt3A_557 = arith.constant 0 : i32
      %lt3A_558 = arith.cmpi slt, %rem3A_554, %lt3A_557 : i32
      %lt3A_559 = arith.constant 0 : i32
      %lt3A_560 = arith.cmpi slt, %select_n3A_553, %lt3A_559 : i32
      %ne3A_561 = arith.xori %lt3A_558, %lt3A_560 : i1
      %and3A_562 = arith.andi %ne3A_561, %ne3A_556 : i1
      %add3A_563 = arith.addi %rem3A_554, %select_n3A_553 : i32
      %select_n3A_564 = arith.select %and3A_562, %add3A_563, %rem3A_554 : i32
      %mul3A_565 = arith.constant 32 : i32
      %mul3A_566 = arith.muli %select_n3A_564, %mul3A_565 : i32
      %scan3A_567 = arith.constant 0 : i32
      %scan3A_568 = arith.constant 0 : i32
      %scan3A_569 = arith.constant 32 : i32
      %scan3A_570 = arith.addi %scan3A_568, %scan3A_569 : i32
      %scan3A_571 = arith.constant 1 : i32
      scf.for %scan3A_1018 = %scan3A_568 to %scan3A_570 step %scan3A_571  : i32 {
        %mul3A_1019 = arith.constant 20 : i32
        %mul3A_1020 = arith.muli %scan3A_1018, %mul3A_1019 : i32
        %add3A_1021 = arith.constant 0 : i32
        %add3A_1022 = arith.addi %mul3A_1020, %add3A_1021 : i32
        %get3A = arith.index_cast %add3A_1022 : i32 to index
        %get3A_1023 = arith.constant 0 : index
        %get3A_1024 = tpu.vector_load %arg10[%get3A, %get3A_1023] {strides = array<i32>} : memref<640x32xf32, #tpu.memory_space<vmem>>, vector<1x16xf32>,
        %get3A_1025 = vector.shape_cast %get3A_1024 : vector<1x16xf32> to vector<16xf32>
        %add3A_1026 = arith.constant 1 : i32
        %add3A_1027 = arith.addi %mul3A_1020, %add3A_1026 : i32
        %get3A_1028 = arith.index_cast %add3A_1027 : i32 to index
        %get3A_1029 = arith.constant 0 : index
        %get3A_1030 = tpu.vector_load %arg10[%get3A_1028, %get3A_1029] {strides = array<i32>} : memref<640x32xf32, #tpu.memory_space<vmem>>, vector<1x16xf32>,
        %get3A_1031 = vector.shape_cast %get3A_1030 : vector<1x16xf32> to vector<16xf32>
        %add3A_1032 = arith.constant 2 : i32
        %add3A_1033 = arith.addi %mul3A_1020, %add3A_1032 : i32
        %get3A_1034 = arith.index_cast %add3A_1033 : i32 to index
        %get3A_1035 = arith.constant 0 : index
        %get3A_1036 = tpu.vector_load %arg10[%get3A_1034, %get3A_1035] {strides = array<i32>} : memref<640x32xf32, #tpu.memory_space<vmem>>, vector<1x16xf32>,
        %get3A_1037 = vector.shape_cast %get3A_1036 : vector<1x16xf32> to vector<16xf32>
        %add3A_1038 = arith.constant 3 : i32
        %add3A_1039 = arith.addi %mul3A_1020, %add3A_1038 : i32
        %get3A_1040 = arith.index_cast %add3A_1039 : i32 to index
        %get3A_1041 = arith.constant 0 : index
        %get3A_1042 = tpu.vector_load %arg10[%get3A_1040, %get3A_1041] {strides = array<i32>} : memref<640x32xf32, #tpu.memory_space<vmem>>, vector<1x16xf32>,
        %get3A_1043 = vector.shape_cast %get3A_1042 : vector<1x16xf32> to vector<16xf32>
        %add3A_1044 = arith.constant 0 : i32
        %add3A_1045 = arith.addi %mul3A_1020, %add3A_1044 : i32
        %get3A_1046 = arith.index_cast %add3A_1045 : i32 to index
        %get3A_1047 = arith.constant 16 : index
        %get3A_1048 = tpu.vector_load %arg10[%get3A_1046, %get3A_1047] {strides = array<i32>} : memref<640x32xf32, #tpu.memory_space<vmem>>, vector<1x16xf32>,
        %get3A_1049 = vector.shape_cast %get3A_1048 : vector<1x16xf32> to vector<16xf32>
        %add3A_1050 = arith.constant 1 : i32
        %add3A_1051 = arith.addi %mul3A_1020, %add3A_1050 : i32
        %get3A_1052 = arith.index_cast %add3A_1051 : i32 to index
        %get3A_1053 = arith.constant 16 : index
        %get3A_1054 = tpu.vector_load %arg10[%get3A_1052, %get3A_1053] {strides = array<i32>} : memref<640x32xf32, #tpu.memory_space<vmem>>, vector<1x16xf32>,
        %get3A_1055 = vector.shape_cast %get3A_1054 : vector<1x16xf32> to vector<16xf32>
        %add3A_1056 = arith.constant 2 : i32
        %add3A_1057 = arith.addi %mul3A_1020, %add3A_1056 : i32
        %get3A_1058 = arith.index_cast %add3A_1057 : i32 to index
        %get3A_1059 = arith.constant 16 : index
        %get3A_1060 = tpu.vector_load %arg10[%get3A_1058, %get3A_1059] {strides = array<i32>} : memref<640x32xf32, #tpu.memory_space<vmem>>, vector<1x16xf32>,
        %get3A_1061 = vector.shape_cast %get3A_1060 : vector<1x16xf32> to vector<16xf32>
        %add3A_1062 = arith.constant 3 : i32
        %add3A_1063 = arith.addi %mul3A_1020, %add3A_1062 : i32
        %get3A_1064 = arith.index_cast %add3A_1063 : i32 to index
        %get3A_1065 = arith.constant 16 : index
        %get3A_1066 = tpu.vector_load %arg10[%get3A_1064, %get3A_1065] {strides = array<i32>} : memref<640x32xf32, #tpu.memory_space<vmem>>, vector<1x16xf32>,
        %get3A_1067 = vector.shape_cast %get3A_1066 : vector<1x16xf32> to vector<16xf32>
        %add3A_1068 = arith.constant 4 : i32
        %add3A_1069 = arith.addi %mul3A_1020, %add3A_1068 : i32
        %get3A_1070 = arith.index_cast %add3A_1069 : i32 to index
        %get3A_1071 = arith.constant 0 : index
        %get3A_1072 = tpu.vector_load %arg10[%get3A_1070, %get3A_1071] {strides = array<i32>} : memref<640x32xf32, #tpu.memory_space<vmem>>, vector<1x16xf32>,
        %get3A_1073 = vector.shape_cast %get3A_1072 : vector<1x16xf32> to vector<16xf32>
        %add3A_1074 = arith.addf %get3A_1025, %get3A_1073 : vector<16xf32>
        %add3A_1075 = arith.constant 4 : i32
        %add3A_1076 = arith.addi %mul3A_1020, %add3A_1075 : i32
        %get3A_1077 = arith.index_cast %add3A_1076 : i32 to index
        %get3A_1078 = arith.constant 16 : index
        %get3A_1079 = tpu.vector_load %arg10[%get3A_1077, %get3A_1078] {strides = array<i32>} : memref<640x32xf32, #tpu.memory_space<vmem>>, vector<1x16xf32>,
        %get3A_1080 = vector.shape_cast %get3A_1079 : vector<1x16xf32> to vector<16xf32>
        %add3A_1081 = arith.addf %get3A_1049, %get3A_1080 : vector<16xf32>
        %add3A_1082 = arith.constant 5 : i32
        %add3A_1083 = arith.addi %mul3A_1020, %add3A_1082 : i32
        %get3A_1084 = arith.index_cast %add3A_1083 : i32 to index
        %get3A_1085 = arith.constant 0 : index
        %get3A_1086 = tpu.vector_load %arg10[%get3A_1084, %get3A_1085] {strides = array<i32>} : memref<640x32xf32, #tpu.memory_space<vmem>>, vector<1x16xf32>,
        %get3A_1087 = vector.shape_cast %get3A_1086 : vector<1x16xf32> to vector<16xf32>
        %add3A_1088 = arith.addf %get3A_1031, %get3A_1087 : vector<16xf32>
        %add3A_1089 = arith.constant 5 : i32
        %add3A_1090 = arith.addi %mul3A_1020, %add3A_1089 : i32
        %get3A_1091 = arith.index_cast %add3A_1090 : i32 to index
        %get3A_1092 = arith.constant 16 : index
        %get3A_1093 = tpu.vector_load %arg10[%get3A_1091, %get3A_1092] {strides = array<i32>} : memref<640x32xf32, #tpu.memory_space<vmem>>, vector<1x16xf32>,
        %get3A_1094 = vector.shape_cast %get3A_1093 : vector<1x16xf32> to vector<16xf32>
        %add3A_1095 = arith.addf %get3A_1055, %get3A_1094 : vector<16xf32>
        %add3A_1096 = arith.constant 6 : i32
        %add3A_1097 = arith.addi %mul3A_1020, %add3A_1096 : i32
        %get3A_1098 = arith.index_cast %add3A_1097 : i32 to index
        %get3A_1099 = arith.constant 0 : index
        %get3A_1100 = tpu.vector_load %arg10[%get3A_1098, %get3A_1099] {strides = array<i32>} : memref<640x32xf32, #tpu.memory_space<vmem>>, vector<1x16xf32>,
        %get3A_1101 = vector.shape_cast %get3A_1100 : vector<1x16xf32> to vector<16xf32>
        %add3A_1102 = arith.addf %get3A_1037, %get3A_1101 : vector<16xf32>
        %add3A_1103 = arith.constant 6 : i32
        %add3A_1104 = arith.addi %mul3A_1020, %add3A_1103 : i32
        %get3A_1105 = arith.index_cast %add3A_1104 : i32 to index
        %get3A_1106 = arith.constant 16 : index
        %get3A_1107 = tpu.vector_load %arg10[%get3A_1105, %get3A_1106] {strides = array<i32>} : memref<640x32xf32, #tpu.memory_space<vmem>>, vector<1x16xf32>,
        %get3A_1108 = vector.shape_cast %get3A_1107 : vector<1x16xf32> to vector<16xf32>
        %add3A_1109 = arith.addf %get3A_1061, %get3A_1108 : vector<16xf32>
        %add3A_1110 = arith.constant 7 : i32
        %add3A_1111 = arith.addi %mul3A_1020, %add3A_1110 : i32
        %get3A_1112 = arith.index_cast %add3A_1111 : i32 to index
        %get3A_1113 = arith.constant 0 : index
        %get3A_1114 = tpu.vector_load %arg10[%get3A_1112, %get3A_1113] {strides = array<i32>} : memref<640x32xf32, #tpu.memory_space<vmem>>, vector<1x16xf32>,
        %get3A_1115 = vector.shape_cast %get3A_1114 : vector<1x16xf32> to vector<16xf32>
        %add3A_1116 = arith.addf %get3A_1043, %get3A_1115 : vector<16xf32>
        %add3A_1117 = arith.constant 7 : i32
        %add3A_1118 = arith.addi %mul3A_1020, %add3A_1117 : i32
        %get3A_1119 = arith.index_cast %add3A_1118 : i32 to index
        %get3A_1120 = arith.constant 16 : index
        %get3A_1121 = tpu.vector_load %arg10[%get3A_1119, %get3A_1120] {strides = array<i32>} : memref<640x32xf32, #tpu.memory_space<vmem>>, vector<1x16xf32>,
        %get3A_1122 = vector.shape_cast %get3A_1121 : vector<1x16xf32> to vector<16xf32>
        %add3A_1123 = arith.addf %get3A_1067, %get3A_1122 : vector<16xf32>
        %add3A_1124 = arith.constant 8 : i32
        %add3A_1125 = arith.addi %mul3A_1020, %add3A_1124 : i32
        %get3A_1126 = arith.index_cast %add3A_1125 : i32 to index
        %get3A_1127 = arith.constant 0 : index
        %get3A_1128 = tpu.vector_load %arg10[%get3A_1126, %get3A_1127] {strides = array<i32>} : memref<640x32xf32, #tpu.memory_space<vmem>>, vector<1x16xf32>,
        %get3A_1129 = vector.shape_cast %get3A_1128 : vector<1x16xf32> to vector<16xf32>
        %add3A_1130 = arith.addf %add3A_1074, %get3A_1129 : vector<16xf32>
        %add3A_1131 = arith.constant 8 : i32
        %add3A_1132 = arith.addi %mul3A_1020, %add3A_1131 : i32
        %get3A_1133 = arith.index_cast %add3A_1132 : i32 to index
        %get3A_1134 = arith.constant 16 : index
        %get3A_1135 = tpu.vector_load %arg10[%get3A_1133, %get3A_1134] {strides = array<i32>} : memref<640x32xf32, #tpu.memory_space<vmem>>, vector<1x16xf32>,
        %get3A_1136 = vector.shape_cast %get3A_1135 : vector<1x16xf32> to vector<16xf32>
        %add3A_1137 = arith.addf %add3A_1081, %get3A_1136 : vector<16xf32>
        %add3A_1138 = arith.constant 9 : i32
        %add3A_1139 = arith.addi %mul3A_1020, %add3A_1138 : i32
        %get3A_1140 = arith.index_cast %add3A_1139 : i32 to index
        %get3A_1141 = arith.constant 0 : index
        %get3A_1142 = tpu.vector_load %arg10[%get3A_1140, %get3A_1141] {strides = array<i32>} : memref<640x32xf32, #tpu.memory_space<vmem>>, vector<1x16xf32>,
        %get3A_1143 = vector.shape_cast %get3A_1142 : vector<1x16xf32> to vector<16xf32>
        %add3A_1144 = arith.addf %add3A_1088, %get3A_1143 : vector<16xf32>
        %add3A_1145 = arith.constant 9 : i32
        %add3A_1146 = arith.addi %mul3A_1020, %add3A_1145 : i32
        %get3A_1147 = arith.index_cast %add3A_1146 : i32 to index
        %get3A_1148 = arith.constant 16 : index
        %get3A_1149 = tpu.vector_load %arg10[%get3A_1147, %get3A_1148] {strides = array<i32>} : memref<640x32xf32, #tpu.memory_space<vmem>>, vector<1x16xf32>,
        %get3A_1150 = vector.shape_cast %get3A_1149 : vector<1x16xf32> to vector<16xf32>
        %add3A_1151 = arith.addf %add3A_1095, %get3A_1150 : vector<16xf32>
        %add3A_1152 = arith.constant 10 : i32
        %add3A_1153 = arith.addi %mul3A_1020, %add3A_1152 : i32
        %get3A_1154 = arith.index_cast %add3A_1153 : i32 to index
        %get3A_1155 = arith.constant 0 : index
        %get3A_1156 = tpu.vector_load %arg10[%get3A_1154, %get3A_1155] {strides = array<i32>} : memref<640x32xf32, #tpu.memory_space<vmem>>, vector<1x16xf32>,
        %get3A_1157 = vector.shape_cast %get3A_1156 : vector<1x16xf32> to vector<16xf32>
        %add3A_1158 = arith.addf %add3A_1102, %get3A_1157 : vector<16xf32>
        %add3A_1159 = arith.constant 10 : i32
        %add3A_1160 = arith.addi %mul3A_1020, %add3A_1159 : i32
        %get3A_1161 = arith.index_cast %add3A_1160 : i32 to index
        %get3A_1162 = arith.constant 16 : index
        %get3A_1163 = tpu.vector_load %arg10[%get3A_1161, %get3A_1162] {strides = array<i32>} : memref<640x32xf32, #tpu.memory_space<vmem>>, vector<1x16xf32>,
        %get3A_1164 = vector.shape_cast %get3A_1163 : vector<1x16xf32> to vector<16xf32>
        %add3A_1165 = arith.addf %add3A_1109, %get3A_1164 : vector<16xf32>
        %add3A_1166 = arith.constant 11 : i32
        %add3A_1167 = arith.addi %mul3A_1020, %add3A_1166 : i32
        %get3A_1168 = arith.index_cast %add3A_1167 : i32 to index
        %get3A_1169 = arith.constant 0 : index
        %get3A_1170 = tpu.vector_load %arg10[%get3A_1168, %get3A_1169] {strides = array<i32>} : memref<640x32xf32, #tpu.memory_space<vmem>>, vector<1x16xf32>,
        %get3A_1171 = vector.shape_cast %get3A_1170 : vector<1x16xf32> to vector<16xf32>
        %add3A_1172 = arith.addf %add3A_1116, %get3A_1171 : vector<16xf32>
        %add3A_1173 = arith.constant 11 : i32
        %add3A_1174 = arith.addi %mul3A_1020, %add3A_1173 : i32
        %get3A_1175 = arith.index_cast %add3A_1174 : i32 to index
        %get3A_1176 = arith.constant 16 : index
        %get3A_1177 = tpu.vector_load %arg10[%get3A_1175, %get3A_1176] {strides = array<i32>} : memref<640x32xf32, #tpu.memory_space<vmem>>, vector<1x16xf32>,
        %get3A_1178 = vector.shape_cast %get3A_1177 : vector<1x16xf32> to vector<16xf32>
        %add3A_1179 = arith.addf %add3A_1123, %get3A_1178 : vector<16xf32>
        %add3A_1180 = arith.constant 12 : i32
        %add3A_1181 = arith.addi %mul3A_1020, %add3A_1180 : i32
        %get3A_1182 = arith.index_cast %add3A_1181 : i32 to index
        %get3A_1183 = arith.constant 0 : index
        %get3A_1184 = tpu.vector_load %arg10[%get3A_1182, %get3A_1183] {strides = array<i32>} : memref<640x32xf32, #tpu.memory_space<vmem>>, vector<1x16xf32>,
        %get3A_1185 = vector.shape_cast %get3A_1184 : vector<1x16xf32> to vector<16xf32>
        %add3A_1186 = arith.addf %add3A_1130, %get3A_1185 : vector<16xf32>
        %add3A_1187 = arith.constant 12 : i32
        %add3A_1188 = arith.addi %mul3A_1020, %add3A_1187 : i32
        %get3A_1189 = arith.index_cast %add3A_1188 : i32 to index
        %get3A_1190 = arith.constant 16 : index
        %get3A_1191 = tpu.vector_load %arg10[%get3A_1189, %get3A_1190] {strides = array<i32>} : memref<640x32xf32, #tpu.memory_space<vmem>>, vector<1x16xf32>,
        %get3A_1192 = vector.shape_cast %get3A_1191 : vector<1x16xf32> to vector<16xf32>
        %add3A_1193 = arith.addf %add3A_1137, %get3A_1192 : vector<16xf32>
        %add3A_1194 = arith.constant 13 : i32
        %add3A_1195 = arith.addi %mul3A_1020, %add3A_1194 : i32
        %get3A_1196 = arith.index_cast %add3A_1195 : i32 to index
        %get3A_1197 = arith.constant 0 : index
        %get3A_1198 = tpu.vector_load %arg10[%get3A_1196, %get3A_1197] {strides = array<i32>} : memref<640x32xf32, #tpu.memory_space<vmem>>, vector<1x16xf32>,
        %get3A_1199 = vector.shape_cast %get3A_1198 : vector<1x16xf32> to vector<16xf32>
        %add3A_1200 = arith.addf %add3A_1144, %get3A_1199 : vector<16xf32>
        %add3A_1201 = arith.constant 13 : i32
        %add3A_1202 = arith.addi %mul3A_1020, %add3A_1201 : i32
        %get3A_1203 = arith.index_cast %add3A_1202 : i32 to index
        %get3A_1204 = arith.constant 16 : index
        %get3A_1205 = tpu.vector_load %arg10[%get3A_1203, %get3A_1204] {strides = array<i32>} : memref<640x32xf32, #tpu.memory_space<vmem>>, vector<1x16xf32>,
        %get3A_1206 = vector.shape_cast %get3A_1205 : vector<1x16xf32> to vector<16xf32>
        %add3A_1207 = arith.addf %add3A_1151, %get3A_1206 : vector<16xf32>
        %add3A_1208 = arith.constant 14 : i32
        %add3A_1209 = arith.addi %mul3A_1020, %add3A_1208 : i32
        %get3A_1210 = arith.index_cast %add3A_1209 : i32 to index
        %get3A_1211 = arith.constant 0 : index
        %get3A_1212 = tpu.vector_load %arg10[%get3A_1210, %get3A_1211] {strides = array<i32>} : memref<640x32xf32, #tpu.memory_space<vmem>>, vector<1x16xf32>,
        %get3A_1213 = vector.shape_cast %get3A_1212 : vector<1x16xf32> to vector<16xf32>
        %add3A_1214 = arith.addf %add3A_1158, %get3A_1213 : vector<16xf32>
        %add3A_1215 = arith.constant 14 : i32
        %add3A_1216 = arith.addi %mul3A_1020, %add3A_1215 : i32
        %get3A_1217 = arith.index_cast %add3A_1216 : i32 to index
        %get3A_1218 = arith.constant 16 : index
        %get3A_1219 = tpu.vector_load %arg10[%get3A_1217, %get3A_1218] {strides = array<i32>} : memref<640x32xf32, #tpu.memory_space<vmem>>, vector<1x16xf32>,
        %get3A_1220 = vector.shape_cast %get3A_1219 : vector<1x16xf32> to vector<16xf32>
        %add3A_1221 = arith.addf %add3A_1165, %get3A_1220 : vector<16xf32>
        %add3A_1222 = arith.constant 15 : i32
        %add3A_1223 = arith.addi %mul3A_1020, %add3A_1222 : i32
        %get3A_1224 = arith.index_cast %add3A_1223 : i32 to index
        %get3A_1225 = arith.constant 0 : index
        %get3A_1226 = tpu.vector_load %arg10[%get3A_1224, %get3A_1225] {strides = array<i32>} : memref<640x32xf32, #tpu.memory_space<vmem>>, vector<1x16xf32>,
        %get3A_1227 = vector.shape_cast %get3A_1226 : vector<1x16xf32> to vector<16xf32>
        %add3A_1228 = arith.addf %add3A_1172, %get3A_1227 : vector<16xf32>
        %add3A_1229 = arith.constant 15 : i32
        %add3A_1230 = arith.addi %mul3A_1020, %add3A_1229 : i32
        %get3A_1231 = arith.index_cast %add3A_1230 : i32 to index
        %get3A_1232 = arith.constant 16 : index
        %get3A_1233 = tpu.vector_load %arg10[%get3A_1231, %get3A_1232] {strides = array<i32>} : memref<640x32xf32, #tpu.memory_space<vmem>>, vector<1x16xf32>,
        %get3A_1234 = vector.shape_cast %get3A_1233 : vector<1x16xf32> to vector<16xf32>
        %add3A_1235 = arith.addf %add3A_1179, %get3A_1234 : vector<16xf32>
        %add3A_1236 = arith.constant 16 : i32
        %add3A_1237 = arith.addi %mul3A_1020, %add3A_1236 : i32
        %get3A_1238 = arith.index_cast %add3A_1237 : i32 to index
        %get3A_1239 = arith.constant 0 : index
        %get3A_1240 = tpu.vector_load %arg10[%get3A_1238, %get3A_1239] {strides = array<i32>} : memref<640x32xf32, #tpu.memory_space<vmem>>, vector<1x16xf32>,
        %get3A_1241 = vector.shape_cast %get3A_1240 : vector<1x16xf32> to vector<16xf32>
        %add3A_1242 = arith.addf %add3A_1186, %get3A_1241 : vector<16xf32>
        %add3A_1243 = arith.constant 16 : i32
        %add3A_1244 = arith.addi %mul3A_1020, %add3A_1243 : i32
        %get3A_1245 = arith.index_cast %add3A_1244 : i32 to index
        %get3A_1246 = arith.constant 16 : index
        %get3A_1247 = tpu.vector_load %arg10[%get3A_1245, %get3A_1246] {strides = array<i32>} : memref<640x32xf32, #tpu.memory_space<vmem>>, vector<1x16xf32>,
        %get3A_1248 = vector.shape_cast %get3A_1247 : vector<1x16xf32> to vector<16xf32>
        %add3A_1249 = arith.addf %add3A_1193, %get3A_1248 : vector<16xf32>
        %add3A_1250 = arith.constant 17 : i32
        %add3A_1251 = arith.addi %mul3A_1020, %add3A_1250 : i32
        %get3A_1252 = arith.index_cast %add3A_1251 : i32 to index
        %get3A_1253 = arith.constant 0 : index
        %get3A_1254 = tpu.vector_load %arg10[%get3A_1252, %get3A_1253] {strides = array<i32>} : memref<640x32xf32, #tpu.memory_space<vmem>>, vector<1x16xf32>,
        %get3A_1255 = vector.shape_cast %get3A_1254 : vector<1x16xf32> to vector<16xf32>
        %add3A_1256 = arith.addf %add3A_1200, %get3A_1255 : vector<16xf32>
        %add3A_1257 = arith.constant 17 : i32
        %add3A_1258 = arith.addi %mul3A_1020, %add3A_1257 : i32
        %get3A_1259 = arith.index_cast %add3A_1258 : i32 to index
        %get3A_1260 = arith.constant 16 : index
        %get3A_1261 = tpu.vector_load %arg10[%get3A_1259, %get3A_1260] {strides = array<i32>} : memref<640x32xf32, #tpu.memory_space<vmem>>, vector<1x16xf32>,
        %get3A_1262 = vector.shape_cast %get3A_1261 : vector<1x16xf32> to vector<16xf32>
        %add3A_1263 = arith.addf %add3A_1207, %get3A_1262 : vector<16xf32>
        %add3A_1264 = arith.constant 18 : i32
        %add3A_1265 = arith.addi %mul3A_1020, %add3A_1264 : i32
        %get3A_1266 = arith.index_cast %add3A_1265 : i32 to index
        %get3A_1267 = arith.constant 0 : index
        %get3A_1268 = tpu.vector_load %arg10[%get3A_1266, %get3A_1267] {strides = array<i32>} : memref<640x32xf32, #tpu.memory_space<vmem>>, vector<1x16xf32>,
        %get3A_1269 = vector.shape_cast %get3A_1268 : vector<1x16xf32> to vector<16xf32>
        %add3A_1270 = arith.addf %add3A_1214, %get3A_1269 : vector<16xf32>
        %add3A_1271 = arith.constant 18 : i32
        %add3A_1272 = arith.addi %mul3A_1020, %add3A_1271 : i32
        %get3A_1273 = arith.index_cast %add3A_1272 : i32 to index
        %get3A_1274 = arith.constant 16 : index
        %get3A_1275 = tpu.vector_load %arg10[%get3A_1273, %get3A_1274] {strides = array<i32>} : memref<640x32xf32, #tpu.memory_space<vmem>>, vector<1x16xf32>,
        %get3A_1276 = vector.shape_cast %get3A_1275 : vector<1x16xf32> to vector<16xf32>
        %add3A_1277 = arith.addf %add3A_1221, %get3A_1276 : vector<16xf32>
        %add3A_1278 = arith.constant 19 : i32
        %add3A_1279 = arith.addi %mul3A_1020, %add3A_1278 : i32
        %get3A_1280 = arith.index_cast %add3A_1279 : i32 to index
        %get3A_1281 = arith.constant 0 : index
        %get3A_1282 = tpu.vector_load %arg10[%get3A_1280, %get3A_1281] {strides = array<i32>} : memref<640x32xf32, #tpu.memory_space<vmem>>, vector<1x16xf32>,
        %get3A_1283 = vector.shape_cast %get3A_1282 : vector<1x16xf32> to vector<16xf32>
        %add3A_1284 = arith.addf %add3A_1228, %get3A_1283 : vector<16xf32>
        %add3A_1285 = arith.constant 19 : i32
        %add3A_1286 = arith.addi %mul3A_1020, %add3A_1285 : i32
        %get3A_1287 = arith.index_cast %add3A_1286 : i32 to index
        %get3A_1288 = arith.constant 16 : index
        %get3A_1289 = tpu.vector_load %arg10[%get3A_1287, %get3A_1288] {strides = array<i32>} : memref<640x32xf32, #tpu.memory_space<vmem>>, vector<1x16xf32>,
        %get3A_1290 = vector.shape_cast %get3A_1289 : vector<1x16xf32> to vector<16xf32>
        %add3A_1291 = arith.addf %add3A_1235, %get3A_1290 : vector<16xf32>
        %add3A_1292 = arith.addf %add3A_1242, %add3A_1256 : vector<16xf32>
        %add3A_1293 = arith.addf %add3A_1270, %add3A_1284 : vector<16xf32>
        %add3A_1294 = arith.addf %add3A_1292, %add3A_1293 : vector<16xf32>
        %swap3A = arith.index_cast %scan3A_1018 : i32 to index
        %swap3A_1295 = arith.index_cast %mul3A_566 : i32 to index
        %swap3A_1296 = tpu.vector_load %arg11[%swap3A, %swap3A_1295] {strides = array<i32>} : memref<32x832xf32, #tpu.memory_space<vmem>>, vector<1x16xf32>,
        %swap3A_1297 = vector.shape_cast %swap3A_1296 : vector<1x16xf32> to vector<16xf32>
        %swap3A_1298 = vector.shape_cast %add3A_1294 : vector<16xf32> to vector<1x16xf32>
        tpu.vector_store %arg11[%swap3A, %swap3A_1295], %swap3A_1298 {strides = array<i32>} : memref<32x832xf32, #tpu.memory_space<vmem>>, vector<1x16xf32>,
        %add3A_1299 = arith.addf %add3A_1249, %add3A_1263 : vector<16xf32>
        %add3A_1300 = arith.addf %add3A_1277, %add3A_1291 : vector<16xf32>
        %add3A_1301 = arith.addf %add3A_1299, %add3A_1300 : vector<16xf32>
        %add3A_1302 = arith.constant 16 : i32
        %add3A_1303 = arith.addi %mul3A_566, %add3A_1302 : i32
        %swap3A_1304 = arith.index_cast %scan3A_1018 : i32 to index
        %swap3A_1305 = arith.index_cast %add3A_1303 : i32 to index
        %swap3A_1306 = tpu.vector_load %arg11[%swap3A_1304, %swap3A_1305] {strides = array<i32>} : memref<32x832xf32, #tpu.memory_space<vmem>>, vector<1x16xf32>,
        %swap3A_1307 = vector.shape_cast %swap3A_1306 : vector<1x16xf32> to vector<16xf32>
        %swap3A_1308 = vector.shape_cast %add3A_1301 : vector<16xf32> to vector<1x16xf32>
        tpu.vector_store %arg11[%swap3A_1304, %swap3A_1305], %swap3A_1308 {strides = array<i32>} : memref<32x832xf32, #tpu.memory_space<vmem>>, vector<1x16xf32>,
      }
      %scan3A_572 = arith.constant 32 : i32
      %eq3A_573 = arith.constant 25 : i32
      %eq3A_574 = arith.cmpi eq, %select_n3A_564, %eq3A_573 : i32
      %convert_element_type3A_575 = arith.extui %eq3A_574 : i1 to i32
      %cond3A_576 = arith.constant 0 : i32
      %cond3A_577 = arith.cmpi ne, %convert_element_type3A_575, %cond3A_576 : i32
      scf.if %cond3A_577 {
        %jit3A_1018 = arith.constant 26 : i32
        %div3A_1019 = arith.divsi %add3A_361, %jit3A_1018 : i32
        %sign3A_1020 = arith.constant 0 : i32
        %sign3A_1021 = arith.cmpi sgt, %add3A_361, %sign3A_1020 : i32
        %sign3A_1022 = arith.extui %sign3A_1021 : i1 to i32
        %sign3A_1023 = arith.constant 0 : i32
        %sign3A_1024 = arith.cmpi slt, %add3A_361, %sign3A_1023 : i32
        %sign3A_1025 = arith.extui %sign3A_1024 : i1 to i32
        %sign3A_1026 = arith.subi %sign3A_1022, %sign3A_1025 : i32
        %sign3A_1027 = arith.constant 0 : i32
        %sign3A_1028 = arith.cmpi sgt, %jit3A_1018, %sign3A_1027 : i32
        %sign3A_1029 = arith.extui %sign3A_1028 : i1 to i32
        %sign3A_1030 = arith.constant 0 : i32
        %sign3A_1031 = arith.cmpi slt, %jit3A_1018, %sign3A_1030 : i32
        %sign3A_1032 = arith.extui %sign3A_1031 : i1 to i32
        %sign3A_1033 = arith.subi %sign3A_1029, %sign3A_1032 : i32
        %ne3A_1034 = arith.cmpi ne, %sign3A_1026, %sign3A_1033 : i32
        %rem3A_1035 = arith.remsi %add3A_361, %jit3A_1018 : i32
        %ne3A_1036 = arith.constant 0 : i32
        %ne3A_1037 = arith.cmpi ne, %rem3A_1035, %ne3A_1036 : i32
        %and3A_1038 = arith.andi %ne3A_1034, %ne3A_1037 : i1
        %sub3A_1039 = arith.constant 1 : i32
        %sub3A_1040 = arith.subi %div3A_1019, %sub3A_1039 : i32
        %select_n3A_1041 = arith.select %and3A_1038, %sub3A_1040, %div3A_1019 : i32
        %mul3A_1042 = arith.constant 32 : i32
        %mul3A_1043 = arith.muli %select_n3A_1041, %mul3A_1042 : i32
        %add3A_1044 = arith.addi %mul3A_2, %mul3A_1043 : i32
        "tpu.region"() ({
          %run_scoped3A = tpu.sem_alloc : memref<!tpu.dma_semaphore, #tpu.memory_space<semaphore_mem>>
          %dma_start3A_1045 = arith.constant 0 : i32
          %dma_start3A_1046 = tpu.memref_slice %arg4[%add3A_1044, %dma_start3A_1045] : memref<4096x832xf32, #tpu.memory_space<hbm>> -> memref<32x832xf32, #tpu.memory_space<hbm>>
          %dma_start3A_1047 = arith.constant 0 : i32
          %dma_start3A_1048 = tpu.memref_slice %arg4[%add3A_1044, %dma_start3A_1047] : memref<4096x832xf32, #tpu.memory_space<hbm>> -> memref<32x832xf32, #tpu.memory_space<hbm>>
          tpu.enqueue_dma source(%arg11 : memref<32x832xf32, #tpu.memory_space<vmem>>) target(%dma_start3A_1048 : memref<32x832xf32, #tpu.memory_space<hbm>>) target_semaphore(%run_scoped3A : memref<!tpu.dma_semaphore, #tpu.memory_space<semaphore_mem>>)
          %dma_wait3A_1049 = arith.constant 0 : i32
          %dma_wait3A_1050 = tpu.memref_slice %arg4[%add3A_1044, %dma_wait3A_1049] : memref<4096x832xf32, #tpu.memory_space<hbm>> -> memref<32x832xf32, #tpu.memory_space<hbm>>
          %dma_wait3A_1051 = arith.constant 0 : i32
          %dma_wait3A_1052 = tpu.memref_slice %arg4[%add3A_1044, %dma_wait3A_1051] : memref<4096x832xf32, #tpu.memory_space<hbm>> -> memref<32x832xf32, #tpu.memory_space<hbm>>
          tpu.wait_dma2 semaphore(%run_scoped3A : memref<!tpu.dma_semaphore, #tpu.memory_space<semaphore_mem>>) src(%arg11 : memref<32x832xf32, #tpu.memory_space<vmem>>) dst(%dma_wait3A_1052 : memref<32x832xf32, #tpu.memory_space<hbm>>)
          tpu.yield
        }) : () -> ()
      } else {
      }
      %mul3A_578 = arith.constant 4 : i32
      %mul3A_579 = arith.muli %mul3A_578, %scan3A_150 : i32
      %add3A_580 = arith.constant 2 : i32
      %add3A_581 = arith.addi %mul3A_579, %add3A_580 : i32
      %add3A_582 = arith.constant 1 : i32
      %add3A_583 = arith.addi %add3A_581, %add3A_582 : i32
      %min3A_584 = arith.constant 103 : i32
      %min3A_585 = arith.minsi %add3A_583, %min3A_584 : i32
      %add3A_586 = arith.constant 3 : i32
      %add3A_587 = arith.addi %add3A_581, %add3A_586 : i32
      %min3A_588 = arith.constant 103 : i32
      %min3A_589 = arith.minsi %add3A_587, %min3A_588 : i32
      %dma_wait3A_590 = arith.constant 0 : i32
      %dma_wait3A_591 = tpu.memref_slice %arg3[%dma_wait3A_590] : memref<2129920xi32, #tpu.memory_space<hbm>> -> memref<640xi32, #tpu.memory_space<hbm>>
      %dma_wait3A_592 = arith.constant 0 : i32
      %dma_wait3A_593 = tpu.memref_slice %arg3[%dma_wait3A_592] : memref<2129920xi32, #tpu.memory_space<hbm>> -> memref<640xi32, #tpu.memory_space<hbm>>
      tpu.wait_dma2 semaphore(%arg15 : memref<!tpu.dma_semaphore, #tpu.memory_space<semaphore_mem>>) src(%dma_wait3A_593 : memref<640xi32, #tpu.memory_space<hbm>>) dst(%arg8 : memref<640xi32, #tpu.memory_space<vmem>>)
      %jit3A_594 = arith.constant 26 : i32
      %eq3A_595 = arith.constant 0 : i32
      %eq3A_596 = arith.cmpi eq, %jit3A_594, %eq3A_595 : i32
      %jit3A_597 = arith.constant 1 : i32
      %select_n3A_598 = arith.select %eq3A_596, %jit3A_597, %jit3A_594 : i32
      %rem3A_599 = arith.remsi %min3A_585, %select_n3A_598 : i32
      %ne3A_600 = arith.constant 0 : i32
      %ne3A_601 = arith.cmpi ne, %rem3A_599, %ne3A_600 : i32
      %lt3A_602 = arith.constant 0 : i32
      %lt3A_603 = arith.cmpi slt, %rem3A_599, %lt3A_602 : i32
      %lt3A_604 = arith.constant 0 : i32
      %lt3A_605 = arith.cmpi slt, %select_n3A_598, %lt3A_604 : i32
      %ne3A_606 = arith.xori %lt3A_603, %lt3A_605 : i1
      %and3A_607 = arith.andi %ne3A_606, %ne3A_601 : i1
      %add3A_608 = arith.addi %rem3A_599, %select_n3A_598 : i32
      %select_n3A_609 = arith.select %and3A_607, %add3A_608, %rem3A_599 : i32
      %mul3A_610 = arith.constant 100000 : i32
      %mul3A_611 = arith.muli %select_n3A_609, %mul3A_610 : i32
      %scan3A_612 = arith.constant 0 : i32
      %scan3A_613 = arith.constant 0 : i32
      %scan3A_614 = arith.constant 40 : i32
      %scan3A_615 = arith.addi %scan3A_613, %scan3A_614 : i32
      %scan3A_616 = arith.constant 1 : i32
      scf.for %scan3A_1018 = %scan3A_613 to %scan3A_615 step %scan3A_616  : i32 {
        %mul3A_1019 = arith.constant 16 : i32
        %mul3A_1020 = arith.muli %scan3A_1018, %mul3A_1019 : i32
        %get3A = arith.index_cast %mul3A_1020 : i32 to index
        %get3A_1021 = tpu.vector_load %arg8[%get3A] {strides = array<i32>} : memref<640xi32, #tpu.memory_space<vmem>>, vector<16xi32>,
        %get3A_1022 = vector.shape_cast %get3A_1021 : vector<16xi32> to vector<16xi32>
        %add3A_1023 = vector.broadcast %mul3A_611 : i32 to vector<16xi32>
        %add3A_1024 = arith.addi %get3A_1022, %add3A_1023 : vector<16xi32>
        %mul3A_1025 = arith.constant 16 : i32
        %mul3A_1026 = arith.muli %scan3A_1018, %mul3A_1025 : i32
        %swap3A = arith.index_cast %mul3A_1026 : i32 to index
        %swap3A_1027 = tpu.vector_load %arg8[%swap3A] {strides = array<i32>} : memref<640xi32, #tpu.memory_space<vmem>>, vector<16xi32>,
        %swap3A_1028 = vector.shape_cast %swap3A_1027 : vector<16xi32> to vector<16xi32>
        %swap3A_1029 = vector.shape_cast %add3A_1024 : vector<16xi32> to vector<16xi32>
        tpu.vector_store %arg8[%swap3A], %swap3A_1029 {strides = array<i32>} : memref<640xi32, #tpu.memory_space<vmem>>, vector<16xi32>,
      }
      %scan3A_617 = arith.constant 40 : i32
      %dma_start3A_618 = arith.constant 0 : i32
      %dma_start3A_619 = arith.constant 0 : i32
      %dma_start3A_620 = tpu.memref_slice %arg10[%dma_start3A_618, %dma_start3A_619] : memref<640x32xf32, #tpu.memory_space<vmem>> -> memref<128x32xf32, #tpu.memory_space<vmem>>
      %dma_start3A_621 = arith.constant 0 : i32
      %dma_start3A_622 = tpu.memref_slice %arg8[%dma_start3A_621] : memref<640xi32, #tpu.memory_space<vmem>> -> memref<128xi32, #tpu.memory_space<vmem>>
      %dma_start3A_623 = arith.constant 0 : i32
      %dma_start3A_624 = arith.constant 0 : i32
      %dma_start3A_625 = tpu.memref_slice %arg2[%dma_start3A_623, %dma_start3A_624] : memref<2600000x32xf32, #tpu.memory_space<hbm>> -> memref<2600000x32xf32, #tpu.memory_space<hbm>>
      tpu.enqueue_indirect_dma source(%dma_start3A_625 : memref<2600000x32xf32, #tpu.memory_space<hbm>>) target(%dma_start3A_620 : memref<128x32xf32, #tpu.memory_space<vmem>>) offsets(%dma_start3A_622 : memref<128xi32, #tpu.memory_space<vmem>>) semaphore(%arg17 : memref<!tpu.dma_semaphore, #tpu.memory_space<semaphore_mem>>)
      %dma_start3A_626 = arith.constant 128 : i32
      %dma_start3A_627 = arith.constant 0 : i32
      %dma_start3A_628 = tpu.memref_slice %arg10[%dma_start3A_626, %dma_start3A_627] : memref<640x32xf32, #tpu.memory_space<vmem>> -> memref<128x32xf32, #tpu.memory_space<vmem>>
      %dma_start3A_629 = arith.constant 128 : i32
      %dma_start3A_630 = tpu.memref_slice %arg8[%dma_start3A_629] : memref<640xi32, #tpu.memory_space<vmem>> -> memref<128xi32, #tpu.memory_space<vmem>>
      %dma_start3A_631 = arith.constant 0 : i32
      %dma_start3A_632 = arith.constant 0 : i32
      %dma_start3A_633 = tpu.memref_slice %arg2[%dma_start3A_631, %dma_start3A_632] : memref<2600000x32xf32, #tpu.memory_space<hbm>> -> memref<2600000x32xf32, #tpu.memory_space<hbm>>
      tpu.enqueue_indirect_dma source(%dma_start3A_633 : memref<2600000x32xf32, #tpu.memory_space<hbm>>) target(%dma_start3A_628 : memref<128x32xf32, #tpu.memory_space<vmem>>) offsets(%dma_start3A_630 : memref<128xi32, #tpu.memory_space<vmem>>) semaphore(%arg17 : memref<!tpu.dma_semaphore, #tpu.memory_space<semaphore_mem>>)
      %dma_start3A_634 = arith.constant 256 : i32
      %dma_start3A_635 = arith.constant 0 : i32
      %dma_start3A_636 = tpu.memref_slice %arg10[%dma_start3A_634, %dma_start3A_635] : memref<640x32xf32, #tpu.memory_space<vmem>> -> memref<128x32xf32, #tpu.memory_space<vmem>>
      %dma_start3A_637 = arith.constant 256 : i32
      %dma_start3A_638 = tpu.memref_slice %arg8[%dma_start3A_637] : memref<640xi32, #tpu.memory_space<vmem>> -> memref<128xi32, #tpu.memory_space<vmem>>
      %dma_start3A_639 = arith.constant 0 : i32
      %dma_start3A_640 = arith.constant 0 : i32
      %dma_start3A_641 = tpu.memref_slice %arg2[%dma_start3A_639, %dma_start3A_640] : memref<2600000x32xf32, #tpu.memory_space<hbm>> -> memref<2600000x32xf32, #tpu.memory_space<hbm>>
      tpu.enqueue_indirect_dma source(%dma_start3A_641 : memref<2600000x32xf32, #tpu.memory_space<hbm>>) target(%dma_start3A_636 : memref<128x32xf32, #tpu.memory_space<vmem>>) offsets(%dma_start3A_638 : memref<128xi32, #tpu.memory_space<vmem>>) semaphore(%arg17 : memref<!tpu.dma_semaphore, #tpu.memory_space<semaphore_mem>>)
      %dma_start3A_642 = arith.constant 384 : i32
      %dma_start3A_643 = arith.constant 0 : i32
      %dma_start3A_644 = tpu.memref_slice %arg10[%dma_start3A_642, %dma_start3A_643] : memref<640x32xf32, #tpu.memory_space<vmem>> -> memref<128x32xf32, #tpu.memory_space<vmem>>
      %dma_start3A_645 = arith.constant 384 : i32
      %dma_start3A_646 = tpu.memref_slice %arg8[%dma_start3A_645] : memref<640xi32, #tpu.memory_space<vmem>> -> memref<128xi32, #tpu.memory_space<vmem>>
      %dma_start3A_647 = arith.constant 0 : i32
      %dma_start3A_648 = arith.constant 0 : i32
      %dma_start3A_649 = tpu.memref_slice %arg2[%dma_start3A_647, %dma_start3A_648] : memref<2600000x32xf32, #tpu.memory_space<hbm>> -> memref<2600000x32xf32, #tpu.memory_space<hbm>>
      tpu.enqueue_indirect_dma source(%dma_start3A_649 : memref<2600000x32xf32, #tpu.memory_space<hbm>>) target(%dma_start3A_644 : memref<128x32xf32, #tpu.memory_space<vmem>>) offsets(%dma_start3A_646 : memref<128xi32, #tpu.memory_space<vmem>>) semaphore(%arg17 : memref<!tpu.dma_semaphore, #tpu.memory_space<semaphore_mem>>)
      %dma_start3A_650 = arith.constant 512 : i32
      %dma_start3A_651 = arith.constant 0 : i32
      %dma_start3A_652 = tpu.memref_slice %arg10[%dma_start3A_650, %dma_start3A_651] : memref<640x32xf32, #tpu.memory_space<vmem>> -> memref<128x32xf32, #tpu.memory_space<vmem>>
      %dma_start3A_653 = arith.constant 512 : i32
      %dma_start3A_654 = tpu.memref_slice %arg8[%dma_start3A_653] : memref<640xi32, #tpu.memory_space<vmem>> -> memref<128xi32, #tpu.memory_space<vmem>>
      %dma_start3A_655 = arith.constant 0 : i32
      %dma_start3A_656 = arith.constant 0 : i32
      %dma_start3A_657 = tpu.memref_slice %arg2[%dma_start3A_655, %dma_start3A_656] : memref<2600000x32xf32, #tpu.memory_space<hbm>> -> memref<2600000x32xf32, #tpu.memory_space<hbm>>
      tpu.enqueue_indirect_dma source(%dma_start3A_657 : memref<2600000x32xf32, #tpu.memory_space<hbm>>) target(%dma_start3A_652 : memref<128x32xf32, #tpu.memory_space<vmem>>) offsets(%dma_start3A_654 : memref<128xi32, #tpu.memory_space<vmem>>) semaphore(%arg17 : memref<!tpu.dma_semaphore, #tpu.memory_space<semaphore_mem>>)
      %jit3A_658 = arith.constant 26 : i32
      %eq3A_659 = arith.constant 0 : i32
      %eq3A_660 = arith.cmpi eq, %jit3A_658, %eq3A_659 : i32
      %jit3A_661 = arith.constant 1 : i32
      %select_n3A_662 = arith.select %eq3A_660, %jit3A_661, %jit3A_658 : i32
      %rem3A_663 = arith.remsi %min3A_589, %select_n3A_662 : i32
      %ne3A_664 = arith.constant 0 : i32
      %ne3A_665 = arith.cmpi ne, %rem3A_663, %ne3A_664 : i32
      %lt3A_666 = arith.constant 0 : i32
      %lt3A_667 = arith.cmpi slt, %rem3A_663, %lt3A_666 : i32
      %lt3A_668 = arith.constant 0 : i32
      %lt3A_669 = arith.cmpi slt, %select_n3A_662, %lt3A_668 : i32
      %ne3A_670 = arith.xori %lt3A_667, %lt3A_669 : i1
      %and3A_671 = arith.andi %ne3A_670, %ne3A_665 : i1
      %add3A_672 = arith.addi %rem3A_663, %select_n3A_662 : i32
      %select_n3A_673 = arith.select %and3A_671, %add3A_672, %rem3A_663 : i32
      %jit3A_674 = arith.constant 26 : i32
      %div3A_675 = arith.divsi %min3A_589, %jit3A_674 : i32
      %sign3A_676 = arith.constant 0 : i32
      %sign3A_677 = arith.cmpi sgt, %min3A_589, %sign3A_676 : i32
      %sign3A_678 = arith.extui %sign3A_677 : i1 to i32
      %sign3A_679 = arith.constant 0 : i32
      %sign3A_680 = arith.cmpi slt, %min3A_589, %sign3A_679 : i32
      %sign3A_681 = arith.extui %sign3A_680 : i1 to i32
      %sign3A_682 = arith.subi %sign3A_678, %sign3A_681 : i32
      %sign3A_683 = arith.constant 0 : i32
      %sign3A_684 = arith.cmpi sgt, %jit3A_674, %sign3A_683 : i32
      %sign3A_685 = arith.extui %sign3A_684 : i1 to i32
      %sign3A_686 = arith.constant 0 : i32
      %sign3A_687 = arith.cmpi slt, %jit3A_674, %sign3A_686 : i32
      %sign3A_688 = arith.extui %sign3A_687 : i1 to i32
      %sign3A_689 = arith.subi %sign3A_685, %sign3A_688 : i32
      %ne3A_690 = arith.cmpi ne, %sign3A_682, %sign3A_689 : i32
      %rem3A_691 = arith.remsi %min3A_589, %jit3A_674 : i32
      %ne3A_692 = arith.constant 0 : i32
      %ne3A_693 = arith.cmpi ne, %rem3A_691, %ne3A_692 : i32
      %and3A_694 = arith.andi %ne3A_690, %ne3A_693 : i1
      %sub3A_695 = arith.constant 1 : i32
      %sub3A_696 = arith.subi %div3A_675, %sub3A_695 : i32
      %select_n3A_697 = arith.select %and3A_694, %sub3A_696, %div3A_675 : i32
      %mul3A_698 = arith.constant 81920 : i32
      %mul3A_699 = arith.muli %select_n3A_673, %mul3A_698 : i32
      %mul3A_700 = arith.constant 32 : i32
      %mul3A_701 = arith.muli %select_n3A_697, %mul3A_700 : i32
      %add3A_702 = arith.addi %mul3A_2, %mul3A_701 : i32
      %mul3A_703 = arith.constant 20 : i32
      %mul3A_704 = arith.muli %add3A_702, %mul3A_703 : i32
      %add3A_705 = arith.addi %mul3A_699, %mul3A_704 : i32
      %multiple_of3A_706 = tpu.assume_multiple %add3A_705, 640 : i32
      %dma_start3A_707 = tpu.memref_slice %arg3[%multiple_of3A_706] : memref<2129920xi32, #tpu.memory_space<hbm>> -> memref<640xi32, #tpu.memory_space<hbm>>
      %dma_start3A_708 = tpu.memref_slice %arg3[%multiple_of3A_706] : memref<2129920xi32, #tpu.memory_space<hbm>> -> memref<640xi32, #tpu.memory_space<hbm>>
      tpu.enqueue_dma source(%dma_start3A_708 : memref<640xi32, #tpu.memory_space<hbm>>) target(%arg6 : memref<640xi32, #tpu.memory_space<vmem>>) target_semaphore(%arg13 : memref<!tpu.dma_semaphore, #tpu.memory_space<semaphore_mem>>)
      %dma_wait3A_709 = arith.constant 0 : i32
      %dma_wait3A_710 = arith.constant 0 : i32
      %dma_wait3A_711 = tpu.memref_slice %arg9[%dma_wait3A_709, %dma_wait3A_710] : memref<640x32xf32, #tpu.memory_space<vmem>> -> memref<128x32xf32, #tpu.memory_space<vmem>>
      %dma_wait3A_712 = arith.constant 0 : i32
      %dma_wait3A_713 = arith.constant 0 : i32
      %dma_wait3A_714 = tpu.memref_slice %arg2[%dma_wait3A_712, %dma_wait3A_713] : memref<2600000x32xf32, #tpu.memory_space<hbm>> -> memref<128x32xf32, #tpu.memory_space<hbm>>
      %dma_wait3A_715 = arith.constant 0 : i32
      %dma_wait3A_716 = arith.constant 0 : i32
      %dma_wait3A_717 = tpu.memref_slice %arg9[%dma_wait3A_715, %dma_wait3A_716] : memref<640x32xf32, #tpu.memory_space<vmem>> -> memref<128x32xf32, #tpu.memory_space<vmem>>
      %dma_wait3A_718 = arith.constant 0 : i32
      %dma_wait3A_719 = arith.constant 0 : i32
      %dma_wait3A_720 = tpu.memref_slice %arg2[%dma_wait3A_718, %dma_wait3A_719] : memref<2600000x32xf32, #tpu.memory_space<hbm>> -> memref<128x32xf32, #tpu.memory_space<hbm>>
      tpu.wait_dma2 semaphore(%arg16 : memref<!tpu.dma_semaphore, #tpu.memory_space<semaphore_mem>>) src(%dma_wait3A_720 : memref<128x32xf32, #tpu.memory_space<hbm>>) dst(%dma_wait3A_717 : memref<128x32xf32, #tpu.memory_space<vmem>>)
      %dma_wait3A_721 = arith.constant 128 : i32
      %dma_wait3A_722 = arith.constant 0 : i32
      %dma_wait3A_723 = tpu.memref_slice %arg9[%dma_wait3A_721, %dma_wait3A_722] : memref<640x32xf32, #tpu.memory_space<vmem>> -> memref<128x32xf32, #tpu.memory_space<vmem>>
      %dma_wait3A_724 = arith.constant 0 : i32
      %dma_wait3A_725 = arith.constant 0 : i32
      %dma_wait3A_726 = tpu.memref_slice %arg2[%dma_wait3A_724, %dma_wait3A_725] : memref<2600000x32xf32, #tpu.memory_space<hbm>> -> memref<128x32xf32, #tpu.memory_space<hbm>>
      %dma_wait3A_727 = arith.constant 128 : i32
      %dma_wait3A_728 = arith.constant 0 : i32
      %dma_wait3A_729 = tpu.memref_slice %arg9[%dma_wait3A_727, %dma_wait3A_728] : memref<640x32xf32, #tpu.memory_space<vmem>> -> memref<128x32xf32, #tpu.memory_space<vmem>>
      %dma_wait3A_730 = arith.constant 0 : i32
      %dma_wait3A_731 = arith.constant 0 : i32
      %dma_wait3A_732 = tpu.memref_slice %arg2[%dma_wait3A_730, %dma_wait3A_731] : memref<2600000x32xf32, #tpu.memory_space<hbm>> -> memref<128x32xf32, #tpu.memory_space<hbm>>
      tpu.wait_dma2 semaphore(%arg16 : memref<!tpu.dma_semaphore, #tpu.memory_space<semaphore_mem>>) src(%dma_wait3A_732 : memref<128x32xf32, #tpu.memory_space<hbm>>) dst(%dma_wait3A_729 : memref<128x32xf32, #tpu.memory_space<vmem>>)
      %dma_wait3A_733 = arith.constant 256 : i32
      %dma_wait3A_734 = arith.constant 0 : i32
      %dma_wait3A_735 = tpu.memref_slice %arg9[%dma_wait3A_733, %dma_wait3A_734] : memref<640x32xf32, #tpu.memory_space<vmem>> -> memref<128x32xf32, #tpu.memory_space<vmem>>
      %dma_wait3A_736 = arith.constant 0 : i32
      %dma_wait3A_737 = arith.constant 0 : i32
      %dma_wait3A_738 = tpu.memref_slice %arg2[%dma_wait3A_736, %dma_wait3A_737] : memref<2600000x32xf32, #tpu.memory_space<hbm>> -> memref<128x32xf32, #tpu.memory_space<hbm>>
      %dma_wait3A_739 = arith.constant 256 : i32
      %dma_wait3A_740 = arith.constant 0 : i32
      %dma_wait3A_741 = tpu.memref_slice %arg9[%dma_wait3A_739, %dma_wait3A_740] : memref<640x32xf32, #tpu.memory_space<vmem>> -> memref<128x32xf32, #tpu.memory_space<vmem>>
      %dma_wait3A_742 = arith.constant 0 : i32
      %dma_wait3A_743 = arith.constant 0 : i32
      %dma_wait3A_744 = tpu.memref_slice %arg2[%dma_wait3A_742, %dma_wait3A_743] : memref<2600000x32xf32, #tpu.memory_space<hbm>> -> memref<128x32xf32, #tpu.memory_space<hbm>>
      tpu.wait_dma2 semaphore(%arg16 : memref<!tpu.dma_semaphore, #tpu.memory_space<semaphore_mem>>) src(%dma_wait3A_744 : memref<128x32xf32, #tpu.memory_space<hbm>>) dst(%dma_wait3A_741 : memref<128x32xf32, #tpu.memory_space<vmem>>)
      %dma_wait3A_745 = arith.constant 384 : i32
      %dma_wait3A_746 = arith.constant 0 : i32
      %dma_wait3A_747 = tpu.memref_slice %arg9[%dma_wait3A_745, %dma_wait3A_746] : memref<640x32xf32, #tpu.memory_space<vmem>> -> memref<128x32xf32, #tpu.memory_space<vmem>>
      %dma_wait3A_748 = arith.constant 0 : i32
      %dma_wait3A_749 = arith.constant 0 : i32
      %dma_wait3A_750 = tpu.memref_slice %arg2[%dma_wait3A_748, %dma_wait3A_749] : memref<2600000x32xf32, #tpu.memory_space<hbm>> -> memref<128x32xf32, #tpu.memory_space<hbm>>
      %dma_wait3A_751 = arith.constant 384 : i32
      %dma_wait3A_752 = arith.constant 0 : i32
      %dma_wait3A_753 = tpu.memref_slice %arg9[%dma_wait3A_751, %dma_wait3A_752] : memref<640x32xf32, #tpu.memory_space<vmem>> -> memref<128x32xf32, #tpu.memory_space<vmem>>
      %dma_wait3A_754 = arith.constant 0 : i32
      %dma_wait3A_755 = arith.constant 0 : i32
      %dma_wait3A_756 = tpu.memref_slice %arg2[%dma_wait3A_754, %dma_wait3A_755] : memref<2600000x32xf32, #tpu.memory_space<hbm>> -> memref<128x32xf32, #tpu.memory_space<hbm>>
      tpu.wait_dma2 semaphore(%arg16 : memref<!tpu.dma_semaphore, #tpu.memory_space<semaphore_mem>>) src(%dma_wait3A_756 : memref<128x32xf32, #tpu.memory_space<hbm>>) dst(%dma_wait3A_753 : memref<128x32xf32, #tpu.memory_space<vmem>>)
      %dma_wait3A_757 = arith.constant 512 : i32
      %dma_wait3A_758 = arith.constant 0 : i32
      %dma_wait3A_759 = tpu.memref_slice %arg9[%dma_wait3A_757, %dma_wait3A_758] : memref<640x32xf32, #tpu.memory_space<vmem>> -> memref<128x32xf32, #tpu.memory_space<vmem>>
      %dma_wait3A_760 = arith.constant 0 : i32
      %dma_wait3A_761 = arith.constant 0 : i32
      %dma_wait3A_762 = tpu.memref_slice %arg2[%dma_wait3A_760, %dma_wait3A_761] : memref<2600000x32xf32, #tpu.memory_space<hbm>> -> memref<128x32xf32, #tpu.memory_space<hbm>>
      %dma_wait3A_763 = arith.constant 512 : i32
      %dma_wait3A_764 = arith.constant 0 : i32
      %dma_wait3A_765 = tpu.memref_slice %arg9[%dma_wait3A_763, %dma_wait3A_764] : memref<640x32xf32, #tpu.memory_space<vmem>> -> memref<128x32xf32, #tpu.memory_space<vmem>>
      %dma_wait3A_766 = arith.constant 0 : i32
      %dma_wait3A_767 = arith.constant 0 : i32
      %dma_wait3A_768 = tpu.memref_slice %arg2[%dma_wait3A_766, %dma_wait3A_767] : memref<2600000x32xf32, #tpu.memory_space<hbm>> -> memref<128x32xf32, #tpu.memory_space<hbm>>
      tpu.wait_dma2 semaphore(%arg16 : memref<!tpu.dma_semaphore, #tpu.memory_space<semaphore_mem>>) src(%dma_wait3A_768 : memref<128x32xf32, #tpu.memory_space<hbm>>) dst(%dma_wait3A_765 : memref<128x32xf32, #tpu.memory_space<vmem>>)
      %jit3A_769 = arith.constant 26 : i32
      %eq3A_770 = arith.constant 0 : i32
      %eq3A_771 = arith.cmpi eq, %jit3A_769, %eq3A_770 : i32
      %jit3A_772 = arith.constant 1 : i32
      %select_n3A_773 = arith.select %eq3A_771, %jit3A_772, %jit3A_769 : i32
      %rem3A_774 = arith.remsi %add3A_581, %select_n3A_773 : i32
      %ne3A_775 = arith.constant 0 : i32
      %ne3A_776 = arith.cmpi ne, %rem3A_774, %ne3A_775 : i32
      %lt3A_777 = arith.constant 0 : i32
      %lt3A_778 = arith.cmpi slt, %rem3A_774, %lt3A_777 : i32
      %lt3A_779 = arith.constant 0 : i32
      %lt3A_780 = arith.cmpi slt, %select_n3A_773, %lt3A_779 : i32
      %ne3A_781 = arith.xori %lt3A_778, %lt3A_780 : i1
      %and3A_782 = arith.andi %ne3A_781, %ne3A_776 : i1
      %add3A_783 = arith.addi %rem3A_774, %select_n3A_773 : i32
      %select_n3A_784 = arith.select %and3A_782, %add3A_783, %rem3A_774 : i32
      %mul3A_785 = arith.constant 32 : i32
      %mul3A_786 = arith.muli %select_n3A_784, %mul3A_785 : i32
      %scan3A_787 = arith.constant 0 : i32
      %scan3A_788 = arith.constant 0 : i32
      %scan3A_789 = arith.constant 32 : i32
      %scan3A_790 = arith.addi %scan3A_788, %scan3A_789 : i32
      %scan3A_791 = arith.constant 1 : i32
      scf.for %scan3A_1018 = %scan3A_788 to %scan3A_790 step %scan3A_791  : i32 {
        %mul3A_1019 = arith.constant 20 : i32
        %mul3A_1020 = arith.muli %scan3A_1018, %mul3A_1019 : i32
        %add3A_1021 = arith.constant 0 : i32
        %add3A_1022 = arith.addi %mul3A_1020, %add3A_1021 : i32
        %get3A = arith.index_cast %add3A_1022 : i32 to index
        %get3A_1023 = arith.constant 0 : index
        %get3A_1024 = tpu.vector_load %arg9[%get3A, %get3A_1023] {strides = array<i32>} : memref<640x32xf32, #tpu.memory_space<vmem>>, vector<1x16xf32>,
        %get3A_1025 = vector.shape_cast %get3A_1024 : vector<1x16xf32> to vector<16xf32>
        %add3A_1026 = arith.constant 1 : i32
        %add3A_1027 = arith.addi %mul3A_1020, %add3A_1026 : i32
        %get3A_1028 = arith.index_cast %add3A_1027 : i32 to index
        %get3A_1029 = arith.constant 0 : index
        %get3A_1030 = tpu.vector_load %arg9[%get3A_1028, %get3A_1029] {strides = array<i32>} : memref<640x32xf32, #tpu.memory_space<vmem>>, vector<1x16xf32>,
        %get3A_1031 = vector.shape_cast %get3A_1030 : vector<1x16xf32> to vector<16xf32>
        %add3A_1032 = arith.constant 2 : i32
        %add3A_1033 = arith.addi %mul3A_1020, %add3A_1032 : i32
        %get3A_1034 = arith.index_cast %add3A_1033 : i32 to index
        %get3A_1035 = arith.constant 0 : index
        %get3A_1036 = tpu.vector_load %arg9[%get3A_1034, %get3A_1035] {strides = array<i32>} : memref<640x32xf32, #tpu.memory_space<vmem>>, vector<1x16xf32>,
        %get3A_1037 = vector.shape_cast %get3A_1036 : vector<1x16xf32> to vector<16xf32>
        %add3A_1038 = arith.constant 3 : i32
        %add3A_1039 = arith.addi %mul3A_1020, %add3A_1038 : i32
        %get3A_1040 = arith.index_cast %add3A_1039 : i32 to index
        %get3A_1041 = arith.constant 0 : index
        %get3A_1042 = tpu.vector_load %arg9[%get3A_1040, %get3A_1041] {strides = array<i32>} : memref<640x32xf32, #tpu.memory_space<vmem>>, vector<1x16xf32>,
        %get3A_1043 = vector.shape_cast %get3A_1042 : vector<1x16xf32> to vector<16xf32>
        %add3A_1044 = arith.constant 0 : i32
        %add3A_1045 = arith.addi %mul3A_1020, %add3A_1044 : i32
        %get3A_1046 = arith.index_cast %add3A_1045 : i32 to index
        %get3A_1047 = arith.constant 16 : index
        %get3A_1048 = tpu.vector_load %arg9[%get3A_1046, %get3A_1047] {strides = array<i32>} : memref<640x32xf32, #tpu.memory_space<vmem>>, vector<1x16xf32>,
        %get3A_1049 = vector.shape_cast %get3A_1048 : vector<1x16xf32> to vector<16xf32>
        %add3A_1050 = arith.constant 1 : i32
        %add3A_1051 = arith.addi %mul3A_1020, %add3A_1050 : i32
        %get3A_1052 = arith.index_cast %add3A_1051 : i32 to index
        %get3A_1053 = arith.constant 16 : index
        %get3A_1054 = tpu.vector_load %arg9[%get3A_1052, %get3A_1053] {strides = array<i32>} : memref<640x32xf32, #tpu.memory_space<vmem>>, vector<1x16xf32>,
        %get3A_1055 = vector.shape_cast %get3A_1054 : vector<1x16xf32> to vector<16xf32>
        %add3A_1056 = arith.constant 2 : i32
        %add3A_1057 = arith.addi %mul3A_1020, %add3A_1056 : i32
        %get3A_1058 = arith.index_cast %add3A_1057 : i32 to index
        %get3A_1059 = arith.constant 16 : index
        %get3A_1060 = tpu.vector_load %arg9[%get3A_1058, %get3A_1059] {strides = array<i32>} : memref<640x32xf32, #tpu.memory_space<vmem>>, vector<1x16xf32>,
        %get3A_1061 = vector.shape_cast %get3A_1060 : vector<1x16xf32> to vector<16xf32>
        %add3A_1062 = arith.constant 3 : i32
        %add3A_1063 = arith.addi %mul3A_1020, %add3A_1062 : i32
        %get3A_1064 = arith.index_cast %add3A_1063 : i32 to index
        %get3A_1065 = arith.constant 16 : index
        %get3A_1066 = tpu.vector_load %arg9[%get3A_1064, %get3A_1065] {strides = array<i32>} : memref<640x32xf32, #tpu.memory_space<vmem>>, vector<1x16xf32>,
        %get3A_1067 = vector.shape_cast %get3A_1066 : vector<1x16xf32> to vector<16xf32>
        %add3A_1068 = arith.constant 4 : i32
        %add3A_1069 = arith.addi %mul3A_1020, %add3A_1068 : i32
        %get3A_1070 = arith.index_cast %add3A_1069 : i32 to index
        %get3A_1071 = arith.constant 0 : index
        %get3A_1072 = tpu.vector_load %arg9[%get3A_1070, %get3A_1071] {strides = array<i32>} : memref<640x32xf32, #tpu.memory_space<vmem>>, vector<1x16xf32>,
        %get3A_1073 = vector.shape_cast %get3A_1072 : vector<1x16xf32> to vector<16xf32>
        %add3A_1074 = arith.addf %get3A_1025, %get3A_1073 : vector<16xf32>
        %add3A_1075 = arith.constant 4 : i32
        %add3A_1076 = arith.addi %mul3A_1020, %add3A_1075 : i32
        %get3A_1077 = arith.index_cast %add3A_1076 : i32 to index
        %get3A_1078 = arith.constant 16 : index
        %get3A_1079 = tpu.vector_load %arg9[%get3A_1077, %get3A_1078] {strides = array<i32>} : memref<640x32xf32, #tpu.memory_space<vmem>>, vector<1x16xf32>,
        %get3A_1080 = vector.shape_cast %get3A_1079 : vector<1x16xf32> to vector<16xf32>
        %add3A_1081 = arith.addf %get3A_1049, %get3A_1080 : vector<16xf32>
        %add3A_1082 = arith.constant 5 : i32
        %add3A_1083 = arith.addi %mul3A_1020, %add3A_1082 : i32
        %get3A_1084 = arith.index_cast %add3A_1083 : i32 to index
        %get3A_1085 = arith.constant 0 : index
        %get3A_1086 = tpu.vector_load %arg9[%get3A_1084, %get3A_1085] {strides = array<i32>} : memref<640x32xf32, #tpu.memory_space<vmem>>, vector<1x16xf32>,
        %get3A_1087 = vector.shape_cast %get3A_1086 : vector<1x16xf32> to vector<16xf32>
        %add3A_1088 = arith.addf %get3A_1031, %get3A_1087 : vector<16xf32>
        %add3A_1089 = arith.constant 5 : i32
        %add3A_1090 = arith.addi %mul3A_1020, %add3A_1089 : i32
        %get3A_1091 = arith.index_cast %add3A_1090 : i32 to index
        %get3A_1092 = arith.constant 16 : index
        %get3A_1093 = tpu.vector_load %arg9[%get3A_1091, %get3A_1092] {strides = array<i32>} : memref<640x32xf32, #tpu.memory_space<vmem>>, vector<1x16xf32>,
        %get3A_1094 = vector.shape_cast %get3A_1093 : vector<1x16xf32> to vector<16xf32>
        %add3A_1095 = arith.addf %get3A_1055, %get3A_1094 : vector<16xf32>
        %add3A_1096 = arith.constant 6 : i32
        %add3A_1097 = arith.addi %mul3A_1020, %add3A_1096 : i32
        %get3A_1098 = arith.index_cast %add3A_1097 : i32 to index
        %get3A_1099 = arith.constant 0 : index
        %get3A_1100 = tpu.vector_load %arg9[%get3A_1098, %get3A_1099] {strides = array<i32>} : memref<640x32xf32, #tpu.memory_space<vmem>>, vector<1x16xf32>,
        %get3A_1101 = vector.shape_cast %get3A_1100 : vector<1x16xf32> to vector<16xf32>
        %add3A_1102 = arith.addf %get3A_1037, %get3A_1101 : vector<16xf32>
        %add3A_1103 = arith.constant 6 : i32
        %add3A_1104 = arith.addi %mul3A_1020, %add3A_1103 : i32
        %get3A_1105 = arith.index_cast %add3A_1104 : i32 to index
        %get3A_1106 = arith.constant 16 : index
        %get3A_1107 = tpu.vector_load %arg9[%get3A_1105, %get3A_1106] {strides = array<i32>} : memref<640x32xf32, #tpu.memory_space<vmem>>, vector<1x16xf32>,
        %get3A_1108 = vector.shape_cast %get3A_1107 : vector<1x16xf32> to vector<16xf32>
        %add3A_1109 = arith.addf %get3A_1061, %get3A_1108 : vector<16xf32>
        %add3A_1110 = arith.constant 7 : i32
        %add3A_1111 = arith.addi %mul3A_1020, %add3A_1110 : i32
        %get3A_1112 = arith.index_cast %add3A_1111 : i32 to index
        %get3A_1113 = arith.constant 0 : index
        %get3A_1114 = tpu.vector_load %arg9[%get3A_1112, %get3A_1113] {strides = array<i32>} : memref<640x32xf32, #tpu.memory_space<vmem>>, vector<1x16xf32>,
        %get3A_1115 = vector.shape_cast %get3A_1114 : vector<1x16xf32> to vector<16xf32>
        %add3A_1116 = arith.addf %get3A_1043, %get3A_1115 : vector<16xf32>
        %add3A_1117 = arith.constant 7 : i32
        %add3A_1118 = arith.addi %mul3A_1020, %add3A_1117 : i32
        %get3A_1119 = arith.index_cast %add3A_1118 : i32 to index
        %get3A_1120 = arith.constant 16 : index
        %get3A_1121 = tpu.vector_load %arg9[%get3A_1119, %get3A_1120] {strides = array<i32>} : memref<640x32xf32, #tpu.memory_space<vmem>>, vector<1x16xf32>,
        %get3A_1122 = vector.shape_cast %get3A_1121 : vector<1x16xf32> to vector<16xf32>
        %add3A_1123 = arith.addf %get3A_1067, %get3A_1122 : vector<16xf32>
        %add3A_1124 = arith.constant 8 : i32
        %add3A_1125 = arith.addi %mul3A_1020, %add3A_1124 : i32
        %get3A_1126 = arith.index_cast %add3A_1125 : i32 to index
        %get3A_1127 = arith.constant 0 : index
        %get3A_1128 = tpu.vector_load %arg9[%get3A_1126, %get3A_1127] {strides = array<i32>} : memref<640x32xf32, #tpu.memory_space<vmem>>, vector<1x16xf32>,
        %get3A_1129 = vector.shape_cast %get3A_1128 : vector<1x16xf32> to vector<16xf32>
        %add3A_1130 = arith.addf %add3A_1074, %get3A_1129 : vector<16xf32>
        %add3A_1131 = arith.constant 8 : i32
        %add3A_1132 = arith.addi %mul3A_1020, %add3A_1131 : i32
        %get3A_1133 = arith.index_cast %add3A_1132 : i32 to index
        %get3A_1134 = arith.constant 16 : index
        %get3A_1135 = tpu.vector_load %arg9[%get3A_1133, %get3A_1134] {strides = array<i32>} : memref<640x32xf32, #tpu.memory_space<vmem>>, vector<1x16xf32>,
        %get3A_1136 = vector.shape_cast %get3A_1135 : vector<1x16xf32> to vector<16xf32>
        %add3A_1137 = arith.addf %add3A_1081, %get3A_1136 : vector<16xf32>
        %add3A_1138 = arith.constant 9 : i32
        %add3A_1139 = arith.addi %mul3A_1020, %add3A_1138 : i32
        %get3A_1140 = arith.index_cast %add3A_1139 : i32 to index
        %get3A_1141 = arith.constant 0 : index
        %get3A_1142 = tpu.vector_load %arg9[%get3A_1140, %get3A_1141] {strides = array<i32>} : memref<640x32xf32, #tpu.memory_space<vmem>>, vector<1x16xf32>,
        %get3A_1143 = vector.shape_cast %get3A_1142 : vector<1x16xf32> to vector<16xf32>
        %add3A_1144 = arith.addf %add3A_1088, %get3A_1143 : vector<16xf32>
        %add3A_1145 = arith.constant 9 : i32
        %add3A_1146 = arith.addi %mul3A_1020, %add3A_1145 : i32
        %get3A_1147 = arith.index_cast %add3A_1146 : i32 to index
        %get3A_1148 = arith.constant 16 : index
        %get3A_1149 = tpu.vector_load %arg9[%get3A_1147, %get3A_1148] {strides = array<i32>} : memref<640x32xf32, #tpu.memory_space<vmem>>, vector<1x16xf32>,
        %get3A_1150 = vector.shape_cast %get3A_1149 : vector<1x16xf32> to vector<16xf32>
        %add3A_1151 = arith.addf %add3A_1095, %get3A_1150 : vector<16xf32>
        %add3A_1152 = arith.constant 10 : i32
        %add3A_1153 = arith.addi %mul3A_1020, %add3A_1152 : i32
        %get3A_1154 = arith.index_cast %add3A_1153 : i32 to index
        %get3A_1155 = arith.constant 0 : index
        %get3A_1156 = tpu.vector_load %arg9[%get3A_1154, %get3A_1155] {strides = array<i32>} : memref<640x32xf32, #tpu.memory_space<vmem>>, vector<1x16xf32>,
        %get3A_1157 = vector.shape_cast %get3A_1156 : vector<1x16xf32> to vector<16xf32>
        %add3A_1158 = arith.addf %add3A_1102, %get3A_1157 : vector<16xf32>
        %add3A_1159 = arith.constant 10 : i32
        %add3A_1160 = arith.addi %mul3A_1020, %add3A_1159 : i32
        %get3A_1161 = arith.index_cast %add3A_1160 : i32 to index
        %get3A_1162 = arith.constant 16 : index
        %get3A_1163 = tpu.vector_load %arg9[%get3A_1161, %get3A_1162] {strides = array<i32>} : memref<640x32xf32, #tpu.memory_space<vmem>>, vector<1x16xf32>,
        %get3A_1164 = vector.shape_cast %get3A_1163 : vector<1x16xf32> to vector<16xf32>
        %add3A_1165 = arith.addf %add3A_1109, %get3A_1164 : vector<16xf32>
        %add3A_1166 = arith.constant 11 : i32
        %add3A_1167 = arith.addi %mul3A_1020, %add3A_1166 : i32
        %get3A_1168 = arith.index_cast %add3A_1167 : i32 to index
        %get3A_1169 = arith.constant 0 : index
        %get3A_1170 = tpu.vector_load %arg9[%get3A_1168, %get3A_1169] {strides = array<i32>} : memref<640x32xf32, #tpu.memory_space<vmem>>, vector<1x16xf32>,
        %get3A_1171 = vector.shape_cast %get3A_1170 : vector<1x16xf32> to vector<16xf32>
        %add3A_1172 = arith.addf %add3A_1116, %get3A_1171 : vector<16xf32>
        %add3A_1173 = arith.constant 11 : i32
        %add3A_1174 = arith.addi %mul3A_1020, %add3A_1173 : i32
        %get3A_1175 = arith.index_cast %add3A_1174 : i32 to index
        %get3A_1176 = arith.constant 16 : index
        %get3A_1177 = tpu.vector_load %arg9[%get3A_1175, %get3A_1176] {strides = array<i32>} : memref<640x32xf32, #tpu.memory_space<vmem>>, vector<1x16xf32>,
        %get3A_1178 = vector.shape_cast %get3A_1177 : vector<1x16xf32> to vector<16xf32>
        %add3A_1179 = arith.addf %add3A_1123, %get3A_1178 : vector<16xf32>
        %add3A_1180 = arith.constant 12 : i32
        %add3A_1181 = arith.addi %mul3A_1020, %add3A_1180 : i32
        %get3A_1182 = arith.index_cast %add3A_1181 : i32 to index
        %get3A_1183 = arith.constant 0 : index
        %get3A_1184 = tpu.vector_load %arg9[%get3A_1182, %get3A_1183] {strides = array<i32>} : memref<640x32xf32, #tpu.memory_space<vmem>>, vector<1x16xf32>,
        %get3A_1185 = vector.shape_cast %get3A_1184 : vector<1x16xf32> to vector<16xf32>
        %add3A_1186 = arith.addf %add3A_1130, %get3A_1185 : vector<16xf32>
        %add3A_1187 = arith.constant 12 : i32
        %add3A_1188 = arith.addi %mul3A_1020, %add3A_1187 : i32
        %get3A_1189 = arith.index_cast %add3A_1188 : i32 to index
        %get3A_1190 = arith.constant 16 : index
        %get3A_1191 = tpu.vector_load %arg9[%get3A_1189, %get3A_1190] {strides = array<i32>} : memref<640x32xf32, #tpu.memory_space<vmem>>, vector<1x16xf32>,
        %get3A_1192 = vector.shape_cast %get3A_1191 : vector<1x16xf32> to vector<16xf32>
        %add3A_1193 = arith.addf %add3A_1137, %get3A_1192 : vector<16xf32>
        %add3A_1194 = arith.constant 13 : i32
        %add3A_1195 = arith.addi %mul3A_1020, %add3A_1194 : i32
        %get3A_1196 = arith.index_cast %add3A_1195 : i32 to index
        %get3A_1197 = arith.constant 0 : index
        %get3A_1198 = tpu.vector_load %arg9[%get3A_1196, %get3A_1197] {strides = array<i32>} : memref<640x32xf32, #tpu.memory_space<vmem>>, vector<1x16xf32>,
        %get3A_1199 = vector.shape_cast %get3A_1198 : vector<1x16xf32> to vector<16xf32>
        %add3A_1200 = arith.addf %add3A_1144, %get3A_1199 : vector<16xf32>
        %add3A_1201 = arith.constant 13 : i32
        %add3A_1202 = arith.addi %mul3A_1020, %add3A_1201 : i32
        %get3A_1203 = arith.index_cast %add3A_1202 : i32 to index
        %get3A_1204 = arith.constant 16 : index
        %get3A_1205 = tpu.vector_load %arg9[%get3A_1203, %get3A_1204] {strides = array<i32>} : memref<640x32xf32, #tpu.memory_space<vmem>>, vector<1x16xf32>,
        %get3A_1206 = vector.shape_cast %get3A_1205 : vector<1x16xf32> to vector<16xf32>
        %add3A_1207 = arith.addf %add3A_1151, %get3A_1206 : vector<16xf32>
        %add3A_1208 = arith.constant 14 : i32
        %add3A_1209 = arith.addi %mul3A_1020, %add3A_1208 : i32
        %get3A_1210 = arith.index_cast %add3A_1209 : i32 to index
        %get3A_1211 = arith.constant 0 : index
        %get3A_1212 = tpu.vector_load %arg9[%get3A_1210, %get3A_1211] {strides = array<i32>} : memref<640x32xf32, #tpu.memory_space<vmem>>, vector<1x16xf32>,
        %get3A_1213 = vector.shape_cast %get3A_1212 : vector<1x16xf32> to vector<16xf32>
        %add3A_1214 = arith.addf %add3A_1158, %get3A_1213 : vector<16xf32>
        %add3A_1215 = arith.constant 14 : i32
        %add3A_1216 = arith.addi %mul3A_1020, %add3A_1215 : i32
        %get3A_1217 = arith.index_cast %add3A_1216 : i32 to index
        %get3A_1218 = arith.constant 16 : index
        %get3A_1219 = tpu.vector_load %arg9[%get3A_1217, %get3A_1218] {strides = array<i32>} : memref<640x32xf32, #tpu.memory_space<vmem>>, vector<1x16xf32>,
        %get3A_1220 = vector.shape_cast %get3A_1219 : vector<1x16xf32> to vector<16xf32>
        %add3A_1221 = arith.addf %add3A_1165, %get3A_1220 : vector<16xf32>
        %add3A_1222 = arith.constant 15 : i32
        %add3A_1223 = arith.addi %mul3A_1020, %add3A_1222 : i32
        %get3A_1224 = arith.index_cast %add3A_1223 : i32 to index
        %get3A_1225 = arith.constant 0 : index
        %get3A_1226 = tpu.vector_load %arg9[%get3A_1224, %get3A_1225] {strides = array<i32>} : memref<640x32xf32, #tpu.memory_space<vmem>>, vector<1x16xf32>,
        %get3A_1227 = vector.shape_cast %get3A_1226 : vector<1x16xf32> to vector<16xf32>
        %add3A_1228 = arith.addf %add3A_1172, %get3A_1227 : vector<16xf32>
        %add3A_1229 = arith.constant 15 : i32
        %add3A_1230 = arith.addi %mul3A_1020, %add3A_1229 : i32
        %get3A_1231 = arith.index_cast %add3A_1230 : i32 to index
        %get3A_1232 = arith.constant 16 : index
        %get3A_1233 = tpu.vector_load %arg9[%get3A_1231, %get3A_1232] {strides = array<i32>} : memref<640x32xf32, #tpu.memory_space<vmem>>, vector<1x16xf32>,
        %get3A_1234 = vector.shape_cast %get3A_1233 : vector<1x16xf32> to vector<16xf32>
        %add3A_1235 = arith.addf %add3A_1179, %get3A_1234 : vector<16xf32>
        %add3A_1236 = arith.constant 16 : i32
        %add3A_1237 = arith.addi %mul3A_1020, %add3A_1236 : i32
        %get3A_1238 = arith.index_cast %add3A_1237 : i32 to index
        %get3A_1239 = arith.constant 0 : index
        %get3A_1240 = tpu.vector_load %arg9[%get3A_1238, %get3A_1239] {strides = array<i32>} : memref<640x32xf32, #tpu.memory_space<vmem>>, vector<1x16xf32>,
        %get3A_1241 = vector.shape_cast %get3A_1240 : vector<1x16xf32> to vector<16xf32>
        %add3A_1242 = arith.addf %add3A_1186, %get3A_1241 : vector<16xf32>
        %add3A_1243 = arith.constant 16 : i32
        %add3A_1244 = arith.addi %mul3A_1020, %add3A_1243 : i32
        %get3A_1245 = arith.index_cast %add3A_1244 : i32 to index
        %get3A_1246 = arith.constant 16 : index
        %get3A_1247 = tpu.vector_load %arg9[%get3A_1245, %get3A_1246] {strides = array<i32>} : memref<640x32xf32, #tpu.memory_space<vmem>>, vector<1x16xf32>,
        %get3A_1248 = vector.shape_cast %get3A_1247 : vector<1x16xf32> to vector<16xf32>
        %add3A_1249 = arith.addf %add3A_1193, %get3A_1248 : vector<16xf32>
        %add3A_1250 = arith.constant 17 : i32
        %add3A_1251 = arith.addi %mul3A_1020, %add3A_1250 : i32
        %get3A_1252 = arith.index_cast %add3A_1251 : i32 to index
        %get3A_1253 = arith.constant 0 : index
        %get3A_1254 = tpu.vector_load %arg9[%get3A_1252, %get3A_1253] {strides = array<i32>} : memref<640x32xf32, #tpu.memory_space<vmem>>, vector<1x16xf32>,
        %get3A_1255 = vector.shape_cast %get3A_1254 : vector<1x16xf32> to vector<16xf32>
        %add3A_1256 = arith.addf %add3A_1200, %get3A_1255 : vector<16xf32>
        %add3A_1257 = arith.constant 17 : i32
        %add3A_1258 = arith.addi %mul3A_1020, %add3A_1257 : i32
        %get3A_1259 = arith.index_cast %add3A_1258 : i32 to index
        %get3A_1260 = arith.constant 16 : index
        %get3A_1261 = tpu.vector_load %arg9[%get3A_1259, %get3A_1260] {strides = array<i32>} : memref<640x32xf32, #tpu.memory_space<vmem>>, vector<1x16xf32>,
        %get3A_1262 = vector.shape_cast %get3A_1261 : vector<1x16xf32> to vector<16xf32>
        %add3A_1263 = arith.addf %add3A_1207, %get3A_1262 : vector<16xf32>
        %add3A_1264 = arith.constant 18 : i32
        %add3A_1265 = arith.addi %mul3A_1020, %add3A_1264 : i32
        %get3A_1266 = arith.index_cast %add3A_1265 : i32 to index
        %get3A_1267 = arith.constant 0 : index
        %get3A_1268 = tpu.vector_load %arg9[%get3A_1266, %get3A_1267] {strides = array<i32>} : memref<640x32xf32, #tpu.memory_space<vmem>>, vector<1x16xf32>,
        %get3A_1269 = vector.shape_cast %get3A_1268 : vector<1x16xf32> to vector<16xf32>
        %add3A_1270 = arith.addf %add3A_1214, %get3A_1269 : vector<16xf32>
        %add3A_1271 = arith.constant 18 : i32
        %add3A_1272 = arith.addi %mul3A_1020, %add3A_1271 : i32
        %get3A_1273 = arith.index_cast %add3A_1272 : i32 to index
        %get3A_1274 = arith.constant 16 : index
        %get3A_1275 = tpu.vector_load %arg9[%get3A_1273, %get3A_1274] {strides = array<i32>} : memref<640x32xf32, #tpu.memory_space<vmem>>, vector<1x16xf32>,
        %get3A_1276 = vector.shape_cast %get3A_1275 : vector<1x16xf32> to vector<16xf32>
        %add3A_1277 = arith.addf %add3A_1221, %get3A_1276 : vector<16xf32>
        %add3A_1278 = arith.constant 19 : i32
        %add3A_1279 = arith.addi %mul3A_1020, %add3A_1278 : i32
        %get3A_1280 = arith.index_cast %add3A_1279 : i32 to index
        %get3A_1281 = arith.constant 0 : index
        %get3A_1282 = tpu.vector_load %arg9[%get3A_1280, %get3A_1281] {strides = array<i32>} : memref<640x32xf32, #tpu.memory_space<vmem>>, vector<1x16xf32>,
        %get3A_1283 = vector.shape_cast %get3A_1282 : vector<1x16xf32> to vector<16xf32>
        %add3A_1284 = arith.addf %add3A_1228, %get3A_1283 : vector<16xf32>
        %add3A_1285 = arith.constant 19 : i32
        %add3A_1286 = arith.addi %mul3A_1020, %add3A_1285 : i32
        %get3A_1287 = arith.index_cast %add3A_1286 : i32 to index
        %get3A_1288 = arith.constant 16 : index
        %get3A_1289 = tpu.vector_load %arg9[%get3A_1287, %get3A_1288] {strides = array<i32>} : memref<640x32xf32, #tpu.memory_space<vmem>>, vector<1x16xf32>,
        %get3A_1290 = vector.shape_cast %get3A_1289 : vector<1x16xf32> to vector<16xf32>
        %add3A_1291 = arith.addf %add3A_1235, %get3A_1290 : vector<16xf32>
        %add3A_1292 = arith.addf %add3A_1242, %add3A_1256 : vector<16xf32>
        %add3A_1293 = arith.addf %add3A_1270, %add3A_1284 : vector<16xf32>
        %add3A_1294 = arith.addf %add3A_1292, %add3A_1293 : vector<16xf32>
        %swap3A = arith.index_cast %scan3A_1018 : i32 to index
        %swap3A_1295 = arith.index_cast %mul3A_786 : i32 to index
        %swap3A_1296 = tpu.vector_load %arg11[%swap3A, %swap3A_1295] {strides = array<i32>} : memref<32x832xf32, #tpu.memory_space<vmem>>, vector<1x16xf32>,
        %swap3A_1297 = vector.shape_cast %swap3A_1296 : vector<1x16xf32> to vector<16xf32>
        %swap3A_1298 = vector.shape_cast %add3A_1294 : vector<16xf32> to vector<1x16xf32>
        tpu.vector_store %arg11[%swap3A, %swap3A_1295], %swap3A_1298 {strides = array<i32>} : memref<32x832xf32, #tpu.memory_space<vmem>>, vector<1x16xf32>,
        %add3A_1299 = arith.addf %add3A_1249, %add3A_1263 : vector<16xf32>
        %add3A_1300 = arith.addf %add3A_1277, %add3A_1291 : vector<16xf32>
        %add3A_1301 = arith.addf %add3A_1299, %add3A_1300 : vector<16xf32>
        %add3A_1302 = arith.constant 16 : i32
        %add3A_1303 = arith.addi %mul3A_786, %add3A_1302 : i32
        %swap3A_1304 = arith.index_cast %scan3A_1018 : i32 to index
        %swap3A_1305 = arith.index_cast %add3A_1303 : i32 to index
        %swap3A_1306 = tpu.vector_load %arg11[%swap3A_1304, %swap3A_1305] {strides = array<i32>} : memref<32x832xf32, #tpu.memory_space<vmem>>, vector<1x16xf32>,
        %swap3A_1307 = vector.shape_cast %swap3A_1306 : vector<1x16xf32> to vector<16xf32>
        %swap3A_1308 = vector.shape_cast %add3A_1301 : vector<16xf32> to vector<1x16xf32>
        tpu.vector_store %arg11[%swap3A_1304, %swap3A_1305], %swap3A_1308 {strides = array<i32>} : memref<32x832xf32, #tpu.memory_space<vmem>>, vector<1x16xf32>,
      }
      %scan3A_792 = arith.constant 32 : i32
      %eq3A_793 = arith.constant 25 : i32
      %eq3A_794 = arith.cmpi eq, %select_n3A_784, %eq3A_793 : i32
      %convert_element_type3A_795 = arith.extui %eq3A_794 : i1 to i32
      %cond3A_796 = arith.constant 0 : i32
      %cond3A_797 = arith.cmpi ne, %convert_element_type3A_795, %cond3A_796 : i32
      scf.if %cond3A_797 {
        %jit3A_1018 = arith.constant 26 : i32
        %div3A_1019 = arith.divsi %add3A_581, %jit3A_1018 : i32
        %sign3A_1020 = arith.constant 0 : i32
        %sign3A_1021 = arith.cmpi sgt, %add3A_581, %sign3A_1020 : i32
        %sign3A_1022 = arith.extui %sign3A_1021 : i1 to i32
        %sign3A_1023 = arith.constant 0 : i32
        %sign3A_1024 = arith.cmpi slt, %add3A_581, %sign3A_1023 : i32
        %sign3A_1025 = arith.extui %sign3A_1024 : i1 to i32
        %sign3A_1026 = arith.subi %sign3A_1022, %sign3A_1025 : i32
        %sign3A_1027 = arith.constant 0 : i32
        %sign3A_1028 = arith.cmpi sgt, %jit3A_1018, %sign3A_1027 : i32
        %sign3A_1029 = arith.extui %sign3A_1028 : i1 to i32
        %sign3A_1030 = arith.constant 0 : i32
        %sign3A_1031 = arith.cmpi slt, %jit3A_1018, %sign3A_1030 : i32
        %sign3A_1032 = arith.extui %sign3A_1031 : i1 to i32
        %sign3A_1033 = arith.subi %sign3A_1029, %sign3A_1032 : i32
        %ne3A_1034 = arith.cmpi ne, %sign3A_1026, %sign3A_1033 : i32
        %rem3A_1035 = arith.remsi %add3A_581, %jit3A_1018 : i32
        %ne3A_1036 = arith.constant 0 : i32
        %ne3A_1037 = arith.cmpi ne, %rem3A_1035, %ne3A_1036 : i32
        %and3A_1038 = arith.andi %ne3A_1034, %ne3A_1037 : i1
        %sub3A_1039 = arith.constant 1 : i32
        %sub3A_1040 = arith.subi %div3A_1019, %sub3A_1039 : i32
        %select_n3A_1041 = arith.select %and3A_1038, %sub3A_1040, %div3A_1019 : i32
        %mul3A_1042 = arith.constant 32 : i32
        %mul3A_1043 = arith.muli %select_n3A_1041, %mul3A_1042 : i32
        %add3A_1044 = arith.addi %mul3A_2, %mul3A_1043 : i32
        "tpu.region"() ({
          %run_scoped3A = tpu.sem_alloc : memref<!tpu.dma_semaphore, #tpu.memory_space<semaphore_mem>>
          %dma_start3A_1045 = arith.constant 0 : i32
          %dma_start3A_1046 = tpu.memref_slice %arg4[%add3A_1044, %dma_start3A_1045] : memref<4096x832xf32, #tpu.memory_space<hbm>> -> memref<32x832xf32, #tpu.memory_space<hbm>>
          %dma_start3A_1047 = arith.constant 0 : i32
          %dma_start3A_1048 = tpu.memref_slice %arg4[%add3A_1044, %dma_start3A_1047] : memref<4096x832xf32, #tpu.memory_space<hbm>> -> memref<32x832xf32, #tpu.memory_space<hbm>>
          tpu.enqueue_dma source(%arg11 : memref<32x832xf32, #tpu.memory_space<vmem>>) target(%dma_start3A_1048 : memref<32x832xf32, #tpu.memory_space<hbm>>) target_semaphore(%run_scoped3A : memref<!tpu.dma_semaphore, #tpu.memory_space<semaphore_mem>>)
          %dma_wait3A_1049 = arith.constant 0 : i32
          %dma_wait3A_1050 = tpu.memref_slice %arg4[%add3A_1044, %dma_wait3A_1049] : memref<4096x832xf32, #tpu.memory_space<hbm>> -> memref<32x832xf32, #tpu.memory_space<hbm>>
          %dma_wait3A_1051 = arith.constant 0 : i32
          %dma_wait3A_1052 = tpu.memref_slice %arg4[%add3A_1044, %dma_wait3A_1051] : memref<4096x832xf32, #tpu.memory_space<hbm>> -> memref<32x832xf32, #tpu.memory_space<hbm>>
          tpu.wait_dma2 semaphore(%run_scoped3A : memref<!tpu.dma_semaphore, #tpu.memory_space<semaphore_mem>>) src(%arg11 : memref<32x832xf32, #tpu.memory_space<vmem>>) dst(%dma_wait3A_1052 : memref<32x832xf32, #tpu.memory_space<hbm>>)
          tpu.yield
        }) : () -> ()
      } else {
      }
      %mul3A_798 = arith.constant 4 : i32
      %mul3A_799 = arith.muli %mul3A_798, %scan3A_150 : i32
      %add3A_800 = arith.constant 3 : i32
      %add3A_801 = arith.addi %mul3A_799, %add3A_800 : i32
      %add3A_802 = arith.constant 1 : i32
      %add3A_803 = arith.addi %add3A_801, %add3A_802 : i32
      %min3A_804 = arith.constant 103 : i32
      %min3A_805 = arith.minsi %add3A_803, %min3A_804 : i32
      %add3A_806 = arith.constant 3 : i32
      %add3A_807 = arith.addi %add3A_801, %add3A_806 : i32
      %min3A_808 = arith.constant 103 : i32
      %min3A_809 = arith.minsi %add3A_807, %min3A_808 : i32
      %dma_wait3A_810 = arith.constant 0 : i32
      %dma_wait3A_811 = tpu.memref_slice %arg3[%dma_wait3A_810] : memref<2129920xi32, #tpu.memory_space<hbm>> -> memref<640xi32, #tpu.memory_space<hbm>>
      %dma_wait3A_812 = arith.constant 0 : i32
      %dma_wait3A_813 = tpu.memref_slice %arg3[%dma_wait3A_812] : memref<2129920xi32, #tpu.memory_space<hbm>> -> memref<640xi32, #tpu.memory_space<hbm>>
      tpu.wait_dma2 semaphore(%arg12 : memref<!tpu.dma_semaphore, #tpu.memory_space<semaphore_mem>>) src(%dma_wait3A_813 : memref<640xi32, #tpu.memory_space<hbm>>) dst(%arg5 : memref<640xi32, #tpu.memory_space<vmem>>)
      %jit3A_814 = arith.constant 26 : i32
      %eq3A_815 = arith.constant 0 : i32
      %eq3A_816 = arith.cmpi eq, %jit3A_814, %eq3A_815 : i32
      %jit3A_817 = arith.constant 1 : i32
      %select_n3A_818 = arith.select %eq3A_816, %jit3A_817, %jit3A_814 : i32
      %rem3A_819 = arith.remsi %min3A_805, %select_n3A_818 : i32
      %ne3A_820 = arith.constant 0 : i32
      %ne3A_821 = arith.cmpi ne, %rem3A_819, %ne3A_820 : i32
      %lt3A_822 = arith.constant 0 : i32
      %lt3A_823 = arith.cmpi slt, %rem3A_819, %lt3A_822 : i32
      %lt3A_824 = arith.constant 0 : i32
      %lt3A_825 = arith.cmpi slt, %select_n3A_818, %lt3A_824 : i32
      %ne3A_826 = arith.xori %lt3A_823, %lt3A_825 : i1
      %and3A_827 = arith.andi %ne3A_826, %ne3A_821 : i1
      %add3A_828 = arith.addi %rem3A_819, %select_n3A_818 : i32
      %select_n3A_829 = arith.select %and3A_827, %add3A_828, %rem3A_819 : i32
      %mul3A_830 = arith.constant 100000 : i32
      %mul3A_831 = arith.muli %select_n3A_829, %mul3A_830 : i32
      %scan3A_832 = arith.constant 0 : i32
      %scan3A_833 = arith.constant 0 : i32
      %scan3A_834 = arith.constant 40 : i32
      %scan3A_835 = arith.addi %scan3A_833, %scan3A_834 : i32
      %scan3A_836 = arith.constant 1 : i32
      scf.for %scan3A_1018 = %scan3A_833 to %scan3A_835 step %scan3A_836  : i32 {
        %mul3A_1019 = arith.constant 16 : i32
        %mul3A_1020 = arith.muli %scan3A_1018, %mul3A_1019 : i32
        %get3A = arith.index_cast %mul3A_1020 : i32 to index
        %get3A_1021 = tpu.vector_load %arg5[%get3A] {strides = array<i32>} : memref<640xi32, #tpu.memory_space<vmem>>, vector<16xi32>,
        %get3A_1022 = vector.shape_cast %get3A_1021 : vector<16xi32> to vector<16xi32>
        %add3A_1023 = vector.broadcast %mul3A_831 : i32 to vector<16xi32>
        %add3A_1024 = arith.addi %get3A_1022, %add3A_1023 : vector<16xi32>
        %mul3A_1025 = arith.constant 16 : i32
        %mul3A_1026 = arith.muli %scan3A_1018, %mul3A_1025 : i32
        %swap3A = arith.index_cast %mul3A_1026 : i32 to index
        %swap3A_1027 = tpu.vector_load %arg5[%swap3A] {strides = array<i32>} : memref<640xi32, #tpu.memory_space<vmem>>, vector<16xi32>,
        %swap3A_1028 = vector.shape_cast %swap3A_1027 : vector<16xi32> to vector<16xi32>
        %swap3A_1029 = vector.shape_cast %add3A_1024 : vector<16xi32> to vector<16xi32>
        tpu.vector_store %arg5[%swap3A], %swap3A_1029 {strides = array<i32>} : memref<640xi32, #tpu.memory_space<vmem>>, vector<16xi32>,
      }
      %scan3A_837 = arith.constant 40 : i32
      %dma_start3A_838 = arith.constant 0 : i32
      %dma_start3A_839 = arith.constant 0 : i32
      %dma_start3A_840 = tpu.memref_slice %arg9[%dma_start3A_838, %dma_start3A_839] : memref<640x32xf32, #tpu.memory_space<vmem>> -> memref<128x32xf32, #tpu.memory_space<vmem>>
      %dma_start3A_841 = arith.constant 0 : i32
      %dma_start3A_842 = tpu.memref_slice %arg5[%dma_start3A_841] : memref<640xi32, #tpu.memory_space<vmem>> -> memref<128xi32, #tpu.memory_space<vmem>>
      %dma_start3A_843 = arith.constant 0 : i32
      %dma_start3A_844 = arith.constant 0 : i32
      %dma_start3A_845 = tpu.memref_slice %arg2[%dma_start3A_843, %dma_start3A_844] : memref<2600000x32xf32, #tpu.memory_space<hbm>> -> memref<2600000x32xf32, #tpu.memory_space<hbm>>
      tpu.enqueue_indirect_dma source(%dma_start3A_845 : memref<2600000x32xf32, #tpu.memory_space<hbm>>) target(%dma_start3A_840 : memref<128x32xf32, #tpu.memory_space<vmem>>) offsets(%dma_start3A_842 : memref<128xi32, #tpu.memory_space<vmem>>) semaphore(%arg16 : memref<!tpu.dma_semaphore, #tpu.memory_space<semaphore_mem>>)
      %dma_start3A_846 = arith.constant 128 : i32
      %dma_start3A_847 = arith.constant 0 : i32
      %dma_start3A_848 = tpu.memref_slice %arg9[%dma_start3A_846, %dma_start3A_847] : memref<640x32xf32, #tpu.memory_space<vmem>> -> memref<128x32xf32, #tpu.memory_space<vmem>>
      %dma_start3A_849 = arith.constant 128 : i32
      %dma_start3A_850 = tpu.memref_slice %arg5[%dma_start3A_849] : memref<640xi32, #tpu.memory_space<vmem>> -> memref<128xi32, #tpu.memory_space<vmem>>
      %dma_start3A_851 = arith.constant 0 : i32
      %dma_start3A_852 = arith.constant 0 : i32
      %dma_start3A_853 = tpu.memref_slice %arg2[%dma_start3A_851, %dma_start3A_852] : memref<2600000x32xf32, #tpu.memory_space<hbm>> -> memref<2600000x32xf32, #tpu.memory_space<hbm>>
      tpu.enqueue_indirect_dma source(%dma_start3A_853 : memref<2600000x32xf32, #tpu.memory_space<hbm>>) target(%dma_start3A_848 : memref<128x32xf32, #tpu.memory_space<vmem>>) offsets(%dma_start3A_850 : memref<128xi32, #tpu.memory_space<vmem>>) semaphore(%arg16 : memref<!tpu.dma_semaphore, #tpu.memory_space<semaphore_mem>>)
      %dma_start3A_854 = arith.constant 256 : i32
      %dma_start3A_855 = arith.constant 0 : i32
      %dma_start3A_856 = tpu.memref_slice %arg9[%dma_start3A_854, %dma_start3A_855] : memref<640x32xf32, #tpu.memory_space<vmem>> -> memref<128x32xf32, #tpu.memory_space<vmem>>
      %dma_start3A_857 = arith.constant 256 : i32
      %dma_start3A_858 = tpu.memref_slice %arg5[%dma_start3A_857] : memref<640xi32, #tpu.memory_space<vmem>> -> memref<128xi32, #tpu.memory_space<vmem>>
      %dma_start3A_859 = arith.constant 0 : i32
      %dma_start3A_860 = arith.constant 0 : i32
      %dma_start3A_861 = tpu.memref_slice %arg2[%dma_start3A_859, %dma_start3A_860] : memref<2600000x32xf32, #tpu.memory_space<hbm>> -> memref<2600000x32xf32, #tpu.memory_space<hbm>>
      tpu.enqueue_indirect_dma source(%dma_start3A_861 : memref<2600000x32xf32, #tpu.memory_space<hbm>>) target(%dma_start3A_856 : memref<128x32xf32, #tpu.memory_space<vmem>>) offsets(%dma_start3A_858 : memref<128xi32, #tpu.memory_space<vmem>>) semaphore(%arg16 : memref<!tpu.dma_semaphore, #tpu.memory_space<semaphore_mem>>)
      %dma_start3A_862 = arith.constant 384 : i32
      %dma_start3A_863 = arith.constant 0 : i32
      %dma_start3A_864 = tpu.memref_slice %arg9[%dma_start3A_862, %dma_start3A_863] : memref<640x32xf32, #tpu.memory_space<vmem>> -> memref<128x32xf32, #tpu.memory_space<vmem>>
      %dma_start3A_865 = arith.constant 384 : i32
      %dma_start3A_866 = tpu.memref_slice %arg5[%dma_start3A_865] : memref<640xi32, #tpu.memory_space<vmem>> -> memref<128xi32, #tpu.memory_space<vmem>>
      %dma_start3A_867 = arith.constant 0 : i32
      %dma_start3A_868 = arith.constant 0 : i32
      %dma_start3A_869 = tpu.memref_slice %arg2[%dma_start3A_867, %dma_start3A_868] : memref<2600000x32xf32, #tpu.memory_space<hbm>> -> memref<2600000x32xf32, #tpu.memory_space<hbm>>
      tpu.enqueue_indirect_dma source(%dma_start3A_869 : memref<2600000x32xf32, #tpu.memory_space<hbm>>) target(%dma_start3A_864 : memref<128x32xf32, #tpu.memory_space<vmem>>) offsets(%dma_start3A_866 : memref<128xi32, #tpu.memory_space<vmem>>) semaphore(%arg16 : memref<!tpu.dma_semaphore, #tpu.memory_space<semaphore_mem>>)
      %dma_start3A_870 = arith.constant 512 : i32
      %dma_start3A_871 = arith.constant 0 : i32
      %dma_start3A_872 = tpu.memref_slice %arg9[%dma_start3A_870, %dma_start3A_871] : memref<640x32xf32, #tpu.memory_space<vmem>> -> memref<128x32xf32, #tpu.memory_space<vmem>>
      %dma_start3A_873 = arith.constant 512 : i32
      %dma_start3A_874 = tpu.memref_slice %arg5[%dma_start3A_873] : memref<640xi32, #tpu.memory_space<vmem>> -> memref<128xi32, #tpu.memory_space<vmem>>
      %dma_start3A_875 = arith.constant 0 : i32
      %dma_start3A_876 = arith.constant 0 : i32
      %dma_start3A_877 = tpu.memref_slice %arg2[%dma_start3A_875, %dma_start3A_876] : memref<2600000x32xf32, #tpu.memory_space<hbm>> -> memref<2600000x32xf32, #tpu.memory_space<hbm>>
      tpu.enqueue_indirect_dma source(%dma_start3A_877 : memref<2600000x32xf32, #tpu.memory_space<hbm>>) target(%dma_start3A_872 : memref<128x32xf32, #tpu.memory_space<vmem>>) offsets(%dma_start3A_874 : memref<128xi32, #tpu.memory_space<vmem>>) semaphore(%arg16 : memref<!tpu.dma_semaphore, #tpu.memory_space<semaphore_mem>>)
      %jit3A_878 = arith.constant 26 : i32
      %eq3A_879 = arith.constant 0 : i32
      %eq3A_880 = arith.cmpi eq, %jit3A_878, %eq3A_879 : i32
      %jit3A_881 = arith.constant 1 : i32
      %select_n3A_882 = arith.select %eq3A_880, %jit3A_881, %jit3A_878 : i32
      %rem3A_883 = arith.remsi %min3A_809, %select_n3A_882 : i32
      %ne3A_884 = arith.constant 0 : i32
      %ne3A_885 = arith.cmpi ne, %rem3A_883, %ne3A_884 : i32
      %lt3A_886 = arith.constant 0 : i32
      %lt3A_887 = arith.cmpi slt, %rem3A_883, %lt3A_886 : i32
      %lt3A_888 = arith.constant 0 : i32
      %lt3A_889 = arith.cmpi slt, %select_n3A_882, %lt3A_888 : i32
      %ne3A_890 = arith.xori %lt3A_887, %lt3A_889 : i1
      %and3A_891 = arith.andi %ne3A_890, %ne3A_885 : i1
      %add3A_892 = arith.addi %rem3A_883, %select_n3A_882 : i32
      %select_n3A_893 = arith.select %and3A_891, %add3A_892, %rem3A_883 : i32
      %jit3A_894 = arith.constant 26 : i32
      %div3A_895 = arith.divsi %min3A_809, %jit3A_894 : i32
      %sign3A_896 = arith.constant 0 : i32
      %sign3A_897 = arith.cmpi sgt, %min3A_809, %sign3A_896 : i32
      %sign3A_898 = arith.extui %sign3A_897 : i1 to i32
      %sign3A_899 = arith.constant 0 : i32
      %sign3A_900 = arith.cmpi slt, %min3A_809, %sign3A_899 : i32
      %sign3A_901 = arith.extui %sign3A_900 : i1 to i32
      %sign3A_902 = arith.subi %sign3A_898, %sign3A_901 : i32
      %sign3A_903 = arith.constant 0 : i32
      %sign3A_904 = arith.cmpi sgt, %jit3A_894, %sign3A_903 : i32
      %sign3A_905 = arith.extui %sign3A_904 : i1 to i32
      %sign3A_906 = arith.constant 0 : i32
      %sign3A_907 = arith.cmpi slt, %jit3A_894, %sign3A_906 : i32
      %sign3A_908 = arith.extui %sign3A_907 : i1 to i32
      %sign3A_909 = arith.subi %sign3A_905, %sign3A_908 : i32
      %ne3A_910 = arith.cmpi ne, %sign3A_902, %sign3A_909 : i32
      %rem3A_911 = arith.remsi %min3A_809, %jit3A_894 : i32
      %ne3A_912 = arith.constant 0 : i32
      %ne3A_913 = arith.cmpi ne, %rem3A_911, %ne3A_912 : i32
      %and3A_914 = arith.andi %ne3A_910, %ne3A_913 : i1
      %sub3A_915 = arith.constant 1 : i32
      %sub3A_916 = arith.subi %div3A_895, %sub3A_915 : i32
      %select_n3A_917 = arith.select %and3A_914, %sub3A_916, %div3A_895 : i32
      %mul3A_918 = arith.constant 81920 : i32
      %mul3A_919 = arith.muli %select_n3A_893, %mul3A_918 : i32
      %mul3A_920 = arith.constant 32 : i32
      %mul3A_921 = arith.muli %select_n3A_917, %mul3A_920 : i32
      %add3A_922 = arith.addi %mul3A_2, %mul3A_921 : i32
      %mul3A_923 = arith.constant 20 : i32
      %mul3A_924 = arith.muli %add3A_922, %mul3A_923 : i32
      %add3A_925 = arith.addi %mul3A_919, %mul3A_924 : i32
      %multiple_of3A_926 = tpu.assume_multiple %add3A_925, 640 : i32
      %dma_start3A_927 = tpu.memref_slice %arg3[%multiple_of3A_926] : memref<2129920xi32, #tpu.memory_space<hbm>> -> memref<640xi32, #tpu.memory_space<hbm>>
      %dma_start3A_928 = tpu.memref_slice %arg3[%multiple_of3A_926] : memref<2129920xi32, #tpu.memory_space<hbm>> -> memref<640xi32, #tpu.memory_space<hbm>>
      tpu.enqueue_dma source(%dma_start3A_928 : memref<640xi32, #tpu.memory_space<hbm>>) target(%arg7 : memref<640xi32, #tpu.memory_space<vmem>>) target_semaphore(%arg14 : memref<!tpu.dma_semaphore, #tpu.memory_space<semaphore_mem>>)
      %dma_wait3A_929 = arith.constant 0 : i32
      %dma_wait3A_930 = arith.constant 0 : i32
      %dma_wait3A_931 = tpu.memref_slice %arg10[%dma_wait3A_929, %dma_wait3A_930] : memref<640x32xf32, #tpu.memory_space<vmem>> -> memref<128x32xf32, #tpu.memory_space<vmem>>
      %dma_wait3A_932 = arith.constant 0 : i32
      %dma_wait3A_933 = arith.constant 0 : i32
      %dma_wait3A_934 = tpu.memref_slice %arg2[%dma_wait3A_932, %dma_wait3A_933] : memref<2600000x32xf32, #tpu.memory_space<hbm>> -> memref<128x32xf32, #tpu.memory_space<hbm>>
      %dma_wait3A_935 = arith.constant 0 : i32
      %dma_wait3A_936 = arith.constant 0 : i32
      %dma_wait3A_937 = tpu.memref_slice %arg10[%dma_wait3A_935, %dma_wait3A_936] : memref<640x32xf32, #tpu.memory_space<vmem>> -> memref<128x32xf32, #tpu.memory_space<vmem>>
      %dma_wait3A_938 = arith.constant 0 : i32
      %dma_wait3A_939 = arith.constant 0 : i32
      %dma_wait3A_940 = tpu.memref_slice %arg2[%dma_wait3A_938, %dma_wait3A_939] : memref<2600000x32xf32, #tpu.memory_space<hbm>> -> memref<128x32xf32, #tpu.memory_space<hbm>>
      tpu.wait_dma2 semaphore(%arg17 : memref<!tpu.dma_semaphore, #tpu.memory_space<semaphore_mem>>) src(%dma_wait3A_940 : memref<128x32xf32, #tpu.memory_space<hbm>>) dst(%dma_wait3A_937 : memref<128x32xf32, #tpu.memory_space<vmem>>)
      %dma_wait3A_941 = arith.constant 128 : i32
      %dma_wait3A_942 = arith.constant 0 : i32
      %dma_wait3A_943 = tpu.memref_slice %arg10[%dma_wait3A_941, %dma_wait3A_942] : memref<640x32xf32, #tpu.memory_space<vmem>> -> memref<128x32xf32, #tpu.memory_space<vmem>>
      %dma_wait3A_944 = arith.constant 0 : i32
      %dma_wait3A_945 = arith.constant 0 : i32
      %dma_wait3A_946 = tpu.memref_slice %arg2[%dma_wait3A_944, %dma_wait3A_945] : memref<2600000x32xf32, #tpu.memory_space<hbm>> -> memref<128x32xf32, #tpu.memory_space<hbm>>
      %dma_wait3A_947 = arith.constant 128 : i32
      %dma_wait3A_948 = arith.constant 0 : i32
      %dma_wait3A_949 = tpu.memref_slice %arg10[%dma_wait3A_947, %dma_wait3A_948] : memref<640x32xf32, #tpu.memory_space<vmem>> -> memref<128x32xf32, #tpu.memory_space<vmem>>
      %dma_wait3A_950 = arith.constant 0 : i32
      %dma_wait3A_951 = arith.constant 0 : i32
      %dma_wait3A_952 = tpu.memref_slice %arg2[%dma_wait3A_950, %dma_wait3A_951] : memref<2600000x32xf32, #tpu.memory_space<hbm>> -> memref<128x32xf32, #tpu.memory_space<hbm>>
      tpu.wait_dma2 semaphore(%arg17 : memref<!tpu.dma_semaphore, #tpu.memory_space<semaphore_mem>>) src(%dma_wait3A_952 : memref<128x32xf32, #tpu.memory_space<hbm>>) dst(%dma_wait3A_949 : memref<128x32xf32, #tpu.memory_space<vmem>>)
      %dma_wait3A_953 = arith.constant 256 : i32
      %dma_wait3A_954 = arith.constant 0 : i32
      %dma_wait3A_955 = tpu.memref_slice %arg10[%dma_wait3A_953, %dma_wait3A_954] : memref<640x32xf32, #tpu.memory_space<vmem>> -> memref<128x32xf32, #tpu.memory_space<vmem>>
      %dma_wait3A_956 = arith.constant 0 : i32
      %dma_wait3A_957 = arith.constant 0 : i32
      %dma_wait3A_958 = tpu.memref_slice %arg2[%dma_wait3A_956, %dma_wait3A_957] : memref<2600000x32xf32, #tpu.memory_space<hbm>> -> memref<128x32xf32, #tpu.memory_space<hbm>>
      %dma_wait3A_959 = arith.constant 256 : i32
      %dma_wait3A_960 = arith.constant 0 : i32
      %dma_wait3A_961 = tpu.memref_slice %arg10[%dma_wait3A_959, %dma_wait3A_960] : memref<640x32xf32, #tpu.memory_space<vmem>> -> memref<128x32xf32, #tpu.memory_space<vmem>>
      %dma_wait3A_962 = arith.constant 0 : i32
      %dma_wait3A_963 = arith.constant 0 : i32
      %dma_wait3A_964 = tpu.memref_slice %arg2[%dma_wait3A_962, %dma_wait3A_963] : memref<2600000x32xf32, #tpu.memory_space<hbm>> -> memref<128x32xf32, #tpu.memory_space<hbm>>
      tpu.wait_dma2 semaphore(%arg17 : memref<!tpu.dma_semaphore, #tpu.memory_space<semaphore_mem>>) src(%dma_wait3A_964 : memref<128x32xf32, #tpu.memory_space<hbm>>) dst(%dma_wait3A_961 : memref<128x32xf32, #tpu.memory_space<vmem>>)
      %dma_wait3A_965 = arith.constant 384 : i32
      %dma_wait3A_966 = arith.constant 0 : i32
      %dma_wait3A_967 = tpu.memref_slice %arg10[%dma_wait3A_965, %dma_wait3A_966] : memref<640x32xf32, #tpu.memory_space<vmem>> -> memref<128x32xf32, #tpu.memory_space<vmem>>
      %dma_wait3A_968 = arith.constant 0 : i32
      %dma_wait3A_969 = arith.constant 0 : i32
      %dma_wait3A_970 = tpu.memref_slice %arg2[%dma_wait3A_968, %dma_wait3A_969] : memref<2600000x32xf32, #tpu.memory_space<hbm>> -> memref<128x32xf32, #tpu.memory_space<hbm>>
      %dma_wait3A_971 = arith.constant 384 : i32
      %dma_wait3A_972 = arith.constant 0 : i32
      %dma_wait3A_973 = tpu.memref_slice %arg10[%dma_wait3A_971, %dma_wait3A_972] : memref<640x32xf32, #tpu.memory_space<vmem>> -> memref<128x32xf32, #tpu.memory_space<vmem>>
      %dma_wait3A_974 = arith.constant 0 : i32
      %dma_wait3A_975 = arith.constant 0 : i32
      %dma_wait3A_976 = tpu.memref_slice %arg2[%dma_wait3A_974, %dma_wait3A_975] : memref<2600000x32xf32, #tpu.memory_space<hbm>> -> memref<128x32xf32, #tpu.memory_space<hbm>>
      tpu.wait_dma2 semaphore(%arg17 : memref<!tpu.dma_semaphore, #tpu.memory_space<semaphore_mem>>) src(%dma_wait3A_976 : memref<128x32xf32, #tpu.memory_space<hbm>>) dst(%dma_wait3A_973 : memref<128x32xf32, #tpu.memory_space<vmem>>)
      %dma_wait3A_977 = arith.constant 512 : i32
      %dma_wait3A_978 = arith.constant 0 : i32
      %dma_wait3A_979 = tpu.memref_slice %arg10[%dma_wait3A_977, %dma_wait3A_978] : memref<640x32xf32, #tpu.memory_space<vmem>> -> memref<128x32xf32, #tpu.memory_space<vmem>>
      %dma_wait3A_980 = arith.constant 0 : i32
      %dma_wait3A_981 = arith.constant 0 : i32
      %dma_wait3A_982 = tpu.memref_slice %arg2[%dma_wait3A_980, %dma_wait3A_981] : memref<2600000x32xf32, #tpu.memory_space<hbm>> -> memref<128x32xf32, #tpu.memory_space<hbm>>
      %dma_wait3A_983 = arith.constant 512 : i32
      %dma_wait3A_984 = arith.constant 0 : i32
      %dma_wait3A_985 = tpu.memref_slice %arg10[%dma_wait3A_983, %dma_wait3A_984] : memref<640x32xf32, #tpu.memory_space<vmem>> -> memref<128x32xf32, #tpu.memory_space<vmem>>
      %dma_wait3A_986 = arith.constant 0 : i32
      %dma_wait3A_987 = arith.constant 0 : i32
      %dma_wait3A_988 = tpu.memref_slice %arg2[%dma_wait3A_986, %dma_wait3A_987] : memref<2600000x32xf32, #tpu.memory_space<hbm>> -> memref<128x32xf32, #tpu.memory_space<hbm>>
      tpu.wait_dma2 semaphore(%arg17 : memref<!tpu.dma_semaphore, #tpu.memory_space<semaphore_mem>>) src(%dma_wait3A_988 : memref<128x32xf32, #tpu.memory_space<hbm>>) dst(%dma_wait3A_985 : memref<128x32xf32, #tpu.memory_space<vmem>>)
      %jit3A_989 = arith.constant 26 : i32
      %eq3A_990 = arith.constant 0 : i32
      %eq3A_991 = arith.cmpi eq, %jit3A_989, %eq3A_990 : i32
      %jit3A_992 = arith.constant 1 : i32
      %select_n3A_993 = arith.select %eq3A_991, %jit3A_992, %jit3A_989 : i32
      %rem3A_994 = arith.remsi %add3A_801, %select_n3A_993 : i32
      %ne3A_995 = arith.constant 0 : i32
      %ne3A_996 = arith.cmpi ne, %rem3A_994, %ne3A_995 : i32
      %lt3A_997 = arith.constant 0 : i32
      %lt3A_998 = arith.cmpi slt, %rem3A_994, %lt3A_997 : i32
      %lt3A_999 = arith.constant 0 : i32
      %lt3A_1000 = arith.cmpi slt, %select_n3A_993, %lt3A_999 : i32
      %ne3A_1001 = arith.xori %lt3A_998, %lt3A_1000 : i1
      %and3A_1002 = arith.andi %ne3A_1001, %ne3A_996 : i1
      %add3A_1003 = arith.addi %rem3A_994, %select_n3A_993 : i32
      %select_n3A_1004 = arith.select %and3A_1002, %add3A_1003, %rem3A_994 : i32
      %mul3A_1005 = arith.constant 32 : i32
      %mul3A_1006 = arith.muli %select_n3A_1004, %mul3A_1005 : i32
      %scan3A_1007 = arith.constant 0 : i32
      %scan3A_1008 = arith.constant 0 : i32
      %scan3A_1009 = arith.constant 32 : i32
      %scan3A_1010 = arith.addi %scan3A_1008, %scan3A_1009 : i32
      %scan3A_1011 = arith.constant 1 : i32
      scf.for %scan3A_1018 = %scan3A_1008 to %scan3A_1010 step %scan3A_1011  : i32 {
        %mul3A_1019 = arith.constant 20 : i32
        %mul3A_1020 = arith.muli %scan3A_1018, %mul3A_1019 : i32
        %add3A_1021 = arith.constant 0 : i32
        %add3A_1022 = arith.addi %mul3A_1020, %add3A_1021 : i32
        %get3A = arith.index_cast %add3A_1022 : i32 to index
        %get3A_1023 = arith.constant 0 : index
        %get3A_1024 = tpu.vector_load %arg10[%get3A, %get3A_1023] {strides = array<i32>} : memref<640x32xf32, #tpu.memory_space<vmem>>, vector<1x16xf32>,
        %get3A_1025 = vector.shape_cast %get3A_1024 : vector<1x16xf32> to vector<16xf32>
        %add3A_1026 = arith.constant 1 : i32
        %add3A_1027 = arith.addi %mul3A_1020, %add3A_1026 : i32
        %get3A_1028 = arith.index_cast %add3A_1027 : i32 to index
        %get3A_1029 = arith.constant 0 : index
        %get3A_1030 = tpu.vector_load %arg10[%get3A_1028, %get3A_1029] {strides = array<i32>} : memref<640x32xf32, #tpu.memory_space<vmem>>, vector<1x16xf32>,
        %get3A_1031 = vector.shape_cast %get3A_1030 : vector<1x16xf32> to vector<16xf32>
        %add3A_1032 = arith.constant 2 : i32
        %add3A_1033 = arith.addi %mul3A_1020, %add3A_1032 : i32
        %get3A_1034 = arith.index_cast %add3A_1033 : i32 to index
        %get3A_1035 = arith.constant 0 : index
        %get3A_1036 = tpu.vector_load %arg10[%get3A_1034, %get3A_1035] {strides = array<i32>} : memref<640x32xf32, #tpu.memory_space<vmem>>, vector<1x16xf32>,
        %get3A_1037 = vector.shape_cast %get3A_1036 : vector<1x16xf32> to vector<16xf32>
        %add3A_1038 = arith.constant 3 : i32
        %add3A_1039 = arith.addi %mul3A_1020, %add3A_1038 : i32
        %get3A_1040 = arith.index_cast %add3A_1039 : i32 to index
        %get3A_1041 = arith.constant 0 : index
        %get3A_1042 = tpu.vector_load %arg10[%get3A_1040, %get3A_1041] {strides = array<i32>} : memref<640x32xf32, #tpu.memory_space<vmem>>, vector<1x16xf32>,
        %get3A_1043 = vector.shape_cast %get3A_1042 : vector<1x16xf32> to vector<16xf32>
        %add3A_1044 = arith.constant 0 : i32
        %add3A_1045 = arith.addi %mul3A_1020, %add3A_1044 : i32
        %get3A_1046 = arith.index_cast %add3A_1045 : i32 to index
        %get3A_1047 = arith.constant 16 : index
        %get3A_1048 = tpu.vector_load %arg10[%get3A_1046, %get3A_1047] {strides = array<i32>} : memref<640x32xf32, #tpu.memory_space<vmem>>, vector<1x16xf32>,
        %get3A_1049 = vector.shape_cast %get3A_1048 : vector<1x16xf32> to vector<16xf32>
        %add3A_1050 = arith.constant 1 : i32
        %add3A_1051 = arith.addi %mul3A_1020, %add3A_1050 : i32
        %get3A_1052 = arith.index_cast %add3A_1051 : i32 to index
        %get3A_1053 = arith.constant 16 : index
        %get3A_1054 = tpu.vector_load %arg10[%get3A_1052, %get3A_1053] {strides = array<i32>} : memref<640x32xf32, #tpu.memory_space<vmem>>, vector<1x16xf32>,
        %get3A_1055 = vector.shape_cast %get3A_1054 : vector<1x16xf32> to vector<16xf32>
        %add3A_1056 = arith.constant 2 : i32
        %add3A_1057 = arith.addi %mul3A_1020, %add3A_1056 : i32
        %get3A_1058 = arith.index_cast %add3A_1057 : i32 to index
        %get3A_1059 = arith.constant 16 : index
        %get3A_1060 = tpu.vector_load %arg10[%get3A_1058, %get3A_1059] {strides = array<i32>} : memref<640x32xf32, #tpu.memory_space<vmem>>, vector<1x16xf32>,
        %get3A_1061 = vector.shape_cast %get3A_1060 : vector<1x16xf32> to vector<16xf32>
        %add3A_1062 = arith.constant 3 : i32
        %add3A_1063 = arith.addi %mul3A_1020, %add3A_1062 : i32
        %get3A_1064 = arith.index_cast %add3A_1063 : i32 to index
        %get3A_1065 = arith.constant 16 : index
        %get3A_1066 = tpu.vector_load %arg10[%get3A_1064, %get3A_1065] {strides = array<i32>} : memref<640x32xf32, #tpu.memory_space<vmem>>, vector<1x16xf32>,
        %get3A_1067 = vector.shape_cast %get3A_1066 : vector<1x16xf32> to vector<16xf32>
        %add3A_1068 = arith.constant 4 : i32
        %add3A_1069 = arith.addi %mul3A_1020, %add3A_1068 : i32
        %get3A_1070 = arith.index_cast %add3A_1069 : i32 to index
        %get3A_1071 = arith.constant 0 : index
        %get3A_1072 = tpu.vector_load %arg10[%get3A_1070, %get3A_1071] {strides = array<i32>} : memref<640x32xf32, #tpu.memory_space<vmem>>, vector<1x16xf32>,
        %get3A_1073 = vector.shape_cast %get3A_1072 : vector<1x16xf32> to vector<16xf32>
        %add3A_1074 = arith.addf %get3A_1025, %get3A_1073 : vector<16xf32>
        %add3A_1075 = arith.constant 4 : i32
        %add3A_1076 = arith.addi %mul3A_1020, %add3A_1075 : i32
        %get3A_1077 = arith.index_cast %add3A_1076 : i32 to index
        %get3A_1078 = arith.constant 16 : index
        %get3A_1079 = tpu.vector_load %arg10[%get3A_1077, %get3A_1078] {strides = array<i32>} : memref<640x32xf32, #tpu.memory_space<vmem>>, vector<1x16xf32>,
        %get3A_1080 = vector.shape_cast %get3A_1079 : vector<1x16xf32> to vector<16xf32>
        %add3A_1081 = arith.addf %get3A_1049, %get3A_1080 : vector<16xf32>
        %add3A_1082 = arith.constant 5 : i32
        %add3A_1083 = arith.addi %mul3A_1020, %add3A_1082 : i32
        %get3A_1084 = arith.index_cast %add3A_1083 : i32 to index
        %get3A_1085 = arith.constant 0 : index
        %get3A_1086 = tpu.vector_load %arg10[%get3A_1084, %get3A_1085] {strides = array<i32>} : memref<640x32xf32, #tpu.memory_space<vmem>>, vector<1x16xf32>,
        %get3A_1087 = vector.shape_cast %get3A_1086 : vector<1x16xf32> to vector<16xf32>
        %add3A_1088 = arith.addf %get3A_1031, %get3A_1087 : vector<16xf32>
        %add3A_1089 = arith.constant 5 : i32
        %add3A_1090 = arith.addi %mul3A_1020, %add3A_1089 : i32
        %get3A_1091 = arith.index_cast %add3A_1090 : i32 to index
        %get3A_1092 = arith.constant 16 : index
        %get3A_1093 = tpu.vector_load %arg10[%get3A_1091, %get3A_1092] {strides = array<i32>} : memref<640x32xf32, #tpu.memory_space<vmem>>, vector<1x16xf32>,
        %get3A_1094 = vector.shape_cast %get3A_1093 : vector<1x16xf32> to vector<16xf32>
        %add3A_1095 = arith.addf %get3A_1055, %get3A_1094 : vector<16xf32>
        %add3A_1096 = arith.constant 6 : i32
        %add3A_1097 = arith.addi %mul3A_1020, %add3A_1096 : i32
        %get3A_1098 = arith.index_cast %add3A_1097 : i32 to index
        %get3A_1099 = arith.constant 0 : index
        %get3A_1100 = tpu.vector_load %arg10[%get3A_1098, %get3A_1099] {strides = array<i32>} : memref<640x32xf32, #tpu.memory_space<vmem>>, vector<1x16xf32>,
        %get3A_1101 = vector.shape_cast %get3A_1100 : vector<1x16xf32> to vector<16xf32>
        %add3A_1102 = arith.addf %get3A_1037, %get3A_1101 : vector<16xf32>
        %add3A_1103 = arith.constant 6 : i32
        %add3A_1104 = arith.addi %mul3A_1020, %add3A_1103 : i32
        %get3A_1105 = arith.index_cast %add3A_1104 : i32 to index
        %get3A_1106 = arith.constant 16 : index
        %get3A_1107 = tpu.vector_load %arg10[%get3A_1105, %get3A_1106] {strides = array<i32>} : memref<640x32xf32, #tpu.memory_space<vmem>>, vector<1x16xf32>,
        %get3A_1108 = vector.shape_cast %get3A_1107 : vector<1x16xf32> to vector<16xf32>
        %add3A_1109 = arith.addf %get3A_1061, %get3A_1108 : vector<16xf32>
        %add3A_1110 = arith.constant 7 : i32
        %add3A_1111 = arith.addi %mul3A_1020, %add3A_1110 : i32
        %get3A_1112 = arith.index_cast %add3A_1111 : i32 to index
        %get3A_1113 = arith.constant 0 : index
        %get3A_1114 = tpu.vector_load %arg10[%get3A_1112, %get3A_1113] {strides = array<i32>} : memref<640x32xf32, #tpu.memory_space<vmem>>, vector<1x16xf32>,
        %get3A_1115 = vector.shape_cast %get3A_1114 : vector<1x16xf32> to vector<16xf32>
        %add3A_1116 = arith.addf %get3A_1043, %get3A_1115 : vector<16xf32>
        %add3A_1117 = arith.constant 7 : i32
        %add3A_1118 = arith.addi %mul3A_1020, %add3A_1117 : i32
        %get3A_1119 = arith.index_cast %add3A_1118 : i32 to index
        %get3A_1120 = arith.constant 16 : index
        %get3A_1121 = tpu.vector_load %arg10[%get3A_1119, %get3A_1120] {strides = array<i32>} : memref<640x32xf32, #tpu.memory_space<vmem>>, vector<1x16xf32>,
        %get3A_1122 = vector.shape_cast %get3A_1121 : vector<1x16xf32> to vector<16xf32>
        %add3A_1123 = arith.addf %get3A_1067, %get3A_1122 : vector<16xf32>
        %add3A_1124 = arith.constant 8 : i32
        %add3A_1125 = arith.addi %mul3A_1020, %add3A_1124 : i32
        %get3A_1126 = arith.index_cast %add3A_1125 : i32 to index
        %get3A_1127 = arith.constant 0 : index
        %get3A_1128 = tpu.vector_load %arg10[%get3A_1126, %get3A_1127] {strides = array<i32>} : memref<640x32xf32, #tpu.memory_space<vmem>>, vector<1x16xf32>,
        %get3A_1129 = vector.shape_cast %get3A_1128 : vector<1x16xf32> to vector<16xf32>
        %add3A_1130 = arith.addf %add3A_1074, %get3A_1129 : vector<16xf32>
        %add3A_1131 = arith.constant 8 : i32
        %add3A_1132 = arith.addi %mul3A_1020, %add3A_1131 : i32
        %get3A_1133 = arith.index_cast %add3A_1132 : i32 to index
        %get3A_1134 = arith.constant 16 : index
        %get3A_1135 = tpu.vector_load %arg10[%get3A_1133, %get3A_1134] {strides = array<i32>} : memref<640x32xf32, #tpu.memory_space<vmem>>, vector<1x16xf32>,
        %get3A_1136 = vector.shape_cast %get3A_1135 : vector<1x16xf32> to vector<16xf32>
        %add3A_1137 = arith.addf %add3A_1081, %get3A_1136 : vector<16xf32>
        %add3A_1138 = arith.constant 9 : i32
        %add3A_1139 = arith.addi %mul3A_1020, %add3A_1138 : i32
        %get3A_1140 = arith.index_cast %add3A_1139 : i32 to index
        %get3A_1141 = arith.constant 0 : index
        %get3A_1142 = tpu.vector_load %arg10[%get3A_1140, %get3A_1141] {strides = array<i32>} : memref<640x32xf32, #tpu.memory_space<vmem>>, vector<1x16xf32>,
        %get3A_1143 = vector.shape_cast %get3A_1142 : vector<1x16xf32> to vector<16xf32>
        %add3A_1144 = arith.addf %add3A_1088, %get3A_1143 : vector<16xf32>
        %add3A_1145 = arith.constant 9 : i32
        %add3A_1146 = arith.addi %mul3A_1020, %add3A_1145 : i32
        %get3A_1147 = arith.index_cast %add3A_1146 : i32 to index
        %get3A_1148 = arith.constant 16 : index
        %get3A_1149 = tpu.vector_load %arg10[%get3A_1147, %get3A_1148] {strides = array<i32>} : memref<640x32xf32, #tpu.memory_space<vmem>>, vector<1x16xf32>,
        %get3A_1150 = vector.shape_cast %get3A_1149 : vector<1x16xf32> to vector<16xf32>
        %add3A_1151 = arith.addf %add3A_1095, %get3A_1150 : vector<16xf32>
        %add3A_1152 = arith.constant 10 : i32
        %add3A_1153 = arith.addi %mul3A_1020, %add3A_1152 : i32
        %get3A_1154 = arith.index_cast %add3A_1153 : i32 to index
        %get3A_1155 = arith.constant 0 : index
        %get3A_1156 = tpu.vector_load %arg10[%get3A_1154, %get3A_1155] {strides = array<i32>} : memref<640x32xf32, #tpu.memory_space<vmem>>, vector<1x16xf32>,
        %get3A_1157 = vector.shape_cast %get3A_1156 : vector<1x16xf32> to vector<16xf32>
        %add3A_1158 = arith.addf %add3A_1102, %get3A_1157 : vector<16xf32>
        %add3A_1159 = arith.constant 10 : i32
        %add3A_1160 = arith.addi %mul3A_1020, %add3A_1159 : i32
        %get3A_1161 = arith.index_cast %add3A_1160 : i32 to index
        %get3A_1162 = arith.constant 16 : index
        %get3A_1163 = tpu.vector_load %arg10[%get3A_1161, %get3A_1162] {strides = array<i32>} : memref<640x32xf32, #tpu.memory_space<vmem>>, vector<1x16xf32>,
        %get3A_1164 = vector.shape_cast %get3A_1163 : vector<1x16xf32> to vector<16xf32>
        %add3A_1165 = arith.addf %add3A_1109, %get3A_1164 : vector<16xf32>
        %add3A_1166 = arith.constant 11 : i32
        %add3A_1167 = arith.addi %mul3A_1020, %add3A_1166 : i32
        %get3A_1168 = arith.index_cast %add3A_1167 : i32 to index
        %get3A_1169 = arith.constant 0 : index
        %get3A_1170 = tpu.vector_load %arg10[%get3A_1168, %get3A_1169] {strides = array<i32>} : memref<640x32xf32, #tpu.memory_space<vmem>>, vector<1x16xf32>,
        %get3A_1171 = vector.shape_cast %get3A_1170 : vector<1x16xf32> to vector<16xf32>
        %add3A_1172 = arith.addf %add3A_1116, %get3A_1171 : vector<16xf32>
        %add3A_1173 = arith.constant 11 : i32
        %add3A_1174 = arith.addi %mul3A_1020, %add3A_1173 : i32
        %get3A_1175 = arith.index_cast %add3A_1174 : i32 to index
        %get3A_1176 = arith.constant 16 : index
        %get3A_1177 = tpu.vector_load %arg10[%get3A_1175, %get3A_1176] {strides = array<i32>} : memref<640x32xf32, #tpu.memory_space<vmem>>, vector<1x16xf32>,
        %get3A_1178 = vector.shape_cast %get3A_1177 : vector<1x16xf32> to vector<16xf32>
        %add3A_1179 = arith.addf %add3A_1123, %get3A_1178 : vector<16xf32>
        %add3A_1180 = arith.constant 12 : i32
        %add3A_1181 = arith.addi %mul3A_1020, %add3A_1180 : i32
        %get3A_1182 = arith.index_cast %add3A_1181 : i32 to index
        %get3A_1183 = arith.constant 0 : index
        %get3A_1184 = tpu.vector_load %arg10[%get3A_1182, %get3A_1183] {strides = array<i32>} : memref<640x32xf32, #tpu.memory_space<vmem>>, vector<1x16xf32>,
        %get3A_1185 = vector.shape_cast %get3A_1184 : vector<1x16xf32> to vector<16xf32>
        %add3A_1186 = arith.addf %add3A_1130, %get3A_1185 : vector<16xf32>
        %add3A_1187 = arith.constant 12 : i32
        %add3A_1188 = arith.addi %mul3A_1020, %add3A_1187 : i32
        %get3A_1189 = arith.index_cast %add3A_1188 : i32 to index
        %get3A_1190 = arith.constant 16 : index
        %get3A_1191 = tpu.vector_load %arg10[%get3A_1189, %get3A_1190] {strides = array<i32>} : memref<640x32xf32, #tpu.memory_space<vmem>>, vector<1x16xf32>,
        %get3A_1192 = vector.shape_cast %get3A_1191 : vector<1x16xf32> to vector<16xf32>
        %add3A_1193 = arith.addf %add3A_1137, %get3A_1192 : vector<16xf32>
        %add3A_1194 = arith.constant 13 : i32
        %add3A_1195 = arith.addi %mul3A_1020, %add3A_1194 : i32
        %get3A_1196 = arith.index_cast %add3A_1195 : i32 to index
        %get3A_1197 = arith.constant 0 : index
        %get3A_1198 = tpu.vector_load %arg10[%get3A_1196, %get3A_1197] {strides = array<i32>} : memref<640x32xf32, #tpu.memory_space<vmem>>, vector<1x16xf32>,
        %get3A_1199 = vector.shape_cast %get3A_1198 : vector<1x16xf32> to vector<16xf32>
        %add3A_1200 = arith.addf %add3A_1144, %get3A_1199 : vector<16xf32>
        %add3A_1201 = arith.constant 13 : i32
        %add3A_1202 = arith.addi %mul3A_1020, %add3A_1201 : i32
        %get3A_1203 = arith.index_cast %add3A_1202 : i32 to index
        %get3A_1204 = arith.constant 16 : index
        %get3A_1205 = tpu.vector_load %arg10[%get3A_1203, %get3A_1204] {strides = array<i32>} : memref<640x32xf32, #tpu.memory_space<vmem>>, vector<1x16xf32>,
        %get3A_1206 = vector.shape_cast %get3A_1205 : vector<1x16xf32> to vector<16xf32>
        %add3A_1207 = arith.addf %add3A_1151, %get3A_1206 : vector<16xf32>
        %add3A_1208 = arith.constant 14 : i32
        %add3A_1209 = arith.addi %mul3A_1020, %add3A_1208 : i32
        %get3A_1210 = arith.index_cast %add3A_1209 : i32 to index
        %get3A_1211 = arith.constant 0 : index
        %get3A_1212 = tpu.vector_load %arg10[%get3A_1210, %get3A_1211] {strides = array<i32>} : memref<640x32xf32, #tpu.memory_space<vmem>>, vector<1x16xf32>,
        %get3A_1213 = vector.shape_cast %get3A_1212 : vector<1x16xf32> to vector<16xf32>
        %add3A_1214 = arith.addf %add3A_1158, %get3A_1213 : vector<16xf32>
        %add3A_1215 = arith.constant 14 : i32
        %add3A_1216 = arith.addi %mul3A_1020, %add3A_1215 : i32
        %get3A_1217 = arith.index_cast %add3A_1216 : i32 to index
        %get3A_1218 = arith.constant 16 : index
        %get3A_1219 = tpu.vector_load %arg10[%get3A_1217, %get3A_1218] {strides = array<i32>} : memref<640x32xf32, #tpu.memory_space<vmem>>, vector<1x16xf32>,
        %get3A_1220 = vector.shape_cast %get3A_1219 : vector<1x16xf32> to vector<16xf32>
        %add3A_1221 = arith.addf %add3A_1165, %get3A_1220 : vector<16xf32>
        %add3A_1222 = arith.constant 15 : i32
        %add3A_1223 = arith.addi %mul3A_1020, %add3A_1222 : i32
        %get3A_1224 = arith.index_cast %add3A_1223 : i32 to index
        %get3A_1225 = arith.constant 0 : index
        %get3A_1226 = tpu.vector_load %arg10[%get3A_1224, %get3A_1225] {strides = array<i32>} : memref<640x32xf32, #tpu.memory_space<vmem>>, vector<1x16xf32>,
        %get3A_1227 = vector.shape_cast %get3A_1226 : vector<1x16xf32> to vector<16xf32>
        %add3A_1228 = arith.addf %add3A_1172, %get3A_1227 : vector<16xf32>
        %add3A_1229 = arith.constant 15 : i32
        %add3A_1230 = arith.addi %mul3A_1020, %add3A_1229 : i32
        %get3A_1231 = arith.index_cast %add3A_1230 : i32 to index
        %get3A_1232 = arith.constant 16 : index
        %get3A_1233 = tpu.vector_load %arg10[%get3A_1231, %get3A_1232] {strides = array<i32>} : memref<640x32xf32, #tpu.memory_space<vmem>>, vector<1x16xf32>,
        %get3A_1234 = vector.shape_cast %get3A_1233 : vector<1x16xf32> to vector<16xf32>
        %add3A_1235 = arith.addf %add3A_1179, %get3A_1234 : vector<16xf32>
        %add3A_1236 = arith.constant 16 : i32
        %add3A_1237 = arith.addi %mul3A_1020, %add3A_1236 : i32
        %get3A_1238 = arith.index_cast %add3A_1237 : i32 to index
        %get3A_1239 = arith.constant 0 : index
        %get3A_1240 = tpu.vector_load %arg10[%get3A_1238, %get3A_1239] {strides = array<i32>} : memref<640x32xf32, #tpu.memory_space<vmem>>, vector<1x16xf32>,
        %get3A_1241 = vector.shape_cast %get3A_1240 : vector<1x16xf32> to vector<16xf32>
        %add3A_1242 = arith.addf %add3A_1186, %get3A_1241 : vector<16xf32>
        %add3A_1243 = arith.constant 16 : i32
        %add3A_1244 = arith.addi %mul3A_1020, %add3A_1243 : i32
        %get3A_1245 = arith.index_cast %add3A_1244 : i32 to index
        %get3A_1246 = arith.constant 16 : index
        %get3A_1247 = tpu.vector_load %arg10[%get3A_1245, %get3A_1246] {strides = array<i32>} : memref<640x32xf32, #tpu.memory_space<vmem>>, vector<1x16xf32>,
        %get3A_1248 = vector.shape_cast %get3A_1247 : vector<1x16xf32> to vector<16xf32>
        %add3A_1249 = arith.addf %add3A_1193, %get3A_1248 : vector<16xf32>
        %add3A_1250 = arith.constant 17 : i32
        %add3A_1251 = arith.addi %mul3A_1020, %add3A_1250 : i32
        %get3A_1252 = arith.index_cast %add3A_1251 : i32 to index
        %get3A_1253 = arith.constant 0 : index
        %get3A_1254 = tpu.vector_load %arg10[%get3A_1252, %get3A_1253] {strides = array<i32>} : memref<640x32xf32, #tpu.memory_space<vmem>>, vector<1x16xf32>,
        %get3A_1255 = vector.shape_cast %get3A_1254 : vector<1x16xf32> to vector<16xf32>
        %add3A_1256 = arith.addf %add3A_1200, %get3A_1255 : vector<16xf32>
        %add3A_1257 = arith.constant 17 : i32
        %add3A_1258 = arith.addi %mul3A_1020, %add3A_1257 : i32
        %get3A_1259 = arith.index_cast %add3A_1258 : i32 to index
        %get3A_1260 = arith.constant 16 : index
        %get3A_1261 = tpu.vector_load %arg10[%get3A_1259, %get3A_1260] {strides = array<i32>} : memref<640x32xf32, #tpu.memory_space<vmem>>, vector<1x16xf32>,
        %get3A_1262 = vector.shape_cast %get3A_1261 : vector<1x16xf32> to vector<16xf32>
        %add3A_1263 = arith.addf %add3A_1207, %get3A_1262 : vector<16xf32>
        %add3A_1264 = arith.constant 18 : i32
        %add3A_1265 = arith.addi %mul3A_1020, %add3A_1264 : i32
        %get3A_1266 = arith.index_cast %add3A_1265 : i32 to index
        %get3A_1267 = arith.constant 0 : index
        %get3A_1268 = tpu.vector_load %arg10[%get3A_1266, %get3A_1267] {strides = array<i32>} : memref<640x32xf32, #tpu.memory_space<vmem>>, vector<1x16xf32>,
        %get3A_1269 = vector.shape_cast %get3A_1268 : vector<1x16xf32> to vector<16xf32>
        %add3A_1270 = arith.addf %add3A_1214, %get3A_1269 : vector<16xf32>
        %add3A_1271 = arith.constant 18 : i32
        %add3A_1272 = arith.addi %mul3A_1020, %add3A_1271 : i32
        %get3A_1273 = arith.index_cast %add3A_1272 : i32 to index
        %get3A_1274 = arith.constant 16 : index
        %get3A_1275 = tpu.vector_load %arg10[%get3A_1273, %get3A_1274] {strides = array<i32>} : memref<640x32xf32, #tpu.memory_space<vmem>>, vector<1x16xf32>,
        %get3A_1276 = vector.shape_cast %get3A_1275 : vector<1x16xf32> to vector<16xf32>
        %add3A_1277 = arith.addf %add3A_1221, %get3A_1276 : vector<16xf32>
        %add3A_1278 = arith.constant 19 : i32
        %add3A_1279 = arith.addi %mul3A_1020, %add3A_1278 : i32
        %get3A_1280 = arith.index_cast %add3A_1279 : i32 to index
        %get3A_1281 = arith.constant 0 : index
        %get3A_1282 = tpu.vector_load %arg10[%get3A_1280, %get3A_1281] {strides = array<i32>} : memref<640x32xf32, #tpu.memory_space<vmem>>, vector<1x16xf32>,
        %get3A_1283 = vector.shape_cast %get3A_1282 : vector<1x16xf32> to vector<16xf32>
        %add3A_1284 = arith.addf %add3A_1228, %get3A_1283 : vector<16xf32>
        %add3A_1285 = arith.constant 19 : i32
        %add3A_1286 = arith.addi %mul3A_1020, %add3A_1285 : i32
        %get3A_1287 = arith.index_cast %add3A_1286 : i32 to index
        %get3A_1288 = arith.constant 16 : index
        %get3A_1289 = tpu.vector_load %arg10[%get3A_1287, %get3A_1288] {strides = array<i32>} : memref<640x32xf32, #tpu.memory_space<vmem>>, vector<1x16xf32>,
        %get3A_1290 = vector.shape_cast %get3A_1289 : vector<1x16xf32> to vector<16xf32>
        %add3A_1291 = arith.addf %add3A_1235, %get3A_1290 : vector<16xf32>
        %add3A_1292 = arith.addf %add3A_1242, %add3A_1256 : vector<16xf32>
        %add3A_1293 = arith.addf %add3A_1270, %add3A_1284 : vector<16xf32>
        %add3A_1294 = arith.addf %add3A_1292, %add3A_1293 : vector<16xf32>
        %swap3A = arith.index_cast %scan3A_1018 : i32 to index
        %swap3A_1295 = arith.index_cast %mul3A_1006 : i32 to index
        %swap3A_1296 = tpu.vector_load %arg11[%swap3A, %swap3A_1295] {strides = array<i32>} : memref<32x832xf32, #tpu.memory_space<vmem>>, vector<1x16xf32>,
        %swap3A_1297 = vector.shape_cast %swap3A_1296 : vector<1x16xf32> to vector<16xf32>
        %swap3A_1298 = vector.shape_cast %add3A_1294 : vector<16xf32> to vector<1x16xf32>
        tpu.vector_store %arg11[%swap3A, %swap3A_1295], %swap3A_1298 {strides = array<i32>} : memref<32x832xf32, #tpu.memory_space<vmem>>, vector<1x16xf32>,
        %add3A_1299 = arith.addf %add3A_1249, %add3A_1263 : vector<16xf32>
        %add3A_1300 = arith.addf %add3A_1277, %add3A_1291 : vector<16xf32>
        %add3A_1301 = arith.addf %add3A_1299, %add3A_1300 : vector<16xf32>
        %add3A_1302 = arith.constant 16 : i32
        %add3A_1303 = arith.addi %mul3A_1006, %add3A_1302 : i32
        %swap3A_1304 = arith.index_cast %scan3A_1018 : i32 to index
        %swap3A_1305 = arith.index_cast %add3A_1303 : i32 to index
        %swap3A_1306 = tpu.vector_load %arg11[%swap3A_1304, %swap3A_1305] {strides = array<i32>} : memref<32x832xf32, #tpu.memory_space<vmem>>, vector<1x16xf32>,
        %swap3A_1307 = vector.shape_cast %swap3A_1306 : vector<1x16xf32> to vector<16xf32>
        %swap3A_1308 = vector.shape_cast %add3A_1301 : vector<16xf32> to vector<1x16xf32>
        tpu.vector_store %arg11[%swap3A_1304, %swap3A_1305], %swap3A_1308 {strides = array<i32>} : memref<32x832xf32, #tpu.memory_space<vmem>>, vector<1x16xf32>,
      }
      %scan3A_1012 = arith.constant 32 : i32
      %eq3A_1013 = arith.constant 25 : i32
      %eq3A_1014 = arith.cmpi eq, %select_n3A_1004, %eq3A_1013 : i32
      %convert_element_type3A_1015 = arith.extui %eq3A_1014 : i1 to i32
      %cond3A_1016 = arith.constant 0 : i32
      %cond3A_1017 = arith.cmpi ne, %convert_element_type3A_1015, %cond3A_1016 : i32
      scf.if %cond3A_1017 {
        %jit3A_1018 = arith.constant 26 : i32
        %div3A_1019 = arith.divsi %add3A_801, %jit3A_1018 : i32
        %sign3A_1020 = arith.constant 0 : i32
        %sign3A_1021 = arith.cmpi sgt, %add3A_801, %sign3A_1020 : i32
        %sign3A_1022 = arith.extui %sign3A_1021 : i1 to i32
        %sign3A_1023 = arith.constant 0 : i32
        %sign3A_1024 = arith.cmpi slt, %add3A_801, %sign3A_1023 : i32
        %sign3A_1025 = arith.extui %sign3A_1024 : i1 to i32
        %sign3A_1026 = arith.subi %sign3A_1022, %sign3A_1025 : i32
        %sign3A_1027 = arith.constant 0 : i32
        %sign3A_1028 = arith.cmpi sgt, %jit3A_1018, %sign3A_1027 : i32
        %sign3A_1029 = arith.extui %sign3A_1028 : i1 to i32
        %sign3A_1030 = arith.constant 0 : i32
        %sign3A_1031 = arith.cmpi slt, %jit3A_1018, %sign3A_1030 : i32
        %sign3A_1032 = arith.extui %sign3A_1031 : i1 to i32
        %sign3A_1033 = arith.subi %sign3A_1029, %sign3A_1032 : i32
        %ne3A_1034 = arith.cmpi ne, %sign3A_1026, %sign3A_1033 : i32
        %rem3A_1035 = arith.remsi %add3A_801, %jit3A_1018 : i32
        %ne3A_1036 = arith.constant 0 : i32
        %ne3A_1037 = arith.cmpi ne, %rem3A_1035, %ne3A_1036 : i32
        %and3A_1038 = arith.andi %ne3A_1034, %ne3A_1037 : i1
        %sub3A_1039 = arith.constant 1 : i32
        %sub3A_1040 = arith.subi %div3A_1019, %sub3A_1039 : i32
        %select_n3A_1041 = arith.select %and3A_1038, %sub3A_1040, %div3A_1019 : i32
        %mul3A_1042 = arith.constant 32 : i32
        %mul3A_1043 = arith.muli %select_n3A_1041, %mul3A_1042 : i32
        %add3A_1044 = arith.addi %mul3A_2, %mul3A_1043 : i32
        "tpu.region"() ({
          %run_scoped3A = tpu.sem_alloc : memref<!tpu.dma_semaphore, #tpu.memory_space<semaphore_mem>>
          %dma_start3A_1045 = arith.constant 0 : i32
          %dma_start3A_1046 = tpu.memref_slice %arg4[%add3A_1044, %dma_start3A_1045] : memref<4096x832xf32, #tpu.memory_space<hbm>> -> memref<32x832xf32, #tpu.memory_space<hbm>>
          %dma_start3A_1047 = arith.constant 0 : i32
          %dma_start3A_1048 = tpu.memref_slice %arg4[%add3A_1044, %dma_start3A_1047] : memref<4096x832xf32, #tpu.memory_space<hbm>> -> memref<32x832xf32, #tpu.memory_space<hbm>>
          tpu.enqueue_dma source(%arg11 : memref<32x832xf32, #tpu.memory_space<vmem>>) target(%dma_start3A_1048 : memref<32x832xf32, #tpu.memory_space<hbm>>) target_semaphore(%run_scoped3A : memref<!tpu.dma_semaphore, #tpu.memory_space<semaphore_mem>>)
          %dma_wait3A_1049 = arith.constant 0 : i32
          %dma_wait3A_1050 = tpu.memref_slice %arg4[%add3A_1044, %dma_wait3A_1049] : memref<4096x832xf32, #tpu.memory_space<hbm>> -> memref<32x832xf32, #tpu.memory_space<hbm>>
          %dma_wait3A_1051 = arith.constant 0 : i32
          %dma_wait3A_1052 = tpu.memref_slice %arg4[%add3A_1044, %dma_wait3A_1051] : memref<4096x832xf32, #tpu.memory_space<hbm>> -> memref<32x832xf32, #tpu.memory_space<hbm>>
          tpu.wait_dma2 semaphore(%run_scoped3A : memref<!tpu.dma_semaphore, #tpu.memory_space<semaphore_mem>>) src(%arg11 : memref<32x832xf32, #tpu.memory_space<vmem>>) dst(%dma_wait3A_1052 : memref<32x832xf32, #tpu.memory_space<hbm>>)
          tpu.yield
        }) : () -> ()
      } else {
      }
    }
    %scan3A_81 = arith.constant 26 : i32
    %dma_wait3A_82 = arith.constant 0 : i32
    %dma_wait3A_83 = arith.constant 0 : i32
    %dma_wait3A_84 = tpu.memref_slice %arg9[%dma_wait3A_82, %dma_wait3A_83] : memref<640x32xf32, #tpu.memory_space<vmem>> -> memref<128x32xf32, #tpu.memory_space<vmem>>
    %dma_wait3A_85 = arith.constant 0 : i32
    %dma_wait3A_86 = arith.constant 0 : i32
    %dma_wait3A_87 = tpu.memref_slice %arg2[%dma_wait3A_85, %dma_wait3A_86] : memref<2600000x32xf32, #tpu.memory_space<hbm>> -> memref<128x32xf32, #tpu.memory_space<hbm>>
    %dma_wait3A_88 = arith.constant 0 : i32
    %dma_wait3A_89 = arith.constant 0 : i32
    %dma_wait3A_90 = tpu.memref_slice %arg9[%dma_wait3A_88, %dma_wait3A_89] : memref<640x32xf32, #tpu.memory_space<vmem>> -> memref<128x32xf32, #tpu.memory_space<vmem>>
    %dma_wait3A_91 = arith.constant 0 : i32
    %dma_wait3A_92 = arith.constant 0 : i32
    %dma_wait3A_93 = tpu.memref_slice %arg2[%dma_wait3A_91, %dma_wait3A_92] : memref<2600000x32xf32, #tpu.memory_space<hbm>> -> memref<128x32xf32, #tpu.memory_space<hbm>>
    tpu.wait_dma2 semaphore(%arg16 : memref<!tpu.dma_semaphore, #tpu.memory_space<semaphore_mem>>) src(%dma_wait3A_93 : memref<128x32xf32, #tpu.memory_space<hbm>>) dst(%dma_wait3A_90 : memref<128x32xf32, #tpu.memory_space<vmem>>)
    %dma_wait3A_94 = arith.constant 128 : i32
    %dma_wait3A_95 = arith.constant 0 : i32
    %dma_wait3A_96 = tpu.memref_slice %arg9[%dma_wait3A_94, %dma_wait3A_95] : memref<640x32xf32, #tpu.memory_space<vmem>> -> memref<128x32xf32, #tpu.memory_space<vmem>>
    %dma_wait3A_97 = arith.constant 0 : i32
    %dma_wait3A_98 = arith.constant 0 : i32
    %dma_wait3A_99 = tpu.memref_slice %arg2[%dma_wait3A_97, %dma_wait3A_98] : memref<2600000x32xf32, #tpu.memory_space<hbm>> -> memref<128x32xf32, #tpu.memory_space<hbm>>
    %dma_wait3A_100 = arith.constant 128 : i32
    %dma_wait3A_101 = arith.constant 0 : i32
    %dma_wait3A_102 = tpu.memref_slice %arg9[%dma_wait3A_100, %dma_wait3A_101] : memref<640x32xf32, #tpu.memory_space<vmem>> -> memref<128x32xf32, #tpu.memory_space<vmem>>
    %dma_wait3A_103 = arith.constant 0 : i32
    %dma_wait3A_104 = arith.constant 0 : i32
    %dma_wait3A_105 = tpu.memref_slice %arg2[%dma_wait3A_103, %dma_wait3A_104] : memref<2600000x32xf32, #tpu.memory_space<hbm>> -> memref<128x32xf32, #tpu.memory_space<hbm>>
    tpu.wait_dma2 semaphore(%arg16 : memref<!tpu.dma_semaphore, #tpu.memory_space<semaphore_mem>>) src(%dma_wait3A_105 : memref<128x32xf32, #tpu.memory_space<hbm>>) dst(%dma_wait3A_102 : memref<128x32xf32, #tpu.memory_space<vmem>>)
    %dma_wait3A_106 = arith.constant 256 : i32
    %dma_wait3A_107 = arith.constant 0 : i32
    %dma_wait3A_108 = tpu.memref_slice %arg9[%dma_wait3A_106, %dma_wait3A_107] : memref<640x32xf32, #tpu.memory_space<vmem>> -> memref<128x32xf32, #tpu.memory_space<vmem>>
    %dma_wait3A_109 = arith.constant 0 : i32
    %dma_wait3A_110 = arith.constant 0 : i32
    %dma_wait3A_111 = tpu.memref_slice %arg2[%dma_wait3A_109, %dma_wait3A_110] : memref<2600000x32xf32, #tpu.memory_space<hbm>> -> memref<128x32xf32, #tpu.memory_space<hbm>>
    %dma_wait3A_112 = arith.constant 256 : i32
    %dma_wait3A_113 = arith.constant 0 : i32
    %dma_wait3A_114 = tpu.memref_slice %arg9[%dma_wait3A_112, %dma_wait3A_113] : memref<640x32xf32, #tpu.memory_space<vmem>> -> memref<128x32xf32, #tpu.memory_space<vmem>>
    %dma_wait3A_115 = arith.constant 0 : i32
    %dma_wait3A_116 = arith.constant 0 : i32
    %dma_wait3A_117 = tpu.memref_slice %arg2[%dma_wait3A_115, %dma_wait3A_116] : memref<2600000x32xf32, #tpu.memory_space<hbm>> -> memref<128x32xf32, #tpu.memory_space<hbm>>
    tpu.wait_dma2 semaphore(%arg16 : memref<!tpu.dma_semaphore, #tpu.memory_space<semaphore_mem>>) src(%dma_wait3A_117 : memref<128x32xf32, #tpu.memory_space<hbm>>) dst(%dma_wait3A_114 : memref<128x32xf32, #tpu.memory_space<vmem>>)
    %dma_wait3A_118 = arith.constant 384 : i32
    %dma_wait3A_119 = arith.constant 0 : i32
    %dma_wait3A_120 = tpu.memref_slice %arg9[%dma_wait3A_118, %dma_wait3A_119] : memref<640x32xf32, #tpu.memory_space<vmem>> -> memref<128x32xf32, #tpu.memory_space<vmem>>
    %dma_wait3A_121 = arith.constant 0 : i32
    %dma_wait3A_122 = arith.constant 0 : i32
    %dma_wait3A_123 = tpu.memref_slice %arg2[%dma_wait3A_121, %dma_wait3A_122] : memref<2600000x32xf32, #tpu.memory_space<hbm>> -> memref<128x32xf32, #tpu.memory_space<hbm>>
    %dma_wait3A_124 = arith.constant 384 : i32
    %dma_wait3A_125 = arith.constant 0 : i32
    %dma_wait3A_126 = tpu.memref_slice %arg9[%dma_wait3A_124, %dma_wait3A_125] : memref<640x32xf32, #tpu.memory_space<vmem>> -> memref<128x32xf32, #tpu.memory_space<vmem>>
    %dma_wait3A_127 = arith.constant 0 : i32
    %dma_wait3A_128 = arith.constant 0 : i32
    %dma_wait3A_129 = tpu.memref_slice %arg2[%dma_wait3A_127, %dma_wait3A_128] : memref<2600000x32xf32, #tpu.memory_space<hbm>> -> memref<128x32xf32, #tpu.memory_space<hbm>>
    tpu.wait_dma2 semaphore(%arg16 : memref<!tpu.dma_semaphore, #tpu.memory_space<semaphore_mem>>) src(%dma_wait3A_129 : memref<128x32xf32, #tpu.memory_space<hbm>>) dst(%dma_wait3A_126 : memref<128x32xf32, #tpu.memory_space<vmem>>)
    %dma_wait3A_130 = arith.constant 512 : i32
    %dma_wait3A_131 = arith.constant 0 : i32
    %dma_wait3A_132 = tpu.memref_slice %arg9[%dma_wait3A_130, %dma_wait3A_131] : memref<640x32xf32, #tpu.memory_space<vmem>> -> memref<128x32xf32, #tpu.memory_space<vmem>>
    %dma_wait3A_133 = arith.constant 0 : i32
    %dma_wait3A_134 = arith.constant 0 : i32
    %dma_wait3A_135 = tpu.memref_slice %arg2[%dma_wait3A_133, %dma_wait3A_134] : memref<2600000x32xf32, #tpu.memory_space<hbm>> -> memref<128x32xf32, #tpu.memory_space<hbm>>
    %dma_wait3A_136 = arith.constant 512 : i32
    %dma_wait3A_137 = arith.constant 0 : i32
    %dma_wait3A_138 = tpu.memref_slice %arg9[%dma_wait3A_136, %dma_wait3A_137] : memref<640x32xf32, #tpu.memory_space<vmem>> -> memref<128x32xf32, #tpu.memory_space<vmem>>
    %dma_wait3A_139 = arith.constant 0 : i32
    %dma_wait3A_140 = arith.constant 0 : i32
    %dma_wait3A_141 = tpu.memref_slice %arg2[%dma_wait3A_139, %dma_wait3A_140] : memref<2600000x32xf32, #tpu.memory_space<hbm>> -> memref<128x32xf32, #tpu.memory_space<hbm>>
    tpu.wait_dma2 semaphore(%arg16 : memref<!tpu.dma_semaphore, #tpu.memory_space<semaphore_mem>>) src(%dma_wait3A_141 : memref<128x32xf32, #tpu.memory_space<hbm>>) dst(%dma_wait3A_138 : memref<128x32xf32, #tpu.memory_space<vmem>>)
    %dma_wait3A_142 = arith.constant 0 : i32
    %dma_wait3A_143 = tpu.memref_slice %arg3[%dma_wait3A_142] : memref<2129920xi32, #tpu.memory_space<hbm>> -> memref<640xi32, #tpu.memory_space<hbm>>
    %dma_wait3A_144 = arith.constant 0 : i32
    %dma_wait3A_145 = tpu.memref_slice %arg3[%dma_wait3A_144] : memref<2129920xi32, #tpu.memory_space<hbm>> -> memref<640xi32, #tpu.memory_space<hbm>>
    tpu.wait_dma2 semaphore(%arg13 : memref<!tpu.dma_semaphore, #tpu.memory_space<semaphore_mem>>) src(%dma_wait3A_145 : memref<640xi32, #tpu.memory_space<hbm>>) dst(%arg6 : memref<640xi32, #tpu.memory_space<vmem>>)
    %dma_wait3A_146 = arith.constant 0 : i32
    %dma_wait3A_147 = tpu.memref_slice %arg3[%dma_wait3A_146] : memref<2129920xi32, #tpu.memory_space<hbm>> -> memref<640xi32, #tpu.memory_space<hbm>>
    %dma_wait3A_148 = arith.constant 0 : i32
    %dma_wait3A_149 = tpu.memref_slice %arg3[%dma_wait3A_148] : memref<2129920xi32, #tpu.memory_space<hbm>> -> memref<640xi32, #tpu.memory_space<hbm>>
    tpu.wait_dma2 semaphore(%arg14 : memref<!tpu.dma_semaphore, #tpu.memory_space<semaphore_mem>>) src(%dma_wait3A_149 : memref<640xi32, #tpu.memory_space<hbm>>) dst(%arg7 : memref<640xi32, #tpu.memory_space<vmem>>)
    return
  }
}

</mosaic_0001>

<sc_bundles>
// kernel: kernel.3.cloned.1.call-start
scs
__scs_entry_jumppad:
0x0: {  	(pc) =	sbr.rel $0x88, $3  }
0x1: {  	(tag) =	ssettag $0x0;
	lr =	simm.s32 $0x1  }
0x2: {  	[smem:$0x3F9F] =	sst lr;
	_ =	strace $0xD0000000  }
0x3: {  	_ = 	snop  }
0x4: {  	_ = 	snop  }
0x5: {  	_ = 	snop  }
0x6: {  	_ = 	snop  }
0x7: {  	_ = 	snop  }
__scs_overlays_trampoline_lowered:
0x8: {  	[smem:$0x3FAE] =	sst s0  }
0x9: {  	[smem:$0x3FAF] =	sst s1  }
0xa: {  	[smem:$0x3FB0] =	sst s2  }
0xb: {  	[smem:$0x3FB1] =	sst s3  }
0xc: {  	[smem:$0x3FB2] =	sst s4  }
0xd: {  	[smem:$0x3FB3] =	sst s5  }
0xe: {  	[smem:$0x3FB4] =	sst s6  }
0xf: {  	[smem:$0x3FB5] =	sst s7  }
0x10: {  	[smem:$0x3FB6] =	sst s8  }
0x11: {  	[smem:$0x3FB7] =	sst s9;
	s0 =	simm.s32 @!p0 $0x0  }
0x12: {  	s1 =	sld [smem:$0x3F9D];
	s0 =	simm.s32 @p0 $0x1  }
0x13: {  	[smem:$0x3FB8] =	sst s0;
	s0 =	simm.s32 @!p1 $0x0  }
0x14: {  	s2 =	sld [smem:$0x3F9C];
	s0 =	simm.s32 @p1 $0x1  }
0x15: {  	[smem:$0x3FB9] =	sst s0;
	s0 =	simm.s32 @!p2 $0x0  }
0x16: {  	s3 =	sld [smem:$0x3FDB];
	s0 =	simm.s32 @p2 $0x1  }
0x17: {  	s4 =	simm.s32 $0x1BF5;
	[smem:$0x3FBB] =	sst s0  }
0x18: {  	s0 =	sld [smem:$0x3F9E];
	_ =	swait.ge [sflag:s4], $0x0  }
0x19: {  	s7 =	sld [smem:$0x3F9F]  }
0x1a: {  	s8 =	sadd.s32 $0xFFFFE003, lr  }
0x1b: {  	s9 =	sadd.s32 $0xFFFFFEF7, lr;
	s5 =	simm.s32 $0xFFFFFFFF;
	p2 =	slt.u32 s8, $0xFFFFF086  }
0x1c: {  	p1 =	slt.u32 s9, $0xF7A;
	s5 =	simm.s32 @!p2 $0x0  }
0x1d: {  	s5 =	simm.s32 @p1 $0x1;
	p0 =	seq.s32 s7, s2  }
0x1e: {  	s7 =	smul.u32 @!p0 $0xF7A, s2;
	p2 =	seq.s32 @!p0 s5, $0x0  }
0x1f: {  	s9 =	smul.u32 $0xF7A, s1;
	s8 =	simm.s32 @!p0 $0x1BF5;
	p2 =	por !p2, p0  }
0x20: {  	[sflag:s8] =	ssyncset.s32 @!p0 $0xFFFFF086;
	s6 =	sadd.s32 @!p0 s3, s7;
	s7 =	simm.s32 @!p0 $0x108  }
0x21: {  	s3 =	sadd.s32 s3, s9;
	s6 =	sadd.s32 @!p0 $0x88, s6;
	s7 =	simm.s32 @p2 $0x1082  }
0x22: {  	[simem:s7], [sflag:s8] =	dma.local @!p0 [hbm:s6], $0xF7A  }
0x23: {  	s9 =	sor.u32 $0xD0000000, s2;
	s6 =	simm.s32 $0x108;
	_ =	swait.ge @!p0 [sflag:s8], $0x0  }
0x24: {  	s3 =	sadd.s32 $0x88, s3;
	s6 =	simm.s32 @!p1 $0x1082;
	[sflag:s4] =	ssyncset.s32 $0xFFFFF086  }
0x25: {  	[simem:s6], [sflag:s4] =	dma.local [hbm:s3], $0xF7A  }
0x26: {  	[smem:$0x3F9F] =	sst s1;
	(tag) =	ssettag s2;
	_ =	strace s9  }
0x27: {  	s1 =	sld [smem:$0x3FAF]  }
0x28: {  	s2 =	sld [smem:$0x3FB0]  }
0x29: {  	s4 =	sld [smem:$0x3FB2]  }
0x2a: {  	p0 =	seq.s32 s5, $0x0;
	s5 =	sld [smem:$0x3FB3]  }
0x2b: {  	s6 =	sld [smem:$0x3FB4]  }
0x2c: {  	s7 =	sld [smem:$0x3FB5]  }
0x2d: {  	s3 =	simm.s32 $0x108;
	s8 =	sld [smem:$0x3FB6]  }
0x2e: {  	s3 =	simm.s32 @!p0 $0x1082;
	s9 =	sld [smem:$0x3FB7]  }
0x2f: {  	lr =	sadd.s32 s0, s3;
	s0 =	sld [smem:$0x3FAE]  }
0x30: {  	s3 =	sld [smem:$0x3FB1]  }
0x31: {  	[smem:$0x3FBA] =	sst s10  }
0x32: {  	s10 =	sld [smem:$0x3FB8];
	_ =	sdelay $0x3  }
0x33: {  	p0 =	seq.s32 s10, $0x1;
	s10 =	sld [smem:$0x3FBA];
	_ =	sdelay $0x3  }
0x34: {  	[smem:$0x3FBA] =	sst s10  }
0x35: {  	s10 =	sld [smem:$0x3FB9];
	_ =	sdelay $0x3  }
0x36: {  	p1 =	seq.s32 s10, $0x1;
	s10 =	sld [smem:$0x3FBA];
	_ =	sdelay $0x3  }
0x37: {  	[smem:$0x3FBA] =	sst s10  }
0x38: {  	s10 =	sld [smem:$0x3FBB]  }
0x39: {  	_ = 	snop;
	(pc) =	sbr.ind lr, $3  }
0x3a: {  	_ = 	snop  }
0x3b: {  	_ = 	snop  }
0x3c: {  	p2 =	seq.s32 s10, $0x1;
	s10 =	sld [smem:$0x3FBA]  }
0x3d: {  	_ =	shalt  }
0x3e: {  	_ =	shalt  }
0x3f: {  	_ =	shalt  }
0x40: {  	_ =	shalt  }
0x41: {  	_ =	shalt  }
0x42: {  	_ =	shalt  }
0x43: {  	_ =	shalt  }
0x44: {  	_ =	shalt  }
0x45: {  	_ =	shalt  }
0x46: {  	_ =	shalt  }
0x47: {  	_ =	shalt  }
0x48: {  	_ =	shalt  }
0x49: {  	_ =	shalt  }
0x4a: {  	_ =	shalt  }
0x4b: {  	_ =	shalt  }
0x4c: {  	_ =	shalt  }
0x4d: {  	_ =	shalt  }
0x4e: {  	_ =	shalt  }
0x4f: {  	_ =	shalt  }
0x50: {  	_ =	shalt  }
0x51: {  	_ =	shalt  }
0x52: {  	_ =	shalt  }
0x53: {  	_ =	shalt  }
0x54: {  	_ =	shalt  }
0x55: {  	_ =	shalt  }
0x56: {  	_ =	shalt  }
0x57: {  	_ =	shalt  }
0x58: {  	_ =	shalt  }
0x59: {  	_ =	shalt  }
0x5a: {  	_ =	shalt  }
0x5b: {  	_ =	shalt  }
0x5c: {  	_ =	shalt  }
0x5d: {  	_ =	shalt  }
0x5e: {  	_ =	shalt  }
0x5f: {  	_ =	shalt  }
0x60: {  	_ =	shalt  }
0x61: {  	_ =	shalt  }
0x62: {  	_ =	shalt  }
0x63: {  	_ =	shalt  }
0x64: {  	_ =	shalt  }
0x65: {  	_ =	shalt  }
0x66: {  	_ =	shalt  }
0x67: {  	_ =	shalt  }
0x68: {  	_ =	shalt  }
0x69: {  	_ =	shalt  }
0x6a: {  	_ =	shalt  }
0x6b: {  	_ =	shalt  }
0x6c: {  	_ =	shalt  }
0x6d: {  	_ =	shalt  }
0x6e: {  	_ =	shalt  }
0x6f: {  	_ =	shalt  }
0x70: {  	_ =	shalt  }
0x71: {  	_ =	shalt  }
0x72: {  	_ =	shalt  }
0x73: {  	_ =	shalt  }
0x74: {  	_ =	shalt  }
0x75: {  	_ =	shalt  }
0x76: {  	_ =	shalt  }
0x77: {  	_ =	shalt  }
0x78: {  	_ =	shalt  }
0x79: {  	_ =	shalt  }
0x7a: {  	_ =	shalt  }
0x7b: {  	_ =	shalt  }
0x7c: {  	_ =	shalt  }
0x7d: {  	_ =	shalt  }
0x7e: {  	_ =	shalt  }
0x7f: {  	_ =	shalt  }
0x80: {  	_ =	shalt  }
0x81: {  	_ =	shalt  }
0x82: {  	_ =	shalt  }
0x83: {  	_ =	shalt  }
0x84: {  	_ =	shalt  }
0x85: {  	_ =	shalt  }
0x86: {  	_ =	shalt  }
0x87: {  	_ =	shalt  }
.Lfunc_end0:
.L_simem_size_0:
called_computation_lowered:
.L_overlay_start_0:
0x88: {  	s2 =	sld [smem:$0x3FD9]  }
0x89: {  	s3 =	sld [smem:$0x3FFE];
	_ =	sdelay $0x1  }
0x8a: {  	s1 =	srdreg.scid  }
0x8b: {  	s0 =	sand.u32 $0x1, s1  }
0x8c: {  	s17 =	sshll.u32 s0, $0xA;
	s2 =	sadd.s32 s3, s2  }
0x8d: {  	s2 =	sadd.s32 s2, s17  }
0x8e: {  	[smem:$0x3FC6] =	sst s2  }
0x8f: {  	_ = 	snop  }
0x90: {  	s2 =	sld [smem:$0x3FD0];
	(tm) =	ssettm $0x1  }
0x91: {  	s18 =	sld [smem:$0x3FFB];
	_ =	sdelay $0x3  }
0x92: {  	_ =	strace s18  }
0x93: {  	s3 =	sld [smem:$0x3FFC];
	_ =	sdelay $0x3  }
0x94: {  	_ =	strace s3  }
0x95: {  	s3 =	sld [smem:$0x3FFD];
	_ =	sdelay $0x3  }
0x96: {  	_ =	strace s3  }
0x97: {  	_ =	strace $0x8FFFFFFF  }
0x98: {  	s19 =	sld [smem:$0x3FDB];
	_ =	sdelay $0x1  }
0x99: {  	s4 =	simm.s32 $_scs_section_size  }
0x9a: {  	s5 =	simm.s32 $_size__tile_overlayer_lowered;
	s6 =	simm.s32 $_tile_overlayer_lowered  }
0x9b: {  	s22 =	simm.s32 $0x1BFF;
	s21 =	sshll.u32 s6, $0x1;
	s3 =	sadd.s32 s4, s19  }
0x9c: {  	s7 =	simm.s32 $0x0;
	s20 =	sshll.u32 s5, $0x1;
	s5 =	sadd.s32 s21, s3  }
0x9d: {  	[timem:s7], [sflag:s22] =	dma.local [hbm:s5], s20  }
0x9e: {  	_ =	swait.ge [sflag:s22], s20  }
0x9f: {  	s4 =	ssub.s32 $0x0, s20;
	[sflag:s22] =	ssyncset.done $0x0  }
0xa0: {  	[sflag:s22] =	ssyncadd.s32 s4;
	_ =	sdelay $0x1  }
0xa1: {  	s23 =	simm.s32 $0x1B8B  }
0xa2: {  	_ =	swait.ge [sflag:s23], $0x1  }
0xa3: {  	[sflag:s23] =	ssyncset.done $0x0  }
0xa4: {  	s25 =	simm.s32 $0x1B8E;
	s24 =	sld [smem:$0x3FFE];
	[sflag:s23] =	ssyncadd.s32 $0xFFFFFFFF  }
0xa5: {  	s26 =	simm.s32 $execute0_lowered;
	[smem:$0x3FD2] =	sst s25  }
0xa6: {  	s5 =	sshll.u32 s26, $0x1;
	_ =	strace $0x80000046;
	[dreg:$0x1] =	wrdreg $0xFFFFFFFF  }
0xa7: {  	s28 =	simm.s32 $_size_execute0_lowered;
	s3 =	sadd.s32 s3, s5;
	[dreg:$0x0] =	wrdreg $0x0  }
0xa8: {  	s5 =	sshll.u32 s28, $0x1;
	[dreg:$0x2] =	wrdreg s3  }
0xa9: {  	[dreg:$0x3] =	wrdreg s5  }
0xaa: {  	[dreg:$0x4] =	wrdreg $0xC0  }
0xab: {  	_ =	task [dreg:s7], $0x5FFFF  }
0xac: {  	[dreg:$0x1] =	wrdreg $0xFFFFFFFF  }
0xad: {  	[dreg:$0x0] =	wrdreg $0x60  }
0xae: {  	[dreg:$0x2] =	wrdreg s24  }
0xaf: {  	[dreg:$0x3] =	wrdreg s2  }
0xb0: {  	[dreg:$0x4] =	wrdreg $0x9  }
0xb1: {  	_ =	task.clear_ibuf [dreg:s7], $0x5FFFF;
	_ =	strace $0x90000046  }
0xb2: {  	s29 =	simm.s32 $0x9;
	_ =	strace $0x80000048  }
0xb3: {  	_ =	swait.ge [sflag:s29], $0x1  }
0xb4: {  	[sflag:s29] =	ssyncadd.s32 $0xFFFFFFFF  }
0xb5: {  	_ =	strace $0x90000048  }
0xb6: {  	_ =	sfence  }
0xb7: {  	s30 =	sld [smem:$0x0];
	_ =	sdelay $0x2  }
0xb8: {  	s31 =	sshll.u32 s1, $0xD;
	s1 =	sshrl.u32 s1, $0x2  }
0xb9: {  	s3 =	sand.u32 $0x4000, s31;
	s1 =	sadd.s32 s1, s30  }
0xba: {  	s0 =	sor.u32 s3, s0;
	s1 =	sshll.u32 s1, $0x11  }
0xbb: {  	s0 =	sor.u32 s1, s0  }
0xbc: {  	s0 =	sadd.s32 $0x8F2B, s0  }
0xbd: {  	[sflag:s0] =	ssyncadd.remote.s32 $0x1  }
0xbe: {  	_ =	sfence.sel $0xFFFF  }
0xbf: {  	[dreg:$0x0] =	wrdreg $0xFFFFFFFF;
	(pc) =	sbr.abs _section_cstart, $3  }
0xc0: {  	[dreg:$0x1] =	wrdreg $0xFFFFFFFF  }
0xc1: {  	_ =	task.clear_ibuf [dreg:s7], $0x2FFFF;
	_ =	strace $0x9FFFFFFF  }
0xc2: {  	(tm) =	ssettm $0x7FFFFFFF  }
0xc3: {  	_ =	shalt  }
tec
execute0_lowered:
.L_overlay_start_1:
0x0: {  	(tag) =	ssettag $0x1  }
0x1: {  	s0 =	rddreg [dreg:$0x0]  }
0x2: {  	s1 =	srdreg.scid;
	s2 =	stileid.u32  }
0x3: {  	s19 =	rddreg [dreg:$0x1];
	s3 =	simm.s32 $0x0;
	s17 =	simm.s32 $0x280  }
0x4: {  	s13 =	simm.s32 $0x80;
	s21 =	simm.s32 $0x4A00;
	s22 =	simm.s32 $0x2  }
0x5: {  	s8 =	simm.s32 $0x5;
	s1 =	sand.u32 $0x1, s1;
	s2 =	sshll.u32 s2, $0x1  }
0x6: {  	s9 =	simm.s32 $0x3;
	s2 =	sor.u32 s1, s2;
	s1 =	ssub.s32 $0x2, s1  }
0x7: {  	s29 =	simm.s32 $0x6;
	s6 =	smul.u32 $0xA00, s2;
	s26 =	sshrl.u32 s1, $0x1  }
0x8: {  	s4 =	sadd.s32 $0x27ACA00, s0;
	s5 =	sadd.s32 $0x1A0600, s0;
	s0 =	ssub.s32 s1, s26  }
0x9: {  	[smem:$0x7FF] =	sst s3;
	s7 =	sshrl.u32 s6, $0x3;
	s0 =	smax.u32 s0, $0x1  }
0xa: {  	_ =	strace $0x80000047;
	s28 =	sadd.s32 s5, s7;
	[dreg:$0x6] =	wrdreg s0  }
0xb: {  	s31 =	simm.s32 $0x4;
	s30 =	sadd.s32 $0x2800, s28;
	[dreg:$0x3] =	wrdreg s28  }
0xc: {  	s10 =	simm.s32 $0x1;
	s1 =	sadd.s32 $0x5000, s28;
	[dreg:$0x4] =	wrdreg s30  }
0xd: {  	s6 =	sshll.u32 s2, $0x7;
	[dreg:$0x5] =	wrdreg s1;
	s1 =	simm.s32 $0x0  }
.LBB2_1:
0xe: {  	[dreg:$0x7] =	wrdreg s1  }
0xf: {  	s0 =	rddreg [dreg:$0x3]  }
0x10: {  	[tilespmem:s3], [sflag:$0x1] =	stream.linear.gather [hbm4b:s0+s3], $0x280, $0x38;
	[tilespmem:$0x11200] =	vst v63  }
0x11: {  	s15 =	rddreg [dreg:$0x4]  }
0x12: {  	[tilespmem:s17], [sflag:$0x2] =	stream.linear.gather [hbm4b:s15+s3], $0x280, $0x38;
	[tilespmem:$0x11200] =	vst v63  }
0x13: {  	s16 =	rddreg [dreg:$0x5];
	s18 =	simm.s32 $0x500  }
0x14: {  	[tilespmem:s18], [sflag:$0x3] =	stream.linear.gather [hbm4b:s16+s3], $0x280, $0x38;
	[tilespmem:$0x11200] =	vst v63  }
0x15: {  	_ =	swait.ge [sflag:s10], $0x280  }
0x16: {  	[sflag:s10] =	ssyncset.done $0x0  }
0x17: {  	s20 =	simm.s32 $0xA00;
	[sflag:s10] =	ssyncadd.s32 $0xFFFFFD80  }
0x18: {  	[tilespmem:s20], [sflag:$0x5] =	stream.indirect.gather [hbm4b:s4+s13], $0x20, s3, s13, $0xb8;
	[tilespmem:$0x11200] =	vst v63  }
0x19: {  	s23 =	simm.s32 $0x1A00;
	s24 =	simm.s32 $0x100;
	s25 =	simm.s32 $0x2A00  }
0x1a: {  	[tilespmem:s23], [sflag:$0x5] =	stream.indirect.gather [hbm4b:s4+s13], $0x20, s13, s13, $0xb8;
	[tilespmem:$0x11200] =	vst v63  }
0x1b: {  	s26 =	simm.s32 $0x180;
	s28 =	simm.s32 $0x3A00;
	s30 =	simm.s32 $0x200  }
0x1c: {  	[tilespmem:s25], [sflag:$0x5] =	stream.indirect.gather [hbm4b:s4+s13], $0x20, s24, s13, $0xb8;
	[tilespmem:$0x11200] =	vst v63  }
0x1d: {  	s7 =	simm.s32 $0xAA00;
	s16 =	simm.s32 $0x1;
	s18 =	simm.s32 $0x0  }
0x1e: {  	[tilespmem:s28], [sflag:$0x5] =	stream.indirect.gather [hbm4b:s4+s13], $0x20, s26, s13, $0xb8;
	[tilespmem:$0x11200] =	vst v63  }
0x1f: {  	s20 =	simm.s32 $0x0;
	s24 =	simm.s32 $0x3;
	s26 =	simm.s32 $0x2  }
0x20: {  	[tilespmem:s21], [sflag:$0x5] =	stream.indirect.gather [hbm4b:s4+s13], $0x20, s30, s13, $0xb8;
	[tilespmem:$0x11200] =	vst v63  }
.LBB2_2:
0x21: {  	s0 =	smulhi.u32 $0x4EC4EC4F, s24;
	_ =	sdelay $0x1  }
0x22: {  	s1 =	smulhi.u32 $0x4EC4EC4F, s26;
	s28 =	sshll.u32 s20, $0x2;
	s0 =	sshrl.u32 s0, $0x3  }
0x23: {  	s2 =	smul.u32 $0xFFFFF300, s0;
	s0 =	sor.u32 $0x1, s28  }
0x24: {  	s11 =	smul.u32 $0x4F, s0  }
0x25: {  	s12 =	smulhi.u32 $0x4EC4EC4F, s16  }
0x26: {  	s14 =	smulhi.u32 $0x4EC4EC4F, s18;
	s1 =	sshrl.u32 s1, $0x3;
	s11 =	sshrl.u32 s11, $0xB  }
0x27: {  	s1 =	smul.u32 $0xFFFFF300, s1;
	s11 =	sand.u32 $0x1F, s11  }
0x28: {  	_ =	swait.ge [sflag:s22], $0x280;
	s12 =	sshrl.u32 s12, $0x3;
	s11 =	smul.u32 $0x1A, s11  }
0x29: {  	[sflag:s22] =	ssyncset.done $0x0;
	s14 =	sshrl.u32 s14, $0x3;
	s23 =	smul.u32 $0xFFFFF300, s12  }
0x2a: {  	[sflag:s22] =	ssyncadd.s32 $0xFFFFFD80;
	s12 =	smul.u32 $0xFFFFF300, s14;
	s11 =	ssub.s32 s0, s11  }
0x2b: {  	s2 =	sshra.s32 s2, $0x2;
	s1 =	sshra.s32 s1, $0x2;
	s21 =	sand.u32 $0xFF, s11  }
0x2c: {  	s15 =	sshra.s32 s23, $0x2;
	s25 =	sadd.s32 s2, s7;
	s2 =	smul.u32 $0x186A0, s21  }
0x2d: {  	s23 =	sshra.s32 s12, $0x2;
	s30 =	sadd.s32 s1, s7;
	s12 =	sadd.s32 s15, s7  }
0x2e: {  	s15 =	sadd.s32 s23, s7;
	s1 =	simm.s32 $0x0;
	v0 =	vmov s2;
	s2 =	simm.s32 $0x40  }
.LBB2_3:
0x2f: {  	p0 =	sne.s32 s2, $0x9C0;
	v1 =	vld [tilespmem:s1+$0x280];
	_ =	sdelay $0x1  }
.Ltmp0:
0x30: {  	(pc) =	sbr.rel @p0 .LBB2_3-.Ltmp0, $3  }
0x31: {  	_ =	sdelay $0x1  }
0x32: {  	v1 =	vadd.s32 v0, v1  }
0x33: {  	[tilespmem:s1+$0x280] =	vst v1;
	s1 =	sshra.s32 s2, $0x2;
	s2 =	sadd.s32 $0x40, s2  }
0x34: {  	v1 =	vld [tilespmem:s1+$0x280];
	_ =	sdelay $0x4  }
0x35: {  	v0 =	vadd.s32 v0, v1  }
0x36: {  	s21 =	simm.s32 $0x5A00;
	[tilespmem:s1+$0x280] =	vst v0;
	s1 =	sor.u32 $0x3, s28  }
0x37: {  	[tilespmem:s21], [sflag:$0x6] =	stream.indirect.gather [hbm4b:s4+s13], $0x20, s17, s13, $0xb8;
	[tilespmem:$0x11200] =	vst v63  }
0x38: {  	s2 =	simm.s32 $0x300;
	s11 =	simm.s32 $0x6A00;
	s23 =	smulhi.u32 $0x4EC4EC4F, s1  }
0x39: {  	[tilespmem:s11], [sflag:$0x6] =	stream.indirect.gather [hbm4b:s4+s13], $0x20, s2, s13, $0xb8;
	[tilespmem:$0x11200] =	vst v63  }
0x3a: {  	s14 =	simm.s32 $0x7A00;
	s11 =	sshrl.u32 s23, $0x3  }
0x3b: {  	s17 =	simm.s32 $0x380;
	s21 =	simm.s32 $0x400;
	s2 =	smul.u32 $0x1A, s11  }
0x3c: {  	[tilespmem:s14], [sflag:$0x6] =	stream.indirect.gather [hbm4b:s4+s13], $0x20, s17, s13, $0xb8;
	[tilespmem:$0x11200] =	vst v63  }
0x3d: {  	s23 =	simm.s32 $0x8A00;
	s14 =	sshll.u32 s11, $0x5;
	s2 =	ssub.s32 s1, s2  }
0x3e: {  	[tilespmem:s23], [sflag:$0x6] =	stream.indirect.gather [hbm4b:s4+s13], $0x20, s21, s13, $0xb8;
	[tilespmem:$0x11200] =	vst v63  }
0x3f: {  	s11 =	smul.u32 $0x14000, s2;
	s23 =	sadd.s32 s6, s14  }
0x40: {  	s17 =	simm.s32 $0x480;
	s21 =	simm.s32 $0x9A00;
	s1 =	smul.u32 $0x14, s23  }
0x41: {  	[tilespmem:s21], [sflag:$0x6] =	stream.indirect.gather [hbm4b:s4+s13], $0x20, s17, s13, $0xb8;
	[tilespmem:$0x11200] =	vst v63  }
0x42: {  	s1 =	sadd.s32 s11, s1  }
0x43: {  	s1 =	sshrl.u32 s1, $0x3  }
0x44: {  	s17 =	simm.s32 $0x780;
	s1 =	sadd.s32 s5, s1  }
0x45: {  	[tilespmem:s17], [sflag:$0x4] =	stream.linear.gather [hbm4b:s1+s3], $0x280, $0x38;
	[tilespmem:$0x11200] =	vst v63  }
0x46: {  	_ =	swait.ge [sflag:s8], $0x1000  }
0x47: {  	[sflag:s8] =	ssyncset.done $0x0  }
0x48: {  	[sflag:s8] =	ssyncadd.s32 $0xFFFFF000  }
0x49: {  	_ =	swait.ge [sflag:s8], $0x1000  }
0x4a: {  	[sflag:s8] =	ssyncset.done $0x0  }
0x4b: {  	[sflag:s8] =	ssyncadd.s32 $0xFFFFF000  }
0x4c: {  	_ =	swait.ge [sflag:s8], $0x1000  }
0x4d: {  	[sflag:s8] =	ssyncset.done $0x0  }
0x4e: {  	[sflag:s8] =	ssyncadd.s32 $0xFFFFF000  }
0x4f: {  	_ =	swait.ge [sflag:s8], $0x1000  }
0x50: {  	[sflag:s8] =	ssyncset.done $0x0  }
0x51: {  	[sflag:s8] =	ssyncadd.s32 $0xFFFFF000  }
0x52: {  	_ =	swait.ge [sflag:s8], $0x1000  }
0x53: {  	[sflag:s8] =	ssyncset.done $0x0  }
0x54: {  	s1 =	simm.s32 $0xB40;
	[sflag:s8] =	ssyncadd.s32 $0xFFFFF000  }
0x55: {  	v6 =	vld [tilespmem:s1+$0xC0]  }
0x56: {  	v8 =	vld [tilespmem:s1+$0xE0]  }
0x57: {  	v5 =	vld [tilespmem:s1+$0x100]  }
0x58: {  	v7 =	vld [tilespmem:s1+$0x120]  }
0x59: {  	v1 =	vld [tilespmem:s1+$0x130]  }
0x5a: {  	v2 =	vld [tilespmem:s1+$0x110]  }
0x5b: {  	v23 =	vld [tilespmem:s1+$0x40]  }
0x5c: {  	v24 =	vld [tilespmem:s1+$0x60]  }
0x5d: {  	v11 =	vld [tilespmem:s1+$0x80]  }
0x5e: {  	v12 =	vld [tilespmem:s1+$0xA0]  }
0x5f: {  	v3 =	vld [tilespmem:s1+$0xB0]  }
0x60: {  	v4 =	vld [tilespmem:s1+$0x90]  }
0x61: {  	v0 =	vld [tilespmem:s1+$0xFFFFFFC0]  }
0x62: {  	v18 =	vld [tilespmem:s1+$0xFFFFFFE0]  }
0x63: {  	v20 =	vld [tilespmem:s1+$0x0]  }
0x64: {  	v22 =	vld [tilespmem:s1+$0x20]  }
0x65: {  	v9 =	vld [tilespmem:s1+$0x30]  }
0x66: {  	v10 =	vld [tilespmem:s1+$0x10]  }
0x67: {  	v16 =	vld [tilespmem:s1+$0xFFFFFF40]  }
0x68: {  	v17 =	vld [tilespmem:s1+$0xFFFFFEC0]  }
0x69: {  	v19 =	vld [tilespmem:s1+$0xFFFFFEE0]  }
0x6a: {  	v21 =	vld [tilespmem:s1+$0xFFFFFF60]  }
0x6b: {  	v25 =	vld [tilespmem:s1+$0xFFFFFF00]  }
0x6c: {  	v26 =	vld [tilespmem:s1+$0xFFFFFF80]  }
0x6d: {  	v27 =	vld [tilespmem:s1+$0xFFFFFF20]  }
0x6e: {  	v28 =	vld [tilespmem:s1+$0xFFFFFFA0]  }
0x6f: {  	v14 =	vld [tilespmem:s1+$0xFFFFFFB0]  }
0x70: {  	v15 =	vld [tilespmem:s1+$0xFFFFFF90]  }
0x71: {  	v13 =	vld [tilespmem:s1+$0xFFFFFF70]  }
0x72: {  	v29 =	vadd.f32 v16, v17;
	v16 =	vld [tilespmem:s1+$0xFFFFFF50];
	v21 =	vadd.f32 v21, v19  }
0x73: {  	v17 =	vld [tilespmem:s1+$0xFFFFFF30];
	v25 =	vadd.f32 v26, v25;
	v26 =	vadd.f32 v28, v27  }
0x74: {  	s21 =	smulhi.u32 $0x4EC4EC4F, s28;
	v19 =	vld [tilespmem:s1+$0xFFFFFF10];
	v27 =	vadd.f32 v0, v29;
	v63 =	vadd.f32 v18, v21  }
0x75: {  	v18 =	vld [tilespmem:s1+$0xFFFFFEF0];
	v21 =	vadd.f32 v20, v25;
	v22 =	vadd.f32 v22, v26  }
0x76: {  	s14 =	simm.s32 $0x40;
	s11 =	sshrl.u32 s21, $0x3;
	v0 =	vmov s15;
	v20 =	vld [tilespmem:s1+$0xFFFFFED0];
	s15 =	simm.s32 $0xD40;
	v23 =	vadd.f32 v23, v27;
	v24 =	vadd.f32 v24, v63  }
.LBB2_5:
0x77: {  	p0 =	sne.s32 s15, $0x19340;
	v25 =	vld [tilespmem:s1+$0xFFFFFFF0];
	v11 =	vadd.f32 v11, v21;
	v12 =	vadd.f32 v12, v22  }
0x78: {  	v21 =	vld [tilespmem:s1+$0xFFFFFFD0];
	v6 =	vadd.f32 v6, v23;
	v8 =	vadd.f32 v8, v24  }
0x79: {  	v22 =	vld [tilespmem:s1+$0x70];
	v5 =	vadd.f32 v5, v11;
	v7 =	vadd.f32 v7, v12  }
0x7a: {  	v11 =	vadd.f32 v15, v19;
	v12 =	vadd.f32 v14, v17;
	v14 =	vld [tilespmem:s1+$0x50]  }
0x7b: {  	v13 =	vadd.f32 v13, v18;
	v15 =	vadd.f32 v16, v20;
	v16 =	vld [tilespmem:s1+$0xF0]  }
0x7c: {  	v10 =	vadd.f32 v10, v11;
	v9 =	vadd.f32 v9, v12;
	v11 =	vld [tilespmem:s1+$0xD0]  }
0x7d: {  	v13 =	vadd.f32 v25, v13;
	v12 =	vadd.f32 v21, v15  }
0x7e: {  	v4 =	vadd.f32 v4, v10;
	v3 =	vadd.f32 v3, v9  }
0x7f: {  	v10 =	vadd.f32 v22, v13;
	v9 =	vadd.f32 v14, v12  }
0x80: {  	v2 =	vadd.f32 v2, v4;
	v1 =	vadd.f32 v1, v3  }
0x81: {  	v4 =	vadd.f32 v16, v10;
	v3 =	vadd.f32 v11, v9  }
0x82: {  	v6 =	vadd.f32 v8, v6;
	v5 =	vadd.f32 v7, v5  }
0x83: {  	v1 =	vadd.f32 v1, v2;
	v3 =	vadd.f32 v4, v3  }
0x84: {  	v2 =	vadd.f32 v5, v6  }
0x85: {  	s17 =	sshra.s32 s14, $0x2;
	s14 =	smov.u32 s15;
	v1 =	vadd.f32 v1, v3  }
0x86: {  	[tilespmem:v0+s17+$0xFFFFFFF0 ss:$0x1] =	vst.idx.msk $0xffff, v2  }
0x87: {  	s1 =	sadd.s32 $0x280, s1;
	[tilespmem:v0+s17+$0x0 ss:$0x1] =	vst.idx.msk $0xffff, v1  }
0x88: {  	v6 =	vld [tilespmem:s1+$0xC0]  }
0x89: {  	v8 =	vld [tilespmem:s1+$0xE0]  }
0x8a: {  	v5 =	vld [tilespmem:s1+$0x100]  }
0x8b: {  	v7 =	vld [tilespmem:s1+$0x120]  }
0x8c: {  	v1 =	vld [tilespmem:s1+$0x130]  }
0x8d: {  	v2 =	vld [tilespmem:s1+$0x110]  }
0x8e: {  	v23 =	vld [tilespmem:s1+$0x40]  }
0x8f: {  	v24 =	vld [tilespmem:s1+$0x60]  }
0x90: {  	v11 =	vld [tilespmem:s1+$0x80]  }
0x91: {  	v12 =	vld [tilespmem:s1+$0xA0]  }
0x92: {  	v3 =	vld [tilespmem:s1+$0xB0]  }
0x93: {  	v4 =	vld [tilespmem:s1+$0x90]  }
0x94: {  	v18 =	vld [tilespmem:s1+$0xFFFFFFC0]  }
0x95: {  	v20 =	vld [tilespmem:s1+$0xFFFFFFE0]  }
0x96: {  	v21 =	vld [tilespmem:s1+$0x0]  }
0x97: {  	v22 =	vld [tilespmem:s1+$0x20]  }
0x98: {  	v9 =	vld [tilespmem:s1+$0x30]  }
0x99: {  	v10 =	vld [tilespmem:s1+$0x10]  }
0x9a: {  	v16 =	vld [tilespmem:s1+$0xFFFFFF40]  }
0x9b: {  	v17 =	vld [tilespmem:s1+$0xFFFFFEC0]  }
0x9c: {  	v19 =	vld [tilespmem:s1+$0xFFFFFEE0]  }
0x9d: {  	v25 =	vld [tilespmem:s1+$0xFFFFFF60]  }
0x9e: {  	v26 =	vld [tilespmem:s1+$0xFFFFFF00]  }
0x9f: {  	v27 =	vld [tilespmem:s1+$0xFFFFFF80]  }
0xa0: {  	v28 =	vld [tilespmem:s1+$0xFFFFFF20]  }
0xa1: {  	v29 =	vld [tilespmem:s1+$0xFFFFFFA0]  }
0xa2: {  	v14 =	vld [tilespmem:s1+$0xFFFFFFB0]  }
0xa3: {  	v15 =	vld [tilespmem:s1+$0xFFFFFF90]  }
0xa4: {  	v13 =	vld [tilespmem:s1+$0xFFFFFF70]  }
.Ltmp1:
0xa5: {  	v30 =	vadd.f32 v16, v17;
	v25 =	vadd.f32 v25, v19;
	v16 =	vld [tilespmem:s1+$0xFFFFFF50];
	(pc) =	sbr.rel @p0 .LBB2_5-.Ltmp1, $4  }
0xa6: {  	v26 =	vadd.f32 v27, v26;
	v17 =	vld [tilespmem:s1+$0xFFFFFF30];
	v27 =	vadd.f32 v29, v28  }
0xa7: {  	v25 =	vadd.f32 v20, v25;
	v28 =	vadd.f32 v18, v30;
	v19 =	vld [tilespmem:s1+$0xFFFFFF10]  }
0xa8: {  	v21 =	vadd.f32 v21, v26;
	v18 =	vld [tilespmem:s1+$0xFFFFFEF0];
	v22 =	vadd.f32 v22, v27  }
0xa9: {  	s15 =	sadd.s32 $0xD00, s15;
	v24 =	vadd.f32 v24, v25;
	v23 =	vadd.f32 v23, v28;
	v20 =	vld [tilespmem:s1+$0xFFFFFED0]  }
0xaa: {  	v25 =	vld [tilespmem:s1+$0xFFFFFFF0];
	v11 =	vadd.f32 v11, v21;
	v12 =	vadd.f32 v12, v22  }
0xab: {  	v52 =	vld [tilespmem:s1+$0xFFFFFFD0];
	v6 =	vadd.f32 v6, v23;
	v8 =	vadd.f32 v8, v24  }
0xac: {  	v53 =	vld [tilespmem:s1+$0x70];
	v55 =	vadd.f32 v14, v17;
	v5 =	vadd.f32 v5, v11  }
0xad: {  	v56 =	vld [tilespmem:s1+$0x50];
	v7 =	vadd.f32 v7, v12;
	v54 =	vadd.f32 v15, v19  }
0xae: {  	v58 =	vld [tilespmem:s1+$0xF0];
	v13 =	vadd.f32 v13, v18;
	v57 =	vadd.f32 v16, v20  }
0xaf: {  	v59 =	vld [tilespmem:s1+$0xD0];
	v9 =	vadd.f32 v9, v55;
	v10 =	vadd.f32 v10, v54  }
0xb0: {  	v13 =	vadd.f32 v25, v13;
	v60 =	vadd.f32 v52, v57  }
0xb1: {  	v3 =	vadd.f32 v3, v9;
	v4 =	vadd.f32 v4, v10  }
0xb2: {  	v62 =	vadd.f32 v53, v13;
	v61 =	vadd.f32 v56, v60  }
0xb3: {  	v1 =	vadd.f32 v1, v3;
	v2 =	vadd.f32 v2, v4  }
0xb4: {  	s21 =	sor.u32 $0x2, s28;
	v63 =	vadd.f32 v58, v62;
	v3 =	vadd.f32 v59, v61  }
0xb5: {  	s15 =	smulhi.u32 $0x4EC4EC4F, s21;
	v6 =	vadd.f32 v8, v6;
	v5 =	vadd.f32 v7, v5  }
0xb6: {  	v1 =	vadd.f32 v1, v2;
	v3 =	vadd.f32 v63, v3  }
0xb7: {  	s15 =	sshrl.u32 s15, $0x3;
	v2 =	vadd.f32 v5, v6  }
0xb8: {  	s14 =	sshra.s32 s14, $0x2;
	s15 =	smul.u32 $0x1A, s15;
	v1 =	vadd.f32 v1, v3  }
0xb9: {  	[tilespmem:v0+s14+$0xFFFFFFF0 ss:$0x1] =	vst.idx.msk $0xffff, v2  }
0xba: {  	s1 =	ssub.s32 s21, s15;
	[tilespmem:v0+s14+$0x0 ss:$0x1] =	vst.idx.msk $0xffff, v1  }
0xbb: {  	s1 =	smul.u32 $0x186A0, s1;
	_ =	swait.ge [sflag:s9], $0x280  }
0xbc: {  	[sflag:s9] =	ssyncset.done $0x0  }
0xbd: {  	v0 =	vmov s1;
	s1 =	simm.s32 $0x0;
	s14 =	simm.s32 $0x40;
	[sflag:s9] =	ssyncadd.s32 $0xFFFFFD80  }
.LBB2_7:
0xbe: {  	p0 =	sne.s32 s14, $0x9C0;
	v1 =	vld [tilespmem:s1+$0x500];
	_ =	sdelay $0x1  }
.Ltmp2:
0xbf: {  	(pc) =	sbr.rel @p0 .LBB2_7-.Ltmp2, $3  }
0xc0: {  	_ =	sdelay $0x1  }
0xc1: {  	v1 =	vadd.s32 v0, v1  }
0xc2: {  	[tilespmem:s1+$0x500] =	vst v1;
	s1 =	sshra.s32 s14, $0x2;
	s14 =	sadd.s32 $0x40, s14  }
0xc3: {  	v1 =	vld [tilespmem:s1+$0x500];
	_ =	sdelay $0x4  }
0xc4: {  	s21 =	smin.u32 s28, $0x63;
	v0 =	vadd.s32 v0, v1  }
0xc5: {  	s14 =	simm.s32 $0x500;
	s15 =	simm.s32 $0xA00;
	[tilespmem:s1+$0x500] =	vst v0;
	s1 =	sadd.s32 $0x4, s21  }
0xc6: {  	[tilespmem:s15], [sflag:$0x5] =	stream.indirect.gather [hbm4b:s4+s13], $0x20, s14, s13, $0xb8;
	[tilespmem:$0x11200] =	vst v63  }
0xc7: {  	s17 =	simm.s32 $0x580;
	s15 =	simm.s32 $0x1A00;
	s14 =	smulhi.u32 $0x9D89D8A, s1  }
0xc8: {  	[tilespmem:s15], [sflag:$0x5] =	stream.indirect.gather [hbm4b:s4+s13], $0x20, s17, s13, $0xb8;
	[tilespmem:$0x11200] =	vst v63  }
0xc9: {  	s15 =	smul.u32 $0x1A, s14;
	s14 =	sshll.u32 s14, $0x5  }
0xca: {  	s21 =	simm.s32 $0x2A00;
	s17 =	simm.s32 $0x600;
	s14 =	sadd.s32 s6, s14  }
0xcb: {  	[tilespmem:s21], [sflag:$0x5] =	stream.indirect.gather [hbm4b:s4+s13], $0x20, s17, s13, $0xb8;
	[tilespmem:$0x11200] =	vst v63  }
0xcc: {  	s1 =	ssub.s32 s1, s15;
	s14 =	smul.u32 $0x14, s14  }
0xcd: {  	s17 =	simm.s32 $0x3A00;
	s21 =	simm.s32 $0x680;
	s15 =	smul.u32 $0x14000, s1  }
0xce: {  	[tilespmem:s17], [sflag:$0x5] =	stream.indirect.gather [hbm4b:s4+s13], $0x20, s21, s13, $0xb8;
	[tilespmem:$0x11200] =	vst v63  }
0xcf: {  	s21 =	simm.s32 $0x4A00;
	s17 =	simm.s32 $0x700;
	s14 =	sadd.s32 s15, s14  }
0xd0: {  	[tilespmem:s21], [sflag:$0x5] =	stream.indirect.gather [hbm4b:s4+s13], $0x20, s17, s13, $0xb8;
	[tilespmem:$0x11200] =	vst v63  }
0xd1: {  	s14 =	sshrl.u32 s14, $0x3  }
0xd2: {  	s14 =	sadd.s32 s5, s14  }
0xd3: {  	[tilespmem:s3], [sflag:$0x1] =	stream.linear.gather [hbm4b:s14+s3], $0x280, $0x38;
	[tilespmem:$0x11200] =	vst v63  }
0xd4: {  	_ =	swait.ge [sflag:s29], $0x1000  }
0xd5: {  	[sflag:s29] =	ssyncset.done $0x0  }
0xd6: {  	[sflag:s29] =	ssyncadd.s32 $0xFFFFF000  }
0xd7: {  	_ =	swait.ge [sflag:s29], $0x1000  }
0xd8: {  	[sflag:s29] =	ssyncset.done $0x0  }
0xd9: {  	[sflag:s29] =	ssyncadd.s32 $0xFFFFF000  }
0xda: {  	_ =	swait.ge [sflag:s29], $0x1000  }
0xdb: {  	[sflag:s29] =	ssyncset.done $0x0  }
0xdc: {  	[sflag:s29] =	ssyncadd.s32 $0xFFFFF000  }
0xdd: {  	_ =	swait.ge [sflag:s29], $0x1000  }
0xde: {  	[sflag:s29] =	ssyncset.done $0x0  }
0xdf: {  	[sflag:s29] =	ssyncadd.s32 $0xFFFFF000  }
0xe0: {  	_ =	swait.ge [sflag:s29], $0x1000  }
0xe1: {  	[sflag:s29] =	ssyncset.done $0x0  }
0xe2: {  	s14 =	simm.s32 $0x5B40;
	[sflag:s29] =	ssyncadd.s32 $0xFFFFF000  }
0xe3: {  	v6 =	vld [tilespmem:s14+$0xC0]  }
0xe4: {  	v8 =	vld [tilespmem:s14+$0xE0]  }
0xe5: {  	v5 =	vld [tilespmem:s14+$0x100]  }
0xe6: {  	v7 =	vld [tilespmem:s14+$0x120]  }
0xe7: {  	v1 =	vld [tilespmem:s14+$0x130]  }
0xe8: {  	v2 =	vld [tilespmem:s14+$0x110]  }
0xe9: {  	v23 =	vld [tilespmem:s14+$0x40]  }
0xea: {  	v24 =	vld [tilespmem:s14+$0x60]  }
0xeb: {  	v11 =	vld [tilespmem:s14+$0x80]  }
0xec: {  	v12 =	vld [tilespmem:s14+$0xA0]  }
0xed: {  	v3 =	vld [tilespmem:s14+$0xB0]  }
0xee: {  	v4 =	vld [tilespmem:s14+$0x90]  }
0xef: {  	v0 =	vld [tilespmem:s14+$0xFFFFFFC0]  }
0xf0: {  	v18 =	vld [tilespmem:s14+$0xFFFFFFE0]  }
0xf1: {  	v20 =	vld [tilespmem:s14+$0x0]  }
0xf2: {  	v22 =	vld [tilespmem:s14+$0x20]  }
0xf3: {  	v9 =	vld [tilespmem:s14+$0x30]  }
0xf4: {  	v10 =	vld [tilespmem:s14+$0x10]  }
0xf5: {  	v16 =	vld [tilespmem:s14+$0xFFFFFF40]  }
0xf6: {  	v17 =	vld [tilespmem:s14+$0xFFFFFEC0]  }
0xf7: {  	v19 =	vld [tilespmem:s14+$0xFFFFFEE0]  }
0xf8: {  	v21 =	vld [tilespmem:s14+$0xFFFFFF60]  }
0xf9: {  	v25 =	vld [tilespmem:s14+$0xFFFFFF00]  }
0xfa: {  	v26 =	vld [tilespmem:s14+$0xFFFFFF80]  }
0xfb: {  	v27 =	vld [tilespmem:s14+$0xFFFFFF20]  }
0xfc: {  	v28 =	vld [tilespmem:s14+$0xFFFFFFA0]  }
0xfd: {  	v13 =	vld [tilespmem:s14+$0xFFFFFFB0]  }
0xfe: {  	v15 =	vld [tilespmem:s14+$0xFFFFFF90]  }
0xff: {  	s17 =	smulhi.u32 $0x4EC4EC4F, s0;
	v14 =	vld [tilespmem:s14+$0xFFFFFF70]  }
0x100: {  	v29 =	vadd.f32 v16, v17;
	v16 =	vld [tilespmem:s14+$0xFFFFFF50];
	v21 =	vadd.f32 v21, v19  }
0x101: {  	s15 =	sshrl.u32 s17, $0x3;
	v17 =	vld [tilespmem:s14+$0xFFFFFF30];
	v25 =	vadd.f32 v26, v25;
	v26 =	vadd.f32 v28, v27  }
0x102: {  	s15 =	smul.u32 $0x1A, s15;
	v19 =	vld [tilespmem:s14+$0xFFFFFF10];
	v27 =	vadd.f32 v0, v29;
	v63 =	vadd.f32 v18, v21  }
0x103: {  	v18 =	vld [tilespmem:s14+$0xFFFFFEF0];
	v21 =	vadd.f32 v20, v25;
	v22 =	vadd.f32 v22, v26  }
0x104: {  	s15 =	ssub.s32 s0, s15;
	s0 =	simm.s32 $0xFFFE6000;
	v0 =	vmov s12;
	v20 =	vld [tilespmem:s14+$0xFFFFFED0];
	s12 =	simm.s32 $0xFFFE6D00;
	v23 =	vadd.f32 v23, v27;
	v24 =	vadd.f32 v24, v63  }
.LBB2_9:
0x105: {  	p0 =	sne.s32 s12, $0xFFFFF300;
	v25 =	vld [tilespmem:s14+$0xFFFFFFF0];
	v11 =	vadd.f32 v11, v21;
	v12 =	vadd.f32 v12, v22  }
0x106: {  	v21 =	vld [tilespmem:s14+$0xFFFFFFD0];
	v6 =	vadd.f32 v6, v23;
	v8 =	vadd.f32 v8, v24  }
0x107: {  	v22 =	vld [tilespmem:s14+$0x70];
	v5 =	vadd.f32 v5, v11;
	v7 =	vadd.f32 v7, v12  }
0x108: {  	v11 =	vadd.f32 v15, v19;
	v12 =	vadd.f32 v13, v17;
	v13 =	vld [tilespmem:s14+$0x50]  }
0x109: {  	v14 =	vadd.f32 v14, v18;
	v15 =	vadd.f32 v16, v20;
	v16 =	vld [tilespmem:s14+$0xF0]  }
0x10a: {  	v10 =	vadd.f32 v10, v11;
	v9 =	vadd.f32 v9, v12;
	v11 =	vld [tilespmem:s14+$0xD0]  }
0x10b: {  	v14 =	vadd.f32 v25, v14;
	v12 =	vadd.f32 v21, v15  }
0x10c: {  	v4 =	vadd.f32 v4, v10;
	v3 =	vadd.f32 v3, v9  }
0x10d: {  	v10 =	vadd.f32 v22, v14;
	v9 =	vadd.f32 v13, v12  }
0x10e: {  	v2 =	vadd.f32 v2, v4;
	v1 =	vadd.f32 v1, v3  }
0x10f: {  	v4 =	vadd.f32 v16, v10;
	v3 =	vadd.f32 v11, v9  }
0x110: {  	v6 =	vadd.f32 v8, v6;
	v5 =	vadd.f32 v7, v5  }
0x111: {  	v1 =	vadd.f32 v1, v2;
	v3 =	vadd.f32 v4, v3  }
0x112: {  	v2 =	vadd.f32 v5, v6  }
0x113: {  	s17 =	sshra.s32 s0, $0x2;
	s0 =	smov.u32 s12;
	v1 =	vadd.f32 v1, v3  }
0x114: {  	[tilespmem:v0+s17+$0x6820 ss:$0x1] =	vst.idx.msk $0xffff, v2  }
0x115: {  	s14 =	sadd.s32 $0x280, s14;
	[tilespmem:v0+s17+$0x6830 ss:$0x1] =	vst.idx.msk $0xffff, v1  }
0x116: {  	v6 =	vld [tilespmem:s14+$0xC0]  }
0x117: {  	v8 =	vld [tilespmem:s14+$0xE0]  }
0x118: {  	v5 =	vld [tilespmem:s14+$0x100]  }
0x119: {  	v7 =	vld [tilespmem:s14+$0x120]  }
0x11a: {  	v1 =	vld [tilespmem:s14+$0x130]  }
0x11b: {  	v2 =	vld [tilespmem:s14+$0x110]  }
0x11c: {  	v23 =	vld [tilespmem:s14+$0x40]  }
0x11d: {  	v24 =	vld [tilespmem:s14+$0x60]  }
0x11e: {  	v11 =	vld [tilespmem:s14+$0x80]  }
0x11f: {  	v12 =	vld [tilespmem:s14+$0xA0]  }
0x120: {  	v3 =	vld [tilespmem:s14+$0xB0]  }
0x121: {  	v4 =	vld [tilespmem:s14+$0x90]  }
0x122: {  	v18 =	vld [tilespmem:s14+$0xFFFFFFC0]  }
0x123: {  	v20 =	vld [tilespmem:s14+$0xFFFFFFE0]  }
0x124: {  	v21 =	vld [tilespmem:s14+$0x0]  }
0x125: {  	v22 =	vld [tilespmem:s14+$0x20]  }
0x126: {  	v9 =	vld [tilespmem:s14+$0x30]  }
0x127: {  	v10 =	vld [tilespmem:s14+$0x10]  }
0x128: {  	v16 =	vld [tilespmem:s14+$0xFFFFFF40]  }
0x129: {  	v17 =	vld [tilespmem:s14+$0xFFFFFEC0]  }
0x12a: {  	v19 =	vld [tilespmem:s14+$0xFFFFFEE0]  }
0x12b: {  	v25 =	vld [tilespmem:s14+$0xFFFFFF60]  }
0x12c: {  	v26 =	vld [tilespmem:s14+$0xFFFFFF00]  }
0x12d: {  	v27 =	vld [tilespmem:s14+$0xFFFFFF80]  }
0x12e: {  	v28 =	vld [tilespmem:s14+$0xFFFFFF20]  }
0x12f: {  	v29 =	vld [tilespmem:s14+$0xFFFFFFA0]  }
0x130: {  	v13 =	vld [tilespmem:s14+$0xFFFFFFB0]  }
0x131: {  	v15 =	vld [tilespmem:s14+$0xFFFFFF90]  }
0x132: {  	v14 =	vld [tilespmem:s14+$0xFFFFFF70]  }
.Ltmp3:
0x133: {  	v30 =	vadd.f32 v16, v17;
	v25 =	vadd.f32 v25, v19;
	v16 =	vld [tilespmem:s14+$0xFFFFFF50];
	(pc) =	sbr.rel @p0 .LBB2_9-.Ltmp3, $4  }
0x134: {  	v26 =	vadd.f32 v27, v26;
	v17 =	vld [tilespmem:s14+$0xFFFFFF30];
	v27 =	vadd.f32 v29, v28  }
0x135: {  	v25 =	vadd.f32 v20, v25;
	v28 =	vadd.f32 v18, v30;
	v19 =	vld [tilespmem:s14+$0xFFFFFF10]  }
0x136: {  	v21 =	vadd.f32 v21, v26;
	v18 =	vld [tilespmem:s14+$0xFFFFFEF0];
	v22 =	vadd.f32 v22, v27  }
0x137: {  	s12 =	sadd.s32 $0xD00, s12;
	v24 =	vadd.f32 v24, v25;
	v23 =	vadd.f32 v23, v28;
	v20 =	vld [tilespmem:s14+$0xFFFFFED0]  }
0x138: {  	v25 =	vld [tilespmem:s14+$0xFFFFFFF0];
	v11 =	vadd.f32 v11, v21;
	v12 =	vadd.f32 v12, v22  }
0x139: {  	v52 =	vld [tilespmem:s14+$0xFFFFFFD0];
	v6 =	vadd.f32 v6, v23;
	v8 =	vadd.f32 v8, v24  }
0x13a: {  	v53 =	vld [tilespmem:s14+$0x70];
	v55 =	vadd.f32 v13, v17;
	v5 =	vadd.f32 v5, v11  }
0x13b: {  	v56 =	vld [tilespmem:s14+$0x50];
	v7 =	vadd.f32 v7, v12;
	v54 =	vadd.f32 v15, v19  }
0x13c: {  	v58 =	vld [tilespmem:s14+$0xF0];
	v14 =	vadd.f32 v14, v18;
	v57 =	vadd.f32 v16, v20  }
0x13d: {  	v59 =	vld [tilespmem:s14+$0xD0];
	v9 =	vadd.f32 v9, v55;
	v10 =	vadd.f32 v10, v54  }
0x13e: {  	v14 =	vadd.f32 v25, v14;
	v60 =	vadd.f32 v52, v57  }
0x13f: {  	v3 =	vadd.f32 v3, v9;
	v4 =	vadd.f32 v4, v10  }
0x140: {  	v62 =	vadd.f32 v53, v14;
	v61 =	vadd.f32 v56, v60  }
0x141: {  	v1 =	vadd.f32 v1, v3;
	v2 =	vadd.f32 v2, v4  }
0x142: {  	v63 =	vadd.f32 v58, v62;
	v3 =	vadd.f32 v59, v61  }
0x143: {  	p0 =	sne.s32 s15, $0x19;
	v6 =	vadd.f32 v8, v6;
	v5 =	vadd.f32 v7, v5  }
0x144: {  	s11 =	sshll.u32 @!p0 s11, $0x5;
	v1 =	vadd.f32 v1, v2;
	v3 =	vadd.f32 v63, v3  }
0x145: {  	s11 =	sadd.s32 @!p0 s6, s11;
	v2 =	vadd.f32 v5, v6  }
0x146: {  	s0 =	sshra.s32 s0, $0x2;
	s11 =	smul.u32 @!p0 $0x68, s11;
	v1 =	vadd.f32 v1, v3  }
0x147: {  	[tilespmem:v0+s0+$0x6820 ss:$0x1] =	vst.idx.msk $0xffff, v2  }
0x148: {  	s12 =	simm.s32 @!p0 $0xAA00;
	[tilespmem:v0+s0+$0x6830 ss:$0x1] =	vst.idx.msk $0xffff, v1;
	s0 =	sadd.s32 @!p0 s19, s11;
	s11 =	simm.s32 @!p0 $0x0  }
0x149: {  	[hbm4b:s0+s11] =	stream.linear.scatter @!p0 [tilespmem:s12], [sflag:$0x8], $0x6800, $0x38;
	[tilespmem:$0x11200] =	vst v63  }
0x14a: {  	s0 =	simm.s32 @!p0 $0x8  }
0x14b: {  	_ =	swait.ge @!p0 [sflag:s0], $0x6800  }
0x14c: {  	[sflag:s0] =	ssyncset.done @!p0 $0x0  }
0x14d: {  	[sflag:s0] =	ssyncadd.s32 @!p0 $0xFFFF9800  }
0x14e: {  	s17 =	smul.u32 $0x186A0, s2;
	_ =	swait.ge [sflag:s31], $0x280  }
0x14f: {  	[sflag:s31] =	ssyncset.done $0x0  }
0x150: {  	v0 =	vmov s17;
	s11 =	simm.s32 $0x40;
	s0 =	simm.s32 $0x0;
	[sflag:s31] =	ssyncadd.s32 $0xFFFFFD80  }
.LBB2_11:
0x151: {  	p0 =	sne.s32 s11, $0x9C0;
	v1 =	vld [tilespmem:s0+$0x780];
	_ =	sdelay $0x1  }
.Ltmp4:
0x152: {  	(pc) =	sbr.rel @p0 .LBB2_11-.Ltmp4, $3  }
0x153: {  	_ =	sdelay $0x1  }
0x154: {  	v1 =	vadd.s32 v0, v1  }
0x155: {  	[tilespmem:s0+$0x780] =	vst v1;
	s0 =	sshra.s32 s11, $0x2;
	s11 =	sadd.s32 $0x40, s11  }
0x156: {  	v1 =	vld [tilespmem:s0+$0x780];
	_ =	sdelay $0x4  }
0x157: {  	s17 =	smin.u32 s28, $0x62;
	v0 =	vadd.s32 v0, v1  }
0x158: {  	s11 =	simm.s32 $0x5A00;
	s12 =	simm.s32 $0x780;
	[tilespmem:s0+$0x780] =	vst v0;
	s0 =	sadd.s32 $0x5, s17  }
0x159: {  	[tilespmem:s11], [sflag:$0x6] =	stream.indirect.gather [hbm4b:s4+s13], $0x20, s12, s13, $0xb8;
	[tilespmem:$0x11200] =	vst v63  }
0x15a: {  	s14 =	simm.s32 $0x6A00;
	s15 =	simm.s32 $0x800;
	s11 =	smulhi.u32 $0x9D89D8A, s0  }
0x15b: {  	[tilespmem:s14], [sflag:$0x6] =	stream.indirect.gather [hbm4b:s4+s13], $0x20, s15, s13, $0xb8;
	[tilespmem:$0x11200] =	vst v63  }
0x15c: {  	s12 =	smul.u32 $0x1A, s11;
	s11 =	sshll.u32 s11, $0x5  }
0x15d: {  	s17 =	simm.s32 $0x7A00;
	s14 =	simm.s32 $0x880;
	s11 =	sadd.s32 s6, s11  }
0x15e: {  	[tilespmem:s17], [sflag:$0x6] =	stream.indirect.gather [hbm4b:s4+s13], $0x20, s14, s13, $0xb8;
	[tilespmem:$0x11200] =	vst v63  }
0x15f: {  	s0 =	ssub.s32 s0, s12;
	s11 =	smul.u32 $0x14, s11  }
0x160: {  	s15 =	simm.s32 $0x8A00;
	s17 =	simm.s32 $0x900;
	s0 =	smul.u32 $0x14000, s0  }
0x161: {  	[tilespmem:s15], [sflag:$0x6] =	stream.indirect.gather [hbm4b:s4+s13], $0x20, s17, s13, $0xb8;
	[tilespmem:$0x11200] =	vst v63  }
0x162: {  	s15 =	simm.s32 $0x9A00;
	s17 =	simm.s32 $0x980;
	s0 =	sadd.s32 s0, s11  }
0x163: {  	[tilespmem:s15], [sflag:$0x6] =	stream.indirect.gather [hbm4b:s4+s13], $0x20, s17, s13, $0xb8;
	[tilespmem:$0x11200] =	vst v63  }
0x164: {  	s0 =	sshrl.u32 s0, $0x3  }
0x165: {  	s17 =	simm.s32 $0x280;
	s0 =	sadd.s32 s5, s0  }
0x166: {  	[tilespmem:s17], [sflag:$0x2] =	stream.linear.gather [hbm4b:s0+s3], $0x280, $0x38;
	[tilespmem:$0x11200] =	vst v63  }
0x167: {  	_ =	swait.ge [sflag:s8], $0x1000  }
0x168: {  	[sflag:s8] =	ssyncset.done $0x0  }
0x169: {  	[sflag:s8] =	ssyncadd.s32 $0xFFFFF000  }
0x16a: {  	_ =	swait.ge [sflag:s8], $0x1000  }
0x16b: {  	[sflag:s8] =	ssyncset.done $0x0  }
0x16c: {  	[sflag:s8] =	ssyncadd.s32 $0xFFFFF000  }
0x16d: {  	_ =	swait.ge [sflag:s8], $0x1000  }
0x16e: {  	[sflag:s8] =	ssyncset.done $0x0  }
0x16f: {  	[sflag:s8] =	ssyncadd.s32 $0xFFFFF000  }
0x170: {  	_ =	swait.ge [sflag:s8], $0x1000  }
0x171: {  	[sflag:s8] =	ssyncset.done $0x0  }
0x172: {  	[sflag:s8] =	ssyncadd.s32 $0xFFFFF000  }
0x173: {  	_ =	swait.ge [sflag:s8], $0x1000  }
0x174: {  	[sflag:s8] =	ssyncset.done $0x0  }
0x175: {  	s0 =	simm.s32 $0xB40;
	[sflag:s8] =	ssyncadd.s32 $0xFFFFF000  }
0x176: {  	v6 =	vld [tilespmem:s0+$0xC0]  }
0x177: {  	v8 =	vld [tilespmem:s0+$0xE0]  }
0x178: {  	v5 =	vld [tilespmem:s0+$0x100]  }
0x179: {  	v7 =	vld [tilespmem:s0+$0x120]  }
0x17a: {  	v1 =	vld [tilespmem:s0+$0x130]  }
0x17b: {  	v2 =	vld [tilespmem:s0+$0x110]  }
0x17c: {  	v23 =	vld [tilespmem:s0+$0x40]  }
0x17d: {  	v24 =	vld [tilespmem:s0+$0x60]  }
0x17e: {  	v11 =	vld [tilespmem:s0+$0x80]  }
0x17f: {  	v12 =	vld [tilespmem:s0+$0xA0]  }
0x180: {  	v3 =	vld [tilespmem:s0+$0xB0]  }
0x181: {  	v4 =	vld [tilespmem:s0+$0x90]  }
0x182: {  	v0 =	vld [tilespmem:s0+$0xFFFFFFC0]  }
0x183: {  	v18 =	vld [tilespmem:s0+$0xFFFFFFE0]  }
0x184: {  	v20 =	vld [tilespmem:s0+$0x0]  }
0x185: {  	v22 =	vld [tilespmem:s0+$0x20]  }
0x186: {  	v9 =	vld [tilespmem:s0+$0x30]  }
0x187: {  	v10 =	vld [tilespmem:s0+$0x10]  }
0x188: {  	v16 =	vld [tilespmem:s0+$0xFFFFFF40]  }
0x189: {  	v17 =	vld [tilespmem:s0+$0xFFFFFEC0]  }
0x18a: {  	v19 =	vld [tilespmem:s0+$0xFFFFFEE0]  }
0x18b: {  	v21 =	vld [tilespmem:s0+$0xFFFFFF60]  }
0x18c: {  	v25 =	vld [tilespmem:s0+$0xFFFFFF00]  }
0x18d: {  	v26 =	vld [tilespmem:s0+$0xFFFFFF80]  }
0x18e: {  	v27 =	vld [tilespmem:s0+$0xFFFFFF20]  }
0x18f: {  	v28 =	vld [tilespmem:s0+$0xFFFFFFA0]  }
0x190: {  	v14 =	vld [tilespmem:s0+$0xFFFFFFB0]  }
0x191: {  	v15 =	vld [tilespmem:s0+$0xFFFFFF90]  }
0x192: {  	v13 =	vld [tilespmem:s0+$0xFFFFFF70]  }
0x193: {  	v29 =	vadd.f32 v16, v17;
	v16 =	vld [tilespmem:s0+$0xFFFFFF50];
	v21 =	vadd.f32 v21, v19  }
0x194: {  	v17 =	vld [tilespmem:s0+$0xFFFFFF30];
	v25 =	vadd.f32 v26, v25;
	v26 =	vadd.f32 v28, v27  }
0x195: {  	v19 =	vld [tilespmem:s0+$0xFFFFFF10];
	v27 =	vadd.f32 v0, v29;
	v63 =	vadd.f32 v18, v21  }
0x196: {  	v18 =	vld [tilespmem:s0+$0xFFFFFEF0];
	v21 =	vadd.f32 v20, v25;
	v22 =	vadd.f32 v22, v26  }
0x197: {  	s12 =	simm.s32 $0xFFFE6D00;
	s11 =	simm.s32 $0xFFFE6000;
	v0 =	vmov s30;
	v20 =	vld [tilespmem:s0+$0xFFFFFED0];
	v23 =	vadd.f32 v23, v27;
	v24 =	vadd.f32 v24, v63  }
.LBB2_13:
0x198: {  	p0 =	sne.s32 s12, $0xFFFFF300;
	v25 =	vld [tilespmem:s0+$0xFFFFFFF0];
	v11 =	vadd.f32 v11, v21;
	v12 =	vadd.f32 v12, v22  }
0x199: {  	v21 =	vld [tilespmem:s0+$0xFFFFFFD0];
	v6 =	vadd.f32 v6, v23;
	v8 =	vadd.f32 v8, v24  }
0x19a: {  	v22 =	vld [tilespmem:s0+$0x70];
	v5 =	vadd.f32 v5, v11;
	v7 =	vadd.f32 v7, v12  }
0x19b: {  	v11 =	vadd.f32 v15, v19;
	v12 =	vadd.f32 v14, v17;
	v14 =	vld [tilespmem:s0+$0x50]  }
0x19c: {  	v13 =	vadd.f32 v13, v18;
	v15 =	vadd.f32 v16, v20;
	v16 =	vld [tilespmem:s0+$0xF0]  }
0x19d: {  	v10 =	vadd.f32 v10, v11;
	v9 =	vadd.f32 v9, v12;
	v11 =	vld [tilespmem:s0+$0xD0]  }
0x19e: {  	v13 =	vadd.f32 v25, v13;
	v12 =	vadd.f32 v21, v15  }
0x19f: {  	v4 =	vadd.f32 v4, v10;
	v3 =	vadd.f32 v3, v9  }
0x1a0: {  	v10 =	vadd.f32 v22, v13;
	v9 =	vadd.f32 v14, v12  }
0x1a1: {  	v2 =	vadd.f32 v2, v4;
	v1 =	vadd.f32 v1, v3  }
0x1a2: {  	v4 =	vadd.f32 v16, v10;
	v3 =	vadd.f32 v11, v9  }
0x1a3: {  	v6 =	vadd.f32 v8, v6;
	v5 =	vadd.f32 v7, v5  }
0x1a4: {  	v1 =	vadd.f32 v1, v2;
	v3 =	vadd.f32 v4, v3  }
0x1a5: {  	v2 =	vadd.f32 v5, v6  }
0x1a6: {  	s14 =	sshra.s32 s11, $0x2;
	s11 =	smov.u32 s12;
	v1 =	vadd.f32 v1, v3  }
0x1a7: {  	[tilespmem:v0+s14+$0x6840 ss:$0x1] =	vst.idx.msk $0xffff, v2  }
0x1a8: {  	s0 =	sadd.s32 $0x280, s0;
	[tilespmem:v0+s14+$0x6850 ss:$0x1] =	vst.idx.msk $0xffff, v1  }
0x1a9: {  	v6 =	vld [tilespmem:s0+$0xC0]  }
0x1aa: {  	v8 =	vld [tilespmem:s0+$0xE0]  }
0x1ab: {  	v5 =	vld [tilespmem:s0+$0x100]  }
0x1ac: {  	v7 =	vld [tilespmem:s0+$0x120]  }
0x1ad: {  	v1 =	vld [tilespmem:s0+$0x130]  }
0x1ae: {  	v2 =	vld [tilespmem:s0+$0x110]  }
0x1af: {  	v23 =	vld [tilespmem:s0+$0x40]  }
0x1b0: {  	v24 =	vld [tilespmem:s0+$0x60]  }
0x1b1: {  	v11 =	vld [tilespmem:s0+$0x80]  }
0x1b2: {  	v12 =	vld [tilespmem:s0+$0xA0]  }
0x1b3: {  	v3 =	vld [tilespmem:s0+$0xB0]  }
0x1b4: {  	v4 =	vld [tilespmem:s0+$0x90]  }
0x1b5: {  	v18 =	vld [tilespmem:s0+$0xFFFFFFC0]  }
0x1b6: {  	v20 =	vld [tilespmem:s0+$0xFFFFFFE0]  }
0x1b7: {  	v21 =	vld [tilespmem:s0+$0x0]  }
0x1b8: {  	v22 =	vld [tilespmem:s0+$0x20]  }
0x1b9: {  	v9 =	vld [tilespmem:s0+$0x30]  }
0x1ba: {  	v10 =	vld [tilespmem:s0+$0x10]  }
0x1bb: {  	v16 =	vld [tilespmem:s0+$0xFFFFFF40]  }
0x1bc: {  	v17 =	vld [tilespmem:s0+$0xFFFFFEC0]  }
0x1bd: {  	v19 =	vld [tilespmem:s0+$0xFFFFFEE0]  }
0x1be: {  	v25 =	vld [tilespmem:s0+$0xFFFFFF60]  }
0x1bf: {  	v26 =	vld [tilespmem:s0+$0xFFFFFF00]  }
0x1c0: {  	v27 =	vld [tilespmem:s0+$0xFFFFFF80]  }
0x1c1: {  	v28 =	vld [tilespmem:s0+$0xFFFFFF20]  }
0x1c2: {  	v29 =	vld [tilespmem:s0+$0xFFFFFFA0]  }
0x1c3: {  	v14 =	vld [tilespmem:s0+$0xFFFFFFB0]  }
0x1c4: {  	v15 =	vld [tilespmem:s0+$0xFFFFFF90]  }
0x1c5: {  	v13 =	vld [tilespmem:s0+$0xFFFFFF70]  }
.Ltmp5:
0x1c6: {  	v30 =	vadd.f32 v16, v17;
	v25 =	vadd.f32 v25, v19;
	v16 =	vld [tilespmem:s0+$0xFFFFFF50];
	(pc) =	sbr.rel @p0 .LBB2_13-.Ltmp5, $4  }
0x1c7: {  	v26 =	vadd.f32 v27, v26;
	v17 =	vld [tilespmem:s0+$0xFFFFFF30];
	v27 =	vadd.f32 v29, v28  }
0x1c8: {  	v25 =	vadd.f32 v20, v25;
	v28 =	vadd.f32 v18, v30;
	v19 =	vld [tilespmem:s0+$0xFFFFFF10]  }
0x1c9: {  	v21 =	vadd.f32 v21, v26;
	v18 =	vld [tilespmem:s0+$0xFFFFFEF0];
	v22 =	vadd.f32 v22, v27  }
0x1ca: {  	s12 =	sadd.s32 $0xD00, s12;
	v24 =	vadd.f32 v24, v25;
	v23 =	vadd.f32 v23, v28;
	v20 =	vld [tilespmem:s0+$0xFFFFFED0]  }
0x1cb: {  	v25 =	vld [tilespmem:s0+$0xFFFFFFF0];
	v11 =	vadd.f32 v11, v21;
	v12 =	vadd.f32 v12, v22  }
0x1cc: {  	v52 =	vld [tilespmem:s0+$0xFFFFFFD0];
	v6 =	vadd.f32 v6, v23;
	v8 =	vadd.f32 v8, v24  }
0x1cd: {  	v53 =	vld [tilespmem:s0+$0x70];
	v55 =	vadd.f32 v14, v17;
	v5 =	vadd.f32 v5, v11  }
0x1ce: {  	v56 =	vld [tilespmem:s0+$0x50];
	v7 =	vadd.f32 v7, v12;
	v54 =	vadd.f32 v15, v19  }
0x1cf: {  	v58 =	vld [tilespmem:s0+$0xF0];
	v13 =	vadd.f32 v13, v18;
	v57 =	vadd.f32 v16, v20  }
0x1d0: {  	v59 =	vld [tilespmem:s0+$0xD0];
	v9 =	vadd.f32 v9, v55;
	v10 =	vadd.f32 v10, v54  }
0x1d1: {  	v13 =	vadd.f32 v25, v13;
	v60 =	vadd.f32 v52, v57  }
0x1d2: {  	v3 =	vadd.f32 v3, v9;
	v4 =	vadd.f32 v4, v10  }
0x1d3: {  	v62 =	vadd.f32 v53, v13;
	v61 =	vadd.f32 v56, v60  }
0x1d4: {  	v1 =	vadd.f32 v1, v3;
	v2 =	vadd.f32 v2, v4  }
0x1d5: {  	v63 =	vadd.f32 v58, v62;
	v3 =	vadd.f32 v59, v61  }
0x1d6: {  	v6 =	vadd.f32 v8, v6;
	v5 =	vadd.f32 v7, v5  }
0x1d7: {  	v1 =	vadd.f32 v1, v2;
	v3 =	vadd.f32 v63, v3  }
0x1d8: {  	v2 =	vadd.f32 v5, v6  }
0x1d9: {  	s15 =	sshra.s32 s11, $0x2;
	v1 =	vadd.f32 v1, v3  }
0x1da: {  	[tilespmem:v0+s15+$0x6840 ss:$0x1] =	vst.idx.msk $0xffff, v2  }
0x1db: {  	[tilespmem:v0+s15+$0x6850 ss:$0x1] =	vst.idx.msk $0xffff, v1  }
0x1dc: {  	s30 =	smul.u32 $0x186A0, s1;
	_ =	swait.ge [sflag:s10], $0x280  }
0x1dd: {  	[sflag:s10] =	ssyncset.done $0x0  }
0x1de: {  	s0 =	simm.s32 $0x0;
	s1 =	simm.s32 $0x40;
	v0 =	vmov s30;
	[sflag:s10] =	ssyncadd.s32 $0xFFFFFD80  }
.LBB2_15:
0x1df: {  	p0 =	sne.s32 s1, $0x9C0;
	v1 =	vld [tilespmem:s0+$0x0];
	_ =	sdelay $0x1  }
.Ltmp6:
0x1e0: {  	(pc) =	sbr.rel @p0 .LBB2_15-.Ltmp6, $3  }
0x1e1: {  	_ =	sdelay $0x1  }
0x1e2: {  	v1 =	vadd.s32 v0, v1  }
0x1e3: {  	[tilespmem:s0+$0x0] =	vst v1;
	s0 =	sshra.s32 s1, $0x2;
	s1 =	sadd.s32 $0x40, s1  }
0x1e4: {  	v1 =	vld [tilespmem:s0+$0x0];
	_ =	sdelay $0x4  }
0x1e5: {  	s14 =	smin.u32 s28, $0x61;
	v0 =	vadd.s32 v0, v1  }
0x1e6: {  	s1 =	simm.s32 $0xA00;
	[tilespmem:s0+$0x0] =	vst v0;
	s0 =	sadd.s32 $0x6, s14  }
0x1e7: {  	[tilespmem:s1], [sflag:$0x5] =	stream.indirect.gather [hbm4b:s4+s13], $0x20, s3, s13, $0xb8;
	[tilespmem:$0x11200] =	vst v63  }
0x1e8: {  	s15 =	simm.s32 $0x1A00;
	s28 =	smulhi.u32 $0x9D89D8A, s0  }
0x1e9: {  	[tilespmem:s15], [sflag:$0x5] =	stream.indirect.gather [hbm4b:s4+s13], $0x20, s13, s13, $0xb8;
	[tilespmem:$0x11200] =	vst v63  }
0x1ea: {  	s11 =	simm.s32 $0x100;
	s1 =	sshll.u32 s28, $0x5  }
0x1eb: {  	s12 =	simm.s32 $0x2A00;
	s30 =	smul.u32 $0x1A, s28;
	s1 =	sadd.s32 s6, s1  }
0x1ec: {  	[tilespmem:s12], [sflag:$0x5] =	stream.indirect.gather [hbm4b:s4+s13], $0x20, s11, s13, $0xb8;
	[tilespmem:$0x11200] =	vst v63  }
0x1ed: {  	s0 =	ssub.s32 s0, s30;
	s1 =	smul.u32 $0x14, s1  }
0x1ee: {  	s14 =	simm.s32 $0x3A00;
	s15 =	simm.s32 $0x180;
	s0 =	smul.u32 $0x14000, s0  }
0x1ef: {  	[tilespmem:s14], [sflag:$0x5] =	stream.indirect.gather [hbm4b:s4+s13], $0x20, s15, s13, $0xb8;
	[tilespmem:$0x11200] =	vst v63  }
0x1f0: {  	s28 =	simm.s32 $0x200;
	s0 =	sadd.s32 s0, s1  }
0x1f1: {  	[tilespmem:s21], [sflag:$0x5] =	stream.indirect.gather [hbm4b:s4+s13], $0x20, s28, s13, $0xb8;
	[tilespmem:$0x11200] =	vst v63  }
0x1f2: {  	s0 =	sshrl.u32 s0, $0x3  }
0x1f3: {  	s30 =	simm.s32 $0x500;
	s0 =	sadd.s32 s5, s0  }
0x1f4: {  	[tilespmem:s30], [sflag:$0x3] =	stream.linear.gather [hbm4b:s0+s3], $0x280, $0x38;
	[tilespmem:$0x11200] =	vst v63  }
0x1f5: {  	_ =	swait.ge [sflag:s29], $0x1000  }
0x1f6: {  	[sflag:s29] =	ssyncset.done $0x0  }
0x1f7: {  	[sflag:s29] =	ssyncadd.s32 $0xFFFFF000  }
0x1f8: {  	_ =	swait.ge [sflag:s29], $0x1000  }
0x1f9: {  	[sflag:s29] =	ssyncset.done $0x0  }
0x1fa: {  	[sflag:s29] =	ssyncadd.s32 $0xFFFFF000  }
0x1fb: {  	_ =	swait.ge [sflag:s29], $0x1000  }
0x1fc: {  	[sflag:s29] =	ssyncset.done $0x0  }
0x1fd: {  	[sflag:s29] =	ssyncadd.s32 $0xFFFFF000  }
0x1fe: {  	_ =	swait.ge [sflag:s29], $0x1000  }
0x1ff: {  	[sflag:s29] =	ssyncset.done $0x0  }
0x200: {  	[sflag:s29] =	ssyncadd.s32 $0xFFFFF000  }
0x201: {  	_ =	swait.ge [sflag:s29], $0x1000  }
0x202: {  	[sflag:s29] =	ssyncset.done $0x0  }
0x203: {  	s0 =	simm.s32 $0x5B40;
	[sflag:s29] =	ssyncadd.s32 $0xFFFFF000  }
0x204: {  	v6 =	vld [tilespmem:s0+$0xC0]  }
0x205: {  	v8 =	vld [tilespmem:s0+$0xE0]  }
0x206: {  	v5 =	vld [tilespmem:s0+$0x100]  }
0x207: {  	v7 =	vld [tilespmem:s0+$0x120]  }
0x208: {  	v1 =	vld [tilespmem:s0+$0x130]  }
0x209: {  	v2 =	vld [tilespmem:s0+$0x110]  }
0x20a: {  	v23 =	vld [tilespmem:s0+$0x40]  }
0x20b: {  	v24 =	vld [tilespmem:s0+$0x60]  }
0x20c: {  	v11 =	vld [tilespmem:s0+$0x80]  }
0x20d: {  	v12 =	vld [tilespmem:s0+$0xA0]  }
0x20e: {  	v3 =	vld [tilespmem:s0+$0xB0]  }
0x20f: {  	v4 =	vld [tilespmem:s0+$0x90]  }
0x210: {  	v0 =	vld [tilespmem:s0+$0xFFFFFFC0]  }
0x211: {  	v18 =	vld [tilespmem:s0+$0xFFFFFFE0]  }
0x212: {  	v20 =	vld [tilespmem:s0+$0x0]  }
0x213: {  	v22 =	vld [tilespmem:s0+$0x20]  }
0x214: {  	v9 =	vld [tilespmem:s0+$0x30]  }
0x215: {  	v10 =	vld [tilespmem:s0+$0x10]  }
0x216: {  	v16 =	vld [tilespmem:s0+$0xFFFFFF40]  }
0x217: {  	v17 =	vld [tilespmem:s0+$0xFFFFFEC0]  }
0x218: {  	v19 =	vld [tilespmem:s0+$0xFFFFFEE0]  }
0x219: {  	v21 =	vld [tilespmem:s0+$0xFFFFFF60]  }
0x21a: {  	v25 =	vld [tilespmem:s0+$0xFFFFFF00]  }
0x21b: {  	v26 =	vld [tilespmem:s0+$0xFFFFFF80]  }
0x21c: {  	v27 =	vld [tilespmem:s0+$0xFFFFFF20]  }
0x21d: {  	v28 =	vld [tilespmem:s0+$0xFFFFFFA0]  }
0x21e: {  	v14 =	vld [tilespmem:s0+$0xFFFFFFB0]  }
0x21f: {  	v15 =	vld [tilespmem:s0+$0xFFFFFF90]  }
0x220: {  	v13 =	vld [tilespmem:s0+$0xFFFFFF70]  }
0x221: {  	v29 =	vadd.f32 v16, v17;
	v16 =	vld [tilespmem:s0+$0xFFFFFF50];
	v21 =	vadd.f32 v21, v19  }
0x222: {  	v17 =	vld [tilespmem:s0+$0xFFFFFF30];
	v25 =	vadd.f32 v26, v25;
	v26 =	vadd.f32 v28, v27  }
0x223: {  	v19 =	vld [tilespmem:s0+$0xFFFFFF10];
	v27 =	vadd.f32 v0, v29;
	v63 =	vadd.f32 v18, v21  }
0x224: {  	v18 =	vld [tilespmem:s0+$0xFFFFFEF0];
	v21 =	vadd.f32 v20, v25;
	v22 =	vadd.f32 v22, v26  }
0x225: {  	s11 =	simm.s32 $0xFFFE6D00;
	s1 =	simm.s32 $0xFFFE6000;
	v0 =	vmov s25;
	v20 =	vld [tilespmem:s0+$0xFFFFFED0];
	v23 =	vadd.f32 v23, v27;
	v24 =	vadd.f32 v24, v63  }
.LBB2_17:
0x226: {  	p0 =	sne.s32 s11, $0xFFFFF300;
	v25 =	vld [tilespmem:s0+$0xFFFFFFF0];
	v11 =	vadd.f32 v11, v21;
	v12 =	vadd.f32 v12, v22  }
0x227: {  	v21 =	vld [tilespmem:s0+$0xFFFFFFD0];
	v6 =	vadd.f32 v6, v23;
	v8 =	vadd.f32 v8, v24  }
0x228: {  	v22 =	vld [tilespmem:s0+$0x70];
	v5 =	vadd.f32 v5, v11;
	v7 =	vadd.f32 v7, v12  }
0x229: {  	v11 =	vadd.f32 v15, v19;
	v12 =	vadd.f32 v14, v17;
	v14 =	vld [tilespmem:s0+$0x50]  }
0x22a: {  	v13 =	vadd.f32 v13, v18;
	v15 =	vadd.f32 v16, v20;
	v16 =	vld [tilespmem:s0+$0xF0]  }
0x22b: {  	v10 =	vadd.f32 v10, v11;
	v9 =	vadd.f32 v9, v12;
	v11 =	vld [tilespmem:s0+$0xD0]  }
0x22c: {  	v13 =	vadd.f32 v25, v13;
	v12 =	vadd.f32 v21, v15  }
0x22d: {  	v4 =	vadd.f32 v4, v10;
	v3 =	vadd.f32 v3, v9  }
0x22e: {  	v10 =	vadd.f32 v22, v13;
	v9 =	vadd.f32 v14, v12  }
0x22f: {  	v2 =	vadd.f32 v2, v4;
	v1 =	vadd.f32 v1, v3  }
0x230: {  	v4 =	vadd.f32 v16, v10;
	v3 =	vadd.f32 v11, v9  }
0x231: {  	v6 =	vadd.f32 v8, v6;
	v5 =	vadd.f32 v7, v5  }
0x232: {  	v1 =	vadd.f32 v1, v2;
	v3 =	vadd.f32 v4, v3  }
0x233: {  	v2 =	vadd.f32 v5, v6  }
0x234: {  	s12 =	sshra.s32 s1, $0x2;
	s1 =	smov.u32 s11;
	v1 =	vadd.f32 v1, v3  }
0x235: {  	[tilespmem:v0+s12+$0x6860 ss:$0x1] =	vst.idx.msk $0xffff, v2  }
0x236: {  	s0 =	sadd.s32 $0x280, s0;
	[tilespmem:v0+s12+$0x6870 ss:$0x1] =	vst.idx.msk $0xffff, v1  }
0x237: {  	v6 =	vld [tilespmem:s0+$0xC0]  }
0x238: {  	v8 =	vld [tilespmem:s0+$0xE0]  }
0x239: {  	v5 =	vld [tilespmem:s0+$0x100]  }
0x23a: {  	v7 =	vld [tilespmem:s0+$0x120]  }
0x23b: {  	v1 =	vld [tilespmem:s0+$0x130]  }
0x23c: {  	v2 =	vld [tilespmem:s0+$0x110]  }
0x23d: {  	v23 =	vld [tilespmem:s0+$0x40]  }
0x23e: {  	v24 =	vld [tilespmem:s0+$0x60]  }
0x23f: {  	v11 =	vld [tilespmem:s0+$0x80]  }
0x240: {  	v12 =	vld [tilespmem:s0+$0xA0]  }
0x241: {  	v3 =	vld [tilespmem:s0+$0xB0]  }
0x242: {  	v4 =	vld [tilespmem:s0+$0x90]  }
0x243: {  	v18 =	vld [tilespmem:s0+$0xFFFFFFC0]  }
0x244: {  	v20 =	vld [tilespmem:s0+$0xFFFFFFE0]  }
0x245: {  	v21 =	vld [tilespmem:s0+$0x0]  }
0x246: {  	v22 =	vld [tilespmem:s0+$0x20]  }
0x247: {  	v9 =	vld [tilespmem:s0+$0x30]  }
0x248: {  	v10 =	vld [tilespmem:s0+$0x10]  }
0x249: {  	v16 =	vld [tilespmem:s0+$0xFFFFFF40]  }
0x24a: {  	v17 =	vld [tilespmem:s0+$0xFFFFFEC0]  }
0x24b: {  	v19 =	vld [tilespmem:s0+$0xFFFFFEE0]  }
0x24c: {  	v25 =	vld [tilespmem:s0+$0xFFFFFF60]  }
0x24d: {  	v26 =	vld [tilespmem:s0+$0xFFFFFF00]  }
0x24e: {  	v27 =	vld [tilespmem:s0+$0xFFFFFF80]  }
0x24f: {  	v28 =	vld [tilespmem:s0+$0xFFFFFF20]  }
0x250: {  	v29 =	vld [tilespmem:s0+$0xFFFFFFA0]  }
0x251: {  	v14 =	vld [tilespmem:s0+$0xFFFFFFB0]  }
0x252: {  	v15 =	vld [tilespmem:s0+$0xFFFFFF90]  }
0x253: {  	v13 =	vld [tilespmem:s0+$0xFFFFFF70]  }
.Ltmp7:
0x254: {  	v30 =	vadd.f32 v16, v17;
	v25 =	vadd.f32 v25, v19;
	v16 =	vld [tilespmem:s0+$0xFFFFFF50];
	(pc) =	sbr.rel @p0 .LBB2_17-.Ltmp7, $4  }
0x255: {  	v26 =	vadd.f32 v27, v26;
	v17 =	vld [tilespmem:s0+$0xFFFFFF30];
	v27 =	vadd.f32 v29, v28  }
0x256: {  	v25 =	vadd.f32 v20, v25;
	v28 =	vadd.f32 v18, v30;
	v19 =	vld [tilespmem:s0+$0xFFFFFF10]  }
0x257: {  	v21 =	vadd.f32 v21, v26;
	v18 =	vld [tilespmem:s0+$0xFFFFFEF0];
	v22 =	vadd.f32 v22, v27  }
0x258: {  	s11 =	sadd.s32 $0xD00, s11;
	v24 =	vadd.f32 v24, v25;
	v23 =	vadd.f32 v23, v28;
	v20 =	vld [tilespmem:s0+$0xFFFFFED0]  }
0x259: {  	v25 =	vld [tilespmem:s0+$0xFFFFFFF0];
	v11 =	vadd.f32 v11, v21;
	v12 =	vadd.f32 v12, v22  }
0x25a: {  	v50 =	vld [tilespmem:s0+$0xFFFFFFD0];
	v6 =	vadd.f32 v6, v23;
	v8 =	vadd.f32 v8, v24  }
0x25b: {  	v51 =	vld [tilespmem:s0+$0x70];
	v53 =	vadd.f32 v14, v17;
	v5 =	vadd.f32 v5, v11  }
0x25c: {  	v54 =	vld [tilespmem:s0+$0x50];
	v7 =	vadd.f32 v7, v12;
	v52 =	vadd.f32 v15, v19  }
0x25d: {  	v56 =	vld [tilespmem:s0+$0xF0];
	v13 =	vadd.f32 v13, v18;
	v55 =	vadd.f32 v16, v20  }
0x25e: {  	v57 =	vld [tilespmem:s0+$0xD0];
	v9 =	vadd.f32 v9, v53;
	v10 =	vadd.f32 v10, v52  }
0x25f: {  	v13 =	vadd.f32 v25, v13;
	v58 =	vadd.f32 v50, v55  }
0x260: {  	v3 =	vadd.f32 v3, v9;
	v4 =	vadd.f32 v4, v10  }
0x261: {  	v60 =	vadd.f32 v51, v13;
	v59 =	vadd.f32 v54, v58  }
0x262: {  	v1 =	vadd.f32 v1, v3;
	v2 =	vadd.f32 v2, v4  }
0x263: {  	v62 =	vadd.f32 v56, v60;
	v61 =	vadd.f32 v57, v59  }
0x264: {  	v6 =	vadd.f32 v8, v6;
	v5 =	vadd.f32 v7, v5  }
0x265: {  	v1 =	vadd.f32 v1, v2;
	v3 =	vadd.f32 v62, v61  }
0x266: {  	p0 =	sne.s32 s2, $0x19;
	v63 =	vadd.f32 v5, v6  }
0x267: {  	s30 =	sshra.s32 s1, $0x2;
	s1 =	smul.u32 @!p0 $0x68, s23;
	v1 =	vadd.f32 v1, v3  }
0x268: {  	[tilespmem:v0+s30+$0x6860 ss:$0x1] =	vst.idx.msk $0xffff, v63  }
0x269: {  	s2 =	simm.s32 @!p0 $0xAA00;
	s0 =	sadd.s32 @!p0 s19, s1;
	s1 =	simm.s32 @!p0 $0x0;
	[tilespmem:v0+s30+$0x6870 ss:$0x1] =	vst.idx.msk $0xffff, v1  }
0x26a: {  	[hbm4b:s0+s1] =	stream.linear.scatter @!p0 [tilespmem:s2], [sflag:$0x7], $0x6800, $0x38;
	[tilespmem:$0x11200] =	vst v63  }
0x26b: {  	s0 =	simm.s32 @!p0 $0x7  }
0x26c: {  	_ =	swait.ge @!p0 [sflag:s0], $0x6800  }
0x26d: {  	s20 =	sadd.s32 $0x1, s20;
	[sflag:s0] =	ssyncset.done @!p0 $0x0  }
0x26e: {  	[sflag:s0] =	ssyncadd.s32 @!p0 $0xFFFF9800;
	p0 =	sne.s32 s20, $0x1A  }
.Ltmp8:
0x26f: {  	_ = 	snop;
	(pc) =	sbr.rel @p0 .LBB2_2-.Ltmp8, $3  }
0x270: {  	_ =	sdelay $0x1  }
0x271: {  	s7 =	sadd.s32 $0x80, s7;
	s18 =	sadd.s32 $0x4, s18  }
0x272: {  	s16 =	sadd.s32 $0x4, s16;
	s26 =	sadd.s32 $0x4, s26;
	s24 =	sadd.s32 $0x4, s24  }
0x273: {  	_ =	swait.ge [sflag:s8], $0x1000  }
0x274: {  	[sflag:s8] =	ssyncset.done $0x0  }
0x275: {  	[sflag:s8] =	ssyncadd.s32 $0xFFFFF000  }
0x276: {  	_ =	swait.ge [sflag:s8], $0x1000  }
0x277: {  	[sflag:s8] =	ssyncset.done $0x0  }
0x278: {  	[sflag:s8] =	ssyncadd.s32 $0xFFFFF000  }
0x279: {  	_ =	swait.ge [sflag:s8], $0x1000  }
0x27a: {  	[sflag:s8] =	ssyncset.done $0x0  }
0x27b: {  	[sflag:s8] =	ssyncadd.s32 $0xFFFFF000  }
0x27c: {  	_ =	swait.ge [sflag:s8], $0x1000  }
0x27d: {  	[sflag:s8] =	ssyncset.done $0x0  }
0x27e: {  	[sflag:s8] =	ssyncadd.s32 $0xFFFFF000  }
0x27f: {  	_ =	swait.ge [sflag:s8], $0x1000  }
0x280: {  	[sflag:s8] =	ssyncset.done $0x0  }
0x281: {  	[sflag:s8] =	ssyncadd.s32 $0xFFFFF000  }
0x282: {  	_ =	swait.ge [sflag:s22], $0x280  }
0x283: {  	[sflag:s22] =	ssyncset.done $0x0  }
0x284: {  	[sflag:s22] =	ssyncadd.s32 $0xFFFFFD80  }
0x285: {  	_ =	swait.ge [sflag:s9], $0x280  }
0x286: {  	s1 =	rddreg [dreg:$0x7]  }
0x287: {  	s0 =	rddreg [dreg:$0x6];
	s1 =	sadd.s32 $0x1, s1  }
0x288: {  	p0 =	sne.s32 s1, s0  }
.Ltmp9:
0x289: {  	_ = 	snop;
	(pc) =	sbr.rel @p0 .LBB2_1-.Ltmp9, $3  }
0x28a: {  	_ =	sdelay $0x1  }
0x28b: {  	[sflag:s9] =	ssyncset.done $0x0  }
0x28c: {  	[sflag:s9] =	ssyncadd.s32 $0xFFFFFD80  }
0x28d: {  	_ =	sfence.sel $0x180000  }
0x28e: {  	[bflag:$0x0] =	sbarrier.arrive $0xFFFF  }
0x28f: {  	_ =	strace $0x90000047  }
0x290: {  	s0 =	stileid.u32;
	[bflag:$0x2] =	sbarrier.arrive $0xFFFF  }
0x291: {  	p0 =	sne.s32 s0, $0x0;
	s0 =	rddreg [dreg:$0x2]  }
0x292: {  	s0 =	sadd.s32 @!p0 $0x100000, s0  }
0x293: {  	[sflag:s0] =	ssyncadd.tile.s32 @!p0 $0x1;
	_ =	shalt  }
.Lfunc_end2:
_tile_overlayer_lowered:
.L_overlay_start_2:
0x294: {  	(tag) =	ssettag $0x2  }
0x295: {  	s0 =	rddreg [dreg:$0x0];
	s2 =	stileid.u32  }
0x296: {  	s1 =	rddreg [dreg:$0x1];
	p0 =	sne.s32 s2, $0x0  }
0x297: {  	s3 =	rddreg [dreg:$0x2];
	[bflag:$0x3] =	sbarrier.arrive $0xFFFF;
	s2 =	simm.s32 @!p0 $0x1C07  }
0x298: {  	[timem:s3], [sflag:s2] =	dma.local @!p0 [hbm:s0], s1  }
0x299: {  	s0 =	simm.s32 @!p0 $0x7  }
0x29a: {  	_ =	swait.ge @!p0 [sflag:s0], s1  }
0x29b: {  	s1 =	ssub.s32 @!p0 $0x0, s1;
	[sflag:s0] =	ssyncset.done @!p0 $0x0  }
0x29c: {  	[sflag:s0] =	ssyncadd.s32 @!p0 s1  }
0x29d: {  	[bflag:$0x3] =	sbarrier.arrive $0xFFFF  }
0x29e: {  	_ =	shalt  }

</sc_bundles>
